<compile_context>
chip_gen: v7x
topology: tpu7x:2x2x1
jax: 0.10.2.dev20260603
libtpu: 0.0.44.dev20260713+nightly
codegen_flags: <defaults>
</compile_context>

<pallas_src>
import functools
import jax
import jax.numpy as jnp
from jax import lax
from jax.experimental import pallas as pl
from jax.experimental.pallas import tpu as pltpu
from jax.experimental.pallas import tpu_sc as plsc

Q = 256
M = 16384
D = 2048
K = 8
NREL = 51
BLK = 128
NBLK = M // BLK
MBLK = 1024
HI = jax.lax.Precision.DEFAULT


def _sim_body(rel_ref, fb_ref, simb_ref, bmax_ref):
    x = rel_ref[...]
    qn = x / (jnp.sqrt(jnp.sum(x * x, axis=-1, keepdims=True)) + 1e-12)
    f = fb_ref[...]
    fn = f / (jnp.sqrt(jnp.sum(f * f, axis=-1, keepdims=True)) + 1e-12)
    s = lax.dot_general(qn, fn, (((1,), (1,)), ((), ())),
                        preferred_element_type=jnp.float32, precision=HI)
    sb = s.reshape(Q, MBLK // BLK, BLK).transpose(1, 0, 2)
    simb_ref[...] = sb.reshape(MBLK // BLK * Q, BLK)
    bmax_ref[...] = jnp.max(sb, axis=2)


def _sim_blocked(rel_rep, fb_key):
    nsteps = M // MBLK
    return pl.pallas_call(
        _sim_body,
        grid=(nsteps,),
        in_specs=[
            pl.BlockSpec((Q, D), lambda i: (0, 0)),
            pl.BlockSpec((MBLK, D), lambda i: (i, 0)),
        ],
        out_specs=[
            pl.BlockSpec((MBLK // BLK * Q, BLK), lambda i: (i, 0)),
            pl.BlockSpec((MBLK // BLK, Q), lambda i: (i, 0)),
        ],
        out_shape=[
            jax.ShapeDtypeStruct((NBLK * Q, BLK), jnp.float32),
            jax.ShapeDtypeStruct((NBLK, Q), jnp.float32),
        ],
    )(rel_rep, fb_key)


def _bmaxT_body(bm_ref, out_ref):
    out_ref[...] = bm_ref[...].T


def _bmaxT(bmax_bq):
    return pl.pallas_call(
        _bmaxT_body,
        out_shape=jax.ShapeDtypeStruct((Q, NBLK), jnp.float32),
    )(bmax_bq)


def _qt_body(rel_ref, wq_ref, bq_ref, wk_ref, t_ref):
    qb = lax.dot_general(rel_ref[...], wq_ref[...], (((1,), (0,)), ((), ())),
                         preferred_element_type=jnp.float32,
                         precision=HI) + bq_ref[...]
    contrib = lax.dot_general(qb, wk_ref[...], (((1,), (1,)), ((), ())),
                              preferred_element_type=jnp.float32, precision=HI)

    @pl.when(pl.program_id(0) == 0)
    def _():
        t_ref[...] = contrib

    @pl.when(pl.program_id(0) > 0)
    def _():
        t_ref[...] = t_ref[...] + contrib


def _qt(rel_rep, wq, bq, wk, nblk=16):
    cb = D // nblk
    return pl.pallas_call(
        _qt_body,
        grid=(nblk,),
        in_specs=[
            pl.BlockSpec((Q, D), lambda i: (0, 0)),
            pl.BlockSpec((D, cb), lambda i: (0, i)),
            pl.BlockSpec((cb,), lambda i: (i,)),
            pl.BlockSpec((D, cb), lambda i: (0, i)),
        ],
        out_specs=pl.BlockSpec((Q, D), lambda i: (0, 0)),
        out_shape=jax.ShapeDtypeStruct((Q, D), jnp.float32),
    )(rel_rep, wq, bq, wk)


def _ptab2_body(e_ref, w1_ref, b1_ref, w2_ref, b2_ref, v_ref, o_ref, ptab_scr):
    @pl.when(pl.program_id(0) == 0)
    def _():
        h = jnp.maximum(
            lax.dot_general(e_ref[...], w1_ref[...], (((1,), (0,)), ((), ())),
                            preferred_element_type=jnp.float32, precision=HI)
            + b1_ref[...], 0.0)
        ptab_scr[...] = lax.dot_general(
            h, w2_ref[...], (((1,), (0,)), ((), ())),
            preferred_element_type=jnp.float32, precision=HI) + b2_ref[...]

    o_ref[...] = lax.dot_general(
        ptab_scr[...], v_ref[...], (((1,), (0,)), ((), ())),
        preferred_element_type=jnp.float32, precision=HI)


def _ptab2(rel_embed_w, w1, b1, w2, b2, vw, nblk=4):
    cb = D // nblk
    ed = rel_embed_w.shape[1]
    hd = w1.shape[1]
    return pl.pallas_call(
        _ptab2_body,
        grid=(nblk,),
        in_specs=[
            pl.BlockSpec((NREL, ed), lambda i: (0, 0)),
            pl.BlockSpec((ed, hd), lambda i: (0, 0)),
            pl.BlockSpec((1, hd), lambda i: (0, 0)),
            pl.BlockSpec((hd, D), lambda i: (0, 0)),
            pl.BlockSpec((1, D), lambda i: (0, 0)),
            pl.BlockSpec((D, cb), lambda i: (1, i)),
        ],
        out_specs=pl.BlockSpec((NREL, cb), lambda i: (0, i)),
        out_shape=jax.ShapeDtypeStruct((NREL, D), jnp.float32),
        scratch_shapes=[pltpu.VMEM((NREL, D), jnp.float32)],
    )(rel_embed_w, w1, b1[None, :], w2, b2[None, :], vw)


def _final_body(wk_ref, attn_ref, vals_ref, p2_ref, vtl_ref, bv_ref, rr_ref,
                o_ref):
    fx = lax.dot_general(wk_ref[...], vtl_ref[...], (((1,), (0,)), ((), ())),
                         preferred_element_type=jnp.float32, precision=HI)
    rids = lax.broadcasted_iota(jnp.int32, (Q, NREL), 1)
    attn = attn_ref[...]
    vals = vals_ref[...]
    wgt = jnp.zeros((Q, NREL), jnp.float32)
    for kk in range(K):
        wgt = wgt + attn[:, kk:kk + 1] * (vals[:, kk:kk + 1] == rids)
    fx = fx + lax.dot_general(wgt, p2_ref[...], (((1,), (0,)), ((), ())),
                              preferred_element_type=jnp.float32,
                              precision=HI) + bv_ref[...]
    rr = rr_ref[...]
    o_ref[...] = jnp.maximum(fx + rr, 0.0) - (fx - rr) ** 2


def _final(wk, attn, vals, ptab2, vw, vb, rel_rep, nblk=16):
    bn = D // nblk
    return pl.pallas_call(
        _final_body,
        grid=(nblk,),
        in_specs=[
            pl.BlockSpec((Q, D), lambda i: (0, 0)),
            pl.BlockSpec((Q, K), lambda i: (0, 0)),
            pl.BlockSpec((Q, K), lambda i: (0, 0)),
            pl.BlockSpec((NREL, bn), lambda i: (0, i)),
            pl.BlockSpec((D, bn), lambda i: (0, i)),
            pl.BlockSpec((bn,), lambda i: (i,)),
            pl.BlockSpec((Q, bn), lambda i: (0, i)),
        ],
        out_specs=pl.BlockSpec((Q, bn), lambda i: (0, i)),
        out_shape=jax.ShapeDtypeStruct((Q, D), jnp.float32),
    )(wk, attn, vals, ptab2, vw, vb, rel_rep)



_NW = 32
_QPW = Q // _NW
_NCH = BLK // 16
_SRV = 144
_NEG = float("-inf")
_SCALE = 1.0 / (float(D) ** 0.5)


def _lanes():
    return lax.iota(jnp.int32, 16)


def _merge_top16(pool_v, pool_i, ch, ids):
    c_desc, ci_desc = plsc.sort_key_val(ch, ids, descending=True)
    take = c_desc > pool_v
    nv = jnp.where(take, c_desc, pool_v)
    ni = jnp.where(take, ci_desc, pool_i)
    return plsc.sort_key_val(nv, ni, descending=False)


def _sc_retrieve_body(simb_hbm, bmax_hbm, fbk_hbm, fbv_hbm, t_hbm,
                      osim_hbm, ovals_hbm, oattn_hbm, wk_hbm,
                      fbval_v, bm8_v, surv_v, sidx_v, sblk_v, idx8_v,
                      rows2_v, t2_v, wk2_v, osim_v, ovals_v, oattn_v,
                      kcnt_s, semA, semB, semD, semW):
    wid = lax.axis_index("s") * 2 + lax.axis_index("c")
    q0 = wid * _QPW
    lanes = _lanes()
    low8 = lanes < 8
    pltpu.sync_copy(fbv_hbm, fbval_v)
    pltpu.sync_copy(bmax_hbm.at[pl.ds(q0, _QPW)], bm8_v)

    def produce(j, _):
        pool_v = jnp.full((16,), _NEG, jnp.float32)
        pool_i = jnp.zeros((16,), jnp.int32)
        for c in range(_NCH):
            ch = bm8_v[j, pl.ds(c * 16, 16)]
            pool_v, pool_i = _merge_top16(pool_v, pool_i, ch, lanes)
        m8 = jnp.max(jnp.where(lanes == 8, pool_v, _NEG))

        off = j * _SRV
        surv_v[pl.ds(off, 16)] = jnp.zeros((16,), jnp.int32)
        cnt = jnp.int32(0)
        for c in range(_NCH):
            ch = bm8_v[j, pl.ds(c * 16, 16)]
            msk = ch >= m8
            pos = off + cnt + plsc.cumsum(msk.astype(jnp.int32)) - 1
            plsc.store_scatter(surv_v, [pos], lanes + c * 16, mask=msk)
            cnt = cnt + jnp.sum(msk.astype(jnp.int32))
        kcnt_s[j] = jnp.minimum(cnt, 16)
        sidx_v[j, pl.ds(0, 16)] = surv_v[pl.ds(off, 16)] * Q + (q0 + j)
        pltpu.async_copy(simb_hbm.at[sidx_v.at[j]], sblk_v.at[j], semA)
        return 0

    lax.fori_loop(0, _QPW, produce, 0)

    def consume(j):
        pltpu.make_async_copy(simb_hbm.at[sidx_v.at[j]], sblk_v.at[j],
                              semA).wait()
        k = kcnt_s[j]

        def scan_block(s, carry):
            pool_v, pool_i, thresh = carry
            sb = surv_v[pl.ds(j * _SRV + s, 16)][0]
            for c in range(_NCH):
                ch = sblk_v[j, s, pl.ds(c * 16, 16)]
                ids = lanes + (sb * BLK + c * 16)

                def do_merge(args):
                    nv, ni = _merge_top16(args[0], args[1], ch, ids)
                    return nv, ni

                pool_v, pool_i = lax.cond(
                    jnp.any(ch > thresh), do_merge, lambda a: a,
                    (pool_v, pool_i))
                thresh = jnp.min(pool_v)
            return pool_v, pool_i, thresh

        pool_v = jnp.full((16,), _NEG, jnp.float32)
        pool_i = jnp.zeros((16,), jnp.int32)
        pool_v, pool_i, _ = lax.fori_loop(
            0, k, scan_block, (pool_v, pool_i, jnp.float32(_NEG)))

        top_v, top_i = plsc.sort_key_val(pool_v, pool_i, descending=True)
        plsc.store_scatter(osim_v, [j * K + lanes], top_v, mask=low8)
        plsc.store_scatter(idx8_v, [j * K + lanes], top_i, mask=low8)
        rv = plsc.load_gather(fbval_v, [top_i])
        plsc.store_scatter(ovals_v, [j * K + lanes], rv, mask=low8)

        jm = lax.rem(j, 2)
        pltpu.async_copy(fbk_hbm.at[idx8_v.at[pl.ds(j * K, K)]],
                         rows2_v.at[jm], semB)
        pltpu.async_copy(t_hbm.at[q0 + j], t2_v.at[jm], semD)

    def process(x):
        xm = lax.rem(x, 2)
        pltpu.make_async_copy(fbk_hbm.at[idx8_v.at[pl.ds(x * K, K)]],
                              rows2_v.at[xm], semB).wait()
        pltpu.make_async_copy(t_hbm.at[q0 + x], t2_v.at[xm], semD).wait()

        @pl.when(x >= 2)
        def _():
            pltpu.make_async_copy(wk2_v.at[xm], wk_hbm.at[q0 + x - 2],
                                  semW).wait()

        def dot_chunk(i, accs):
            tch = t2_v[xm, pl.ds(i * 16, 16)]
            return tuple(accs[kk] + rows2_v[xm, kk, pl.ds(i * 16, 16)] * tch
                         for kk in range(K))

        accs = lax.fori_loop(0, D // 16, dot_chunk,
                             tuple(jnp.zeros((16,), jnp.float32)
                                   for _ in range(K)))
        svec = jnp.full((16,), _NEG, jnp.float32)
        for kk in range(K):
            svec = jnp.where(lanes == kk, jnp.sum(accs[kk]), svec)
        mx = jnp.max(svec)
        e = jnp.exp((svec - mx) * _SCALE)
        attn = e / jnp.sum(e)
        plsc.store_scatter(oattn_v, [x * K + _lanes()], attn, mask=_lanes() < 8)
        aw = [jnp.sum(jnp.where(lanes == kk, attn, 0.0)) for kk in range(K)]

        def wsum_chunk(i, _):
            sl = pl.ds(i * 16, 16)
            acc_k = aw[0] * rows2_v[xm, 0, sl]
            for kk in range(1, K):
                acc_k = acc_k + aw[kk] * rows2_v[xm, kk, sl]
            wk2_v[xm, sl] = acc_k
            return 0

        lax.fori_loop(0, D // 16, wsum_chunk, 0)
        pltpu.async_copy(wk2_v.at[xm], wk_hbm.at[q0 + x], semW)

    def step(i, _):
        @pl.when(i < _QPW)
        def _():
            consume(i)

        @pl.when(i >= 1)
        def _():
            process(i - 1)
        return 0

    lax.fori_loop(0, _QPW + 1, step, 0)

    for x in (_QPW - 2, _QPW - 1):
        xm = x % 2
        pltpu.make_async_copy(wk2_v.at[xm], wk_hbm.at[q0 + x], semW).wait()

    pltpu.sync_copy(osim_v, osim_hbm.at[pl.ds(q0 * K, _QPW * K)])
    pltpu.sync_copy(ovals_v, ovals_hbm.at[pl.ds(q0 * K, _QPW * K)])
    pltpu.sync_copy(oattn_v, oattn_hbm.at[pl.ds(q0 * K, _QPW * K)])


def _sc_retrieve(simb, bmax, fb_key, fb_value, t):
    mesh = plsc.VectorSubcoreMesh(core_axis_name="c", subcore_axis_name="s")
    f = pl.kernel(
        _sc_retrieve_body,
        out_type=[
            jax.ShapeDtypeStruct((Q * K,), jnp.float32),
            jax.ShapeDtypeStruct((Q * K,), jnp.int32),
            jax.ShapeDtypeStruct((Q * K,), jnp.float32),
            jax.ShapeDtypeStruct((Q, D), jnp.float32),
        ],
        mesh=mesh,
        compiler_params=pltpu.CompilerParams(needs_layout_passes=False),
        scratch_types=[
            pltpu.VMEM((M,), jnp.int32),
            pltpu.VMEM((_QPW, NBLK), jnp.float32),
            pltpu.VMEM((_QPW * _SRV,), jnp.int32),
            pltpu.VMEM((_QPW, 16), jnp.int32),
            pltpu.VMEM((_QPW, 16, BLK), jnp.float32),
            pltpu.VMEM((_QPW * K,), jnp.int32),
            pltpu.VMEM((2, K, D), jnp.float32),
            pltpu.VMEM((2, D), jnp.float32),
            pltpu.VMEM((2, D), jnp.float32),
            pltpu.VMEM((_QPW * K,), jnp.float32),
            pltpu.VMEM((_QPW * K,), jnp.int32),
            pltpu.VMEM((_QPW * K,), jnp.float32),
            pltpu.SMEM((_QPW,), jnp.int32),
            pltpu.SemaphoreType.DMA,
            pltpu.SemaphoreType.DMA,
            pltpu.SemaphoreType.DMA,
            pltpu.SemaphoreType.DMA,
        ],
    )
    return f(simb, bmax, fb_key, fb_value, t)


def kernel(rel_rep, fb_key, fb_value, rel_embed_w, wpred_w1, wpred_b1,
           wpred_w2, wpred_b2, attn_q_w, attn_q_b, attn_k_w, attn_k_b,
           attn_v_w, attn_v_b):
    t = _qt(rel_rep, attn_q_w, attn_q_b, attn_k_w)
    simb, bmax_bq = _sim_blocked(rel_rep, fb_key)
    bmax = _bmaxT(bmax_bq)

    topk_sim_f, ret_vals_f, attn_f, wk = _sc_retrieve(
        simb, bmax, fb_key, fb_value, t)
    topk_sim = topk_sim_f.reshape(Q, K)
    ret_vals = ret_vals_f.reshape(Q, K)
    attn = attn_f.reshape(Q, K)

    ptab2 = _ptab2(rel_embed_w, wpred_w1, wpred_b1, wpred_w2, wpred_b2,
                   attn_v_w)
    out = _final(wk, attn, ret_vals, ptab2, attn_v_w, attn_v_b, rel_rep)
    return out, topk_sim, ret_vals

# --- scband reference (transcript-rebuilt; emitter-appended) ---
"""Pipeline reference for scband-re-tagpenet-86861418594451 (READ-ONLY COPY).

The authoritative reference and input builder live on the scoring server;
editing this copy changes nothing except your own understanding.
"""

import jax, jax.numpy as jnp
import numpy as np

MLP_DIM = 2048
EMBED_DIM = 300
NUM_REL = 51
K_RETRIEVE = 8
Q = 256
M = 16384


def setup_inputs(seed: int = 0) -> dict:
    key = jax.random.key(seed)
    ks = jax.random.split(key, 14)
    inp = {}
    inp['rel_rep'] = jax.random.normal(ks[0], (Q, MLP_DIM), jnp.float32)
    inp['fb_key'] = jax.random.normal(ks[1], (M, MLP_DIM), jnp.float32)
    inp['fb_value'] = jax.random.randint(ks[2], (M,), 0, NUM_REL)
    inp['rel_embed_w'] = jax.random.normal(ks[3], (NUM_REL, EMBED_DIM), jnp.float32) * 0.02
    inp['wpred_w1'] = jax.random.normal(ks[4], (EMBED_DIM, MLP_DIM // 2), jnp.float32) * 0.02
    inp['wpred_b1'] = jnp.zeros((MLP_DIM // 2,), jnp.float32)
    inp['wpred_w2'] = jax.random.normal(ks[5], (MLP_DIM // 2, MLP_DIM), jnp.float32) * 0.02
    inp['wpred_b2'] = jnp.zeros((MLP_DIM,), jnp.float32)
    inp['attn_q_w'] = jax.random.normal(ks[6], (MLP_DIM, MLP_DIM), jnp.float32) * 0.02
    inp['attn_q_b'] = jnp.zeros((MLP_DIM,), jnp.float32)
    inp['attn_k_w'] = jax.random.normal(ks[7], (MLP_DIM, MLP_DIM), jnp.float32) * 0.02
    inp['attn_k_b'] = jnp.zeros((MLP_DIM,), jnp.float32)
    inp['attn_v_w'] = jax.random.normal(ks[8], (MLP_DIM * 2, MLP_DIM * 2), jnp.float32) * 0.02
    inp['attn_v_b'] = jnp.zeros((MLP_DIM * 2,), jnp.float32)
    return inp


def _l2norm(x):
    return x / (jnp.linalg.norm(x, axis=-1, keepdims=True) + 1e-12)


def reference(rel_rep, fb_key, fb_value, rel_embed_w, wpred_w1, wpred_b1, wpred_w2, wpred_b2,
              attn_q_w, attn_q_b, attn_k_w, attn_k_b, attn_v_w, attn_v_b):
    # --- retrieval: cosine kNN over the feature bank (featurebank_key_array_norm) ---
    sim = _l2norm(rel_rep) @ _l2norm(fb_key).T               # [Q, M]
    topk_sim, topk_idx = jax.lax.top_k(sim, K_RETRIEVE)       # [Q, K]
    ret_keys = jnp.take(fb_key, topk_idx, axis=0)             # [Q, K, D] gather
    ret_vals = jnp.take(fb_value, topk_idx, axis=0)           # [Q, K] predicate labels
    # --- embed retrieved predicate labels: rel_embed then W_pred (2-layer MLP) ---
    val_emb = jnp.take(rel_embed_w, ret_vals, axis=0)         # [Q, K, 300]
    h = jax.nn.relu(val_emb @ wpred_w1 + wpred_b1)
    pred_emb = h @ wpred_w2 + wpred_b2                        # [Q, K, D]
    # --- retrieval fusion attention (fusion_attn_q/k/v) ---
    q = rel_rep @ attn_q_w + attn_q_b                         # [Q, D]
    kk = ret_keys @ attn_k_w + attn_k_b                       # [Q, K, D]
    v_in = jnp.concatenate([ret_keys, pred_emb], axis=-1)     # [Q, K, 2D]
    v = v_in @ attn_v_w + attn_v_b                            # [Q, K, 2D]
    attn = jax.nn.softmax(jnp.einsum('qd,qkd->qk', q, kk) / jnp.sqrt(float(MLP_DIM)), axis=-1)
    fused = jnp.einsum('qk,qkd->qd', attn, v)                 # [Q, 2D]
    # --- fusion_func(x, y) = relu(x + y) - (x - y)^2 ---
    fx = fused[:, :MLP_DIM]
    out = jax.nn.relu(fx + rel_rep) - (fx - rel_rep) ** 2     # [Q, D]
    return out, topk_sim, ret_vals

if __name__ == "__main__":
    import jax
    _d = setup_inputs()
    print(jax.jit(kernel)(*tuple(_d.values())))

</pallas_src>

<mosaic_0001>
#map = affine_map<(d0, d1) -> (0, 0)>
#map1 = affine_map<(d0, d1) -> (0)>
module attributes {stable_mosaic.version = 14 : i64} {
  func.func @_sc_retrieve_body(%arg0: i32, %arg1: i32, %arg2: memref<32768x128xf32, #tpu.memory_space<hbm>>, %arg3: memref<256x128xf32, #tpu.memory_space<hbm>>, %arg4: memref<16384x2048xf32, #tpu.memory_space<hbm>>, %arg5: memref<16384xi32, #tpu.memory_space<hbm>>, %arg6: memref<256x2048xf32, #tpu.memory_space<hbm>>, %arg7: memref<2048xf32, #tpu.memory_space<hbm>>, %arg8: memref<2048xi32, #tpu.memory_space<hbm>>, %arg9: memref<2048xf32, #tpu.memory_space<hbm>>, %arg10: memref<256x2048xf32, #tpu.memory_space<hbm>>, %arg11: memref<16384xi32, #tpu.memory_space<vmem>>, %arg12: memref<8x128xf32, #tpu.memory_space<vmem>>, %arg13: memref<1152xi32, #tpu.memory_space<vmem>>, %arg14: memref<8x16xi32, #tpu.memory_space<vmem>>, %arg15: memref<8x16x128xf32, #tpu.memory_space<vmem>>, %arg16: memref<64xi32, #tpu.memory_space<vmem>>, %arg17: memref<2x8x2048xf32, #tpu.memory_space<vmem>>, %arg18: memref<2x2048xf32, #tpu.memory_space<vmem>>, %arg19: memref<2x2048xf32, #tpu.memory_space<vmem>>, %arg20: memref<64xf32, #tpu.memory_space<vmem>>, %arg21: memref<64xi32, #tpu.memory_space<vmem>>, %arg22: memref<64xf32, #tpu.memory_space<vmem>>, %arg23: memref<8xi32, #tpu.memory_space<smem>>, %arg24: memref<!tpu.dma_semaphore, #tpu.memory_space<semaphore_mem>>, %arg25: memref<!tpu.dma_semaphore, #tpu.memory_space<semaphore_mem>>, %arg26: memref<!tpu.dma_semaphore, #tpu.memory_space<semaphore_mem>>, %arg27: memref<!tpu.dma_semaphore, #tpu.memory_space<semaphore_mem>>) attributes {dimension_semantics = [#tpu.dimension_semantics<core_parallel>, #tpu.dimension_semantics<subcore_parallel>], iteration_bounds = array<i64: 2, 16>, scalar_prefetch = 0 : i64, scratch_operands = 17 : i64, tpu.core_type = #tpu.core_type<sc_vector_subcore>, window_params = [{transform_indices = #map}, {transform_indices = #map}, {transform_indices = #map}, {transform_indices = #map1}, {transform_indices = #map}, {transform_indices = #map1}, {transform_indices = #map1}, {transform_indices = #map1}, {transform_indices = #map}]} {
    %mul3A = arith.constant 2 : i32
    %mul3A_0 = arith.muli %arg1, %mul3A : i32
    %add3A = arith.addi %mul3A_0, %arg0 : i32
    %mul3A_1 = arith.constant 8 : i32
    %mul3A_2 = arith.muli %add3A, %mul3A_1 : i32
    %iota3A = tpu.iota {dimensions = array<i32: 0>} : vector<16xi32>
    %lt3A = arith.constant 8 : i32
    %lt3A_3 = vector.broadcast %lt3A : i32 to vector<16xi32>
    %lt3A_4 = arith.cmpi slt, %iota3A, %lt3A_3 : vector<16xi32>
    "tpu.region"() ({
      %run_scoped3A = tpu.sem_alloc : memref<!tpu.dma_semaphore, #tpu.memory_space<semaphore_mem>>
      tpu.enqueue_dma source(%arg5 : memref<16384xi32, #tpu.memory_space<hbm>>) target(%arg11 : memref<16384xi32, #tpu.memory_space<vmem>>) target_semaphore(%run_scoped3A : memref<!tpu.dma_semaphore, #tpu.memory_space<semaphore_mem>>)
      tpu.wait_dma2 semaphore(%run_scoped3A : memref<!tpu.dma_semaphore, #tpu.memory_space<semaphore_mem>>) src(%arg5 : memref<16384xi32, #tpu.memory_space<hbm>>) dst(%arg11 : memref<16384xi32, #tpu.memory_space<vmem>>)
      tpu.yield
    }) : () -> ()
    "tpu.region"() ({
      %run_scoped3A = tpu.sem_alloc : memref<!tpu.dma_semaphore, #tpu.memory_space<semaphore_mem>>
      %dma_start3A = arith.constant 0 : i32
      %dma_start3A_53 = tpu.memref_slice %arg3[%mul3A_2, %dma_start3A] : memref<256x128xf32, #tpu.memory_space<hbm>> -> memref<8x128xf32, #tpu.memory_space<hbm>>
      %dma_start3A_54 = arith.constant 0 : i32
      %dma_start3A_55 = tpu.memref_slice %arg3[%mul3A_2, %dma_start3A_54] : memref<256x128xf32, #tpu.memory_space<hbm>> -> memref<8x128xf32, #tpu.memory_space<hbm>>
      tpu.enqueue_dma source(%dma_start3A_55 : memref<8x128xf32, #tpu.memory_space<hbm>>) target(%arg12 : memref<8x128xf32, #tpu.memory_space<vmem>>) target_semaphore(%run_scoped3A : memref<!tpu.dma_semaphore, #tpu.memory_space<semaphore_mem>>)
      %dma_wait3A_56 = arith.constant 0 : i32
      %dma_wait3A_57 = tpu.memref_slice %arg3[%mul3A_2, %dma_wait3A_56] : memref<256x128xf32, #tpu.memory_space<hbm>> -> memref<8x128xf32, #tpu.memory_space<hbm>>
      %dma_wait3A_58 = arith.constant 0 : i32
      %dma_wait3A_59 = tpu.memref_slice %arg3[%mul3A_2, %dma_wait3A_58] : memref<256x128xf32, #tpu.memory_space<hbm>> -> memref<8x128xf32, #tpu.memory_space<hbm>>
      tpu.wait_dma2 semaphore(%run_scoped3A : memref<!tpu.dma_semaphore, #tpu.memory_space<semaphore_mem>>) src(%dma_wait3A_59 : memref<8x128xf32, #tpu.memory_space<hbm>>) dst(%arg12 : memref<8x128xf32, #tpu.memory_space<vmem>>)
      tpu.yield
    }) : () -> ()
    %scan3A = arith.constant 0 : i32
    %scan3A_5 = arith.constant 0 : i32
    %scan3A_6 = arith.constant 8 : i32
    %scan3A_7 = arith.addi %scan3A_5, %scan3A_6 : i32
    %scan3A_8 = arith.constant 1 : i32
    %scan3A_9 = scf.for %scan3A_53 = %scan3A_5 to %scan3A_7 step %scan3A_8 iter_args(%scan3A_54 = %scan3A) -> (i32)  : i32 {
      %broadcast_in_dim3A = arith.constant 0xFF800000 : f32
      %broadcast_in_dim3A_55 = vector.broadcast %broadcast_in_dim3A : f32 to vector<16xf32>
      %broadcast_in_dim3A_56 = arith.constant 0 : i32
      %broadcast_in_dim3A_57 = vector.broadcast %broadcast_in_dim3A_56 : i32 to vector<16xi32>
      %get3A = arith.index_cast %scan3A_53 : i32 to index
      %get3A_58 = arith.constant 0 : index
      %get3A_59 = tpu.vector_load %arg12[%get3A, %get3A_58] {strides = array<i32>} : memref<8x128xf32, #tpu.memory_space<vmem>>, vector<16xf32>,
      %masked_sort3A = arith.constant dense<true> : vector<16xi1>
      %masked_sort3A_60, %masked_sort3A_61, %masked_sort3A_62 = tpu.sort %get3A_59, %iota3A masked %masked_sort3A {descending = true} : (vector<16xf32>, vector<16xi32>, vector<16xi1>) -> (vector<16xi1>, vector<16xf32>, vector<16xi32>)
      %gt3A = arith.cmpf ogt, %masked_sort3A_61, %broadcast_in_dim3A_55 : vector<16xf32>
      %select_n3A = arith.select %gt3A, %masked_sort3A_61, %broadcast_in_dim3A_55 : vector<16xi1>, vector<16xf32>
      %select_n3A_63 = arith.select %gt3A, %masked_sort3A_62, %broadcast_in_dim3A_57 : vector<16xi1>, vector<16xi32>
      %masked_sort3A_64 = arith.constant dense<true> : vector<16xi1>
      %masked_sort3A_65, %masked_sort3A_66, %masked_sort3A_67 = tpu.sort %select_n3A, %select_n3A_63 masked %masked_sort3A_64 : (vector<16xf32>, vector<16xi32>, vector<16xi1>) -> (vector<16xi1>, vector<16xf32>, vector<16xi32>)
      %get3A_68 = arith.index_cast %scan3A_53 : i32 to index
      %get3A_69 = arith.constant 16 : index
      %get3A_70 = tpu.vector_load %arg12[%get3A_68, %get3A_69] {strides = array<i32>} : memref<8x128xf32, #tpu.memory_space<vmem>>, vector<16xf32>,
      %masked_sort3A_71 = arith.constant dense<true> : vector<16xi1>
      %masked_sort3A_72, %masked_sort3A_73, %masked_sort3A_74 = tpu.sort %get3A_70, %iota3A masked %masked_sort3A_71 {descending = true} : (vector<16xf32>, vector<16xi32>, vector<16xi1>) -> (vector<16xi1>, vector<16xf32>, vector<16xi32>)
      %gt3A_75 = arith.cmpf ogt, %masked_sort3A_73, %masked_sort3A_66 : vector<16xf32>
      %select_n3A_76 = arith.select %gt3A_75, %masked_sort3A_73, %masked_sort3A_66 : vector<16xi1>, vector<16xf32>
      %select_n3A_77 = arith.select %gt3A_75, %masked_sort3A_74, %masked_sort3A_67 : vector<16xi1>, vector<16xi32>
      %masked_sort3A_78 = arith.constant dense<true> : vector<16xi1>
      %masked_sort3A_79, %masked_sort3A_80, %masked_sort3A_81 = tpu.sort %select_n3A_76, %select_n3A_77 masked %masked_sort3A_78 : (vector<16xf32>, vector<16xi32>, vector<16xi1>) -> (vector<16xi1>, vector<16xf32>, vector<16xi32>)
      %get3A_82 = arith.index_cast %scan3A_53 : i32 to index
      %get3A_83 = arith.constant 32 : index
      %get3A_84 = tpu.vector_load %arg12[%get3A_82, %get3A_83] {strides = array<i32>} : memref<8x128xf32, #tpu.memory_space<vmem>>, vector<16xf32>,
      %masked_sort3A_85 = arith.constant dense<true> : vector<16xi1>
      %masked_sort3A_86, %masked_sort3A_87, %masked_sort3A_88 = tpu.sort %get3A_84, %iota3A masked %masked_sort3A_85 {descending = true} : (vector<16xf32>, vector<16xi32>, vector<16xi1>) -> (vector<16xi1>, vector<16xf32>, vector<16xi32>)
      %gt3A_89 = arith.cmpf ogt, %masked_sort3A_87, %masked_sort3A_80 : vector<16xf32>
      %select_n3A_90 = arith.select %gt3A_89, %masked_sort3A_87, %masked_sort3A_80 : vector<16xi1>, vector<16xf32>
      %select_n3A_91 = arith.select %gt3A_89, %masked_sort3A_88, %masked_sort3A_81 : vector<16xi1>, vector<16xi32>
      %masked_sort3A_92 = arith.constant dense<true> : vector<16xi1>
      %masked_sort3A_93, %masked_sort3A_94, %masked_sort3A_95 = tpu.sort %select_n3A_90, %select_n3A_91 masked %masked_sort3A_92 : (vector<16xf32>, vector<16xi32>, vector<16xi1>) -> (vector<16xi1>, vector<16xf32>, vector<16xi32>)
      %get3A_96 = arith.index_cast %scan3A_53 : i32 to index
      %get3A_97 = arith.constant 48 : index
      %get3A_98 = tpu.vector_load %arg12[%get3A_96, %get3A_97] {strides = array<i32>} : memref<8x128xf32, #tpu.memory_space<vmem>>, vector<16xf32>,
      %masked_sort3A_99 = arith.constant dense<true> : vector<16xi1>
      %masked_sort3A_100, %masked_sort3A_101, %masked_sort3A_102 = tpu.sort %get3A_98, %iota3A masked %masked_sort3A_99 {descending = true} : (vector<16xf32>, vector<16xi32>, vector<16xi1>) -> (vector<16xi1>, vector<16xf32>, vector<16xi32>)
      %gt3A_103 = arith.cmpf ogt, %masked_sort3A_101, %masked_sort3A_94 : vector<16xf32>
      %select_n3A_104 = arith.select %gt3A_103, %masked_sort3A_101, %masked_sort3A_94 : vector<16xi1>, vector<16xf32>
      %select_n3A_105 = arith.select %gt3A_103, %masked_sort3A_102, %masked_sort3A_95 : vector<16xi1>, vector<16xi32>
      %masked_sort3A_106 = arith.constant dense<true> : vector<16xi1>
      %masked_sort3A_107, %masked_sort3A_108, %masked_sort3A_109 = tpu.sort %select_n3A_104, %select_n3A_105 masked %masked_sort3A_106 : (vector<16xf32>, vector<16xi32>, vector<16xi1>) -> (vector<16xi1>, vector<16xf32>, vector<16xi32>)
      %get3A_110 = arith.index_cast %scan3A_53 : i32 to index
      %get3A_111 = arith.constant 64 : index
      %get3A_112 = tpu.vector_load %arg12[%get3A_110, %get3A_111] {strides = array<i32>} : memref<8x128xf32, #tpu.memory_space<vmem>>, vector<16xf32>,
      %masked_sort3A_113 = arith.constant dense<true> : vector<16xi1>
      %masked_sort3A_114, %masked_sort3A_115, %masked_sort3A_116 = tpu.sort %get3A_112, %iota3A masked %masked_sort3A_113 {descending = true} : (vector<16xf32>, vector<16xi32>, vector<16xi1>) -> (vector<16xi1>, vector<16xf32>, vector<16xi32>)
      %gt3A_117 = arith.cmpf ogt, %masked_sort3A_115, %masked_sort3A_108 : vector<16xf32>
      %select_n3A_118 = arith.select %gt3A_117, %masked_sort3A_115, %masked_sort3A_108 : vector<16xi1>, vector<16xf32>
      %select_n3A_119 = arith.select %gt3A_117, %masked_sort3A_116, %masked_sort3A_109 : vector<16xi1>, vector<16xi32>
      %masked_sort3A_120 = arith.constant dense<true> : vector<16xi1>
      %masked_sort3A_121, %masked_sort3A_122, %masked_sort3A_123 = tpu.sort %select_n3A_118, %select_n3A_119 masked %masked_sort3A_120 : (vector<16xf32>, vector<16xi32>, vector<16xi1>) -> (vector<16xi1>, vector<16xf32>, vector<16xi32>)
      %get3A_124 = arith.index_cast %scan3A_53 : i32 to index
      %get3A_125 = arith.constant 80 : index
      %get3A_126 = tpu.vector_load %arg12[%get3A_124, %get3A_125] {strides = array<i32>} : memref<8x128xf32, #tpu.memory_space<vmem>>, vector<16xf32>,
      %masked_sort3A_127 = arith.constant dense<true> : vector<16xi1>
      %masked_sort3A_128, %masked_sort3A_129, %masked_sort3A_130 = tpu.sort %get3A_126, %iota3A masked %masked_sort3A_127 {descending = true} : (vector<16xf32>, vector<16xi32>, vector<16xi1>) -> (vector<16xi1>, vector<16xf32>, vector<16xi32>)
      %gt3A_131 = arith.cmpf ogt, %masked_sort3A_129, %masked_sort3A_122 : vector<16xf32>
      %select_n3A_132 = arith.select %gt3A_131, %masked_sort3A_129, %masked_sort3A_122 : vector<16xi1>, vector<16xf32>
      %select_n3A_133 = arith.select %gt3A_131, %masked_sort3A_130, %masked_sort3A_123 : vector<16xi1>, vector<16xi32>
      %masked_sort3A_134 = arith.constant dense<true> : vector<16xi1>
      %masked_sort3A_135, %masked_sort3A_136, %masked_sort3A_137 = tpu.sort %select_n3A_132, %select_n3A_133 masked %masked_sort3A_134 : (vector<16xf32>, vector<16xi32>, vector<16xi1>) -> (vector<16xi1>, vector<16xf32>, vector<16xi32>)
      %get3A_138 = arith.index_cast %scan3A_53 : i32 to index
      %get3A_139 = arith.constant 96 : index
      %get3A_140 = tpu.vector_load %arg12[%get3A_138, %get3A_139] {strides = array<i32>} : memref<8x128xf32, #tpu.memory_space<vmem>>, vector<16xf32>,
      %masked_sort3A_141 = arith.constant dense<true> : vector<16xi1>
      %masked_sort3A_142, %masked_sort3A_143, %masked_sort3A_144 = tpu.sort %get3A_140, %iota3A masked %masked_sort3A_141 {descending = true} : (vector<16xf32>, vector<16xi32>, vector<16xi1>) -> (vector<16xi1>, vector<16xf32>, vector<16xi32>)
      %gt3A_145 = arith.cmpf ogt, %masked_sort3A_143, %masked_sort3A_136 : vector<16xf32>
      %select_n3A_146 = arith.select %gt3A_145, %masked_sort3A_143, %masked_sort3A_136 : vector<16xi1>, vector<16xf32>
      %select_n3A_147 = arith.select %gt3A_145, %masked_sort3A_144, %masked_sort3A_137 : vector<16xi1>, vector<16xi32>
      %masked_sort3A_148 = arith.constant dense<true> : vector<16xi1>
      %masked_sort3A_149, %masked_sort3A_150, %masked_sort3A_151 = tpu.sort %select_n3A_146, %select_n3A_147 masked %masked_sort3A_148 : (vector<16xf32>, vector<16xi32>, vector<16xi1>) -> (vector<16xi1>, vector<16xf32>, vector<16xi32>)
      %get3A_152 = arith.index_cast %scan3A_53 : i32 to index
      %get3A_153 = arith.constant 112 : index
      %get3A_154 = tpu.vector_load %arg12[%get3A_152, %get3A_153] {strides = array<i32>} : memref<8x128xf32, #tpu.memory_space<vmem>>, vector<16xf32>,
      %masked_sort3A_155 = arith.constant dense<true> : vector<16xi1>
      %masked_sort3A_156, %masked_sort3A_157, %masked_sort3A_158 = tpu.sort %get3A_154, %iota3A masked %masked_sort3A_155 {descending = true} : (vector<16xf32>, vector<16xi32>, vector<16xi1>) -> (vector<16xi1>, vector<16xf32>, vector<16xi32>)
      %gt3A_159 = arith.cmpf ogt, %masked_sort3A_157, %masked_sort3A_150 : vector<16xf32>
      %select_n3A_160 = arith.select %gt3A_159, %masked_sort3A_157, %masked_sort3A_150 : vector<16xi1>, vector<16xf32>
      %select_n3A_161 = arith.select %gt3A_159, %masked_sort3A_158, %masked_sort3A_151 : vector<16xi1>, vector<16xi32>
      %masked_sort3A_162 = arith.constant dense<true> : vector<16xi1>
      %masked_sort3A_163, %masked_sort3A_164, %masked_sort3A_165 = tpu.sort %select_n3A_160, %select_n3A_161 masked %masked_sort3A_162 : (vector<16xf32>, vector<16xi32>, vector<16xi1>) -> (vector<16xi1>, vector<16xf32>, vector<16xi32>)
      %eq3A = arith.constant 8 : i32
      %eq3A_166 = vector.broadcast %eq3A : i32 to vector<16xi32>
      %eq3A_167 = arith.cmpi eq, %iota3A, %eq3A_166 : vector<16xi32>
      %jit3A = arith.constant 0xFF800000 : f32
      %broadcast_in_dim3A_168 = vector.broadcast %jit3A : f32 to vector<16xf32>
      %select_n3A_169 = arith.select %eq3A_167, %masked_sort3A_164, %broadcast_in_dim3A_168 : vector<16xi1>, vector<16xf32>
      %reduce_max3A = arith.constant true
      %reduce_max3A_170 = vector.broadcast %reduce_max3A : i1 to vector<16xi1>
      %reduce_max3A_171 = tpu.scan <max>, %select_n3A_169 masked %reduce_max3A_170 : vector<16xf32>, vector<16xi1> -> vector<16xf32>
      %reduce_max3A_172 = vector.extract %reduce_max3A_171[15] : f32 from vector<16xf32>
      %mul3A_173 = arith.constant 144 : i32
      %mul3A_174 = arith.muli %scan3A_53, %mul3A_173 : i32
      %broadcast_in_dim3A_175 = arith.constant 0 : i32
      %broadcast_in_dim3A_176 = vector.broadcast %broadcast_in_dim3A_175 : i32 to vector<16xi32>
      %swap3A = arith.index_cast %mul3A_174 : i32 to index
      %swap3A_177 = tpu.vector_load %arg13[%swap3A] {strides = array<i32>} : memref<1152xi32, #tpu.memory_space<vmem>>, vector<16xi32>,
      tpu.vector_store %arg13[%swap3A], %broadcast_in_dim3A_176 {strides = array<i32>} : memref<1152xi32, #tpu.memory_space<vmem>>, vector<16xi32>,
      %get3A_178 = arith.index_cast %scan3A_53 : i32 to index
      %get3A_179 = arith.constant 0 : index
      %get3A_180 = tpu.vector_load %arg12[%get3A_178, %get3A_179] {strides = array<i32>} : memref<8x128xf32, #tpu.memory_space<vmem>>, vector<16xf32>,
      %ge3A = vector.broadcast %reduce_max3A_172 : f32 to vector<16xf32>
      %ge3A_181 = arith.cmpf oge, %get3A_180, %ge3A : vector<16xf32>
      %add3A_182 = arith.constant 0 : i32
      %add3A_183 = arith.addi %mul3A_174, %add3A_182 : i32
      %convert_element_type3A = arith.extui %ge3A_181 : vector<16xi1> to vector<16xi32>
      %broadcast_in_dim3A_184 = arith.constant true
      %broadcast_in_dim3A_185 = vector.broadcast %broadcast_in_dim3A_184 : i1 to vector<16xi1>
      %masked_cumsum3A = tpu.scan <sum>, %convert_element_type3A masked %broadcast_in_dim3A_185 : vector<16xi32>, vector<16xi1> -> vector<16xi32>
      %add3A_186 = vector.broadcast %add3A_183 : i32 to vector<16xi32>
      %add3A_187 = arith.addi %add3A_186, %masked_cumsum3A : vector<16xi32>
      %sub3A = arith.constant 1 : i32
      %sub3A_188 = vector.broadcast %sub3A : i32 to vector<16xi32>
      %sub3A_189 = arith.subi %add3A_187, %sub3A_188 : vector<16xi32>
      %add3A_190 = arith.constant 0 : i32
      %add3A_191 = vector.broadcast %add3A_190 : i32 to vector<16xi32>
      %add3A_192 = arith.addi %iota3A, %add3A_191 : vector<16xi32>
      tpu.vector_store_idx %arg13[%sub3A_189], %add3A_192 masked %ge3A_181 : memref<1152xi32, #tpu.memory_space<vmem>>[vector<16xi32>], vector<16xi32>, vector<16xi1>
      %convert_element_type3A_193 = arith.extui %ge3A_181 : vector<16xi1> to vector<16xi32>
      %reduce_sum3A = arith.constant true
      %reduce_sum3A_194 = vector.broadcast %reduce_sum3A : i1 to vector<16xi1>
      %reduce_sum3A_195 = tpu.scan <sum>, %convert_element_type3A_193 masked %reduce_sum3A_194 : vector<16xi32>, vector<16xi1> -> vector<16xi32>
      %reduce_sum3A_196 = vector.extract %reduce_sum3A_195[15] : i32 from vector<16xi32>
      %add3A_197 = arith.constant 0 : i32
      %add3A_198 = arith.addi %add3A_197, %reduce_sum3A_196 : i32
      %get3A_199 = arith.index_cast %scan3A_53 : i32 to index
      %get3A_200 = arith.constant 16 : index
      %get3A_201 = tpu.vector_load %arg12[%get3A_199, %get3A_200] {strides = array<i32>} : memref<8x128xf32, #tpu.memory_space<vmem>>, vector<16xf32>,
      %ge3A_202 = vector.broadcast %reduce_max3A_172 : f32 to vector<16xf32>
      %ge3A_203 = arith.cmpf oge, %get3A_201, %ge3A_202 : vector<16xf32>
      %add3A_204 = arith.addi %mul3A_174, %add3A_198 : i32
      %convert_element_type3A_205 = arith.extui %ge3A_203 : vector<16xi1> to vector<16xi32>
      %broadcast_in_dim3A_206 = arith.constant true
      %broadcast_in_dim3A_207 = vector.broadcast %broadcast_in_dim3A_206 : i1 to vector<16xi1>
      %masked_cumsum3A_208 = tpu.scan <sum>, %convert_element_type3A_205 masked %broadcast_in_dim3A_207 : vector<16xi32>, vector<16xi1> -> vector<16xi32>
      %add3A_209 = vector.broadcast %add3A_204 : i32 to vector<16xi32>
      %add3A_210 = arith.addi %add3A_209, %masked_cumsum3A_208 : vector<16xi32>
      %sub3A_211 = arith.constant 1 : i32
      %sub3A_212 = vector.broadcast %sub3A_211 : i32 to vector<16xi32>
      %sub3A_213 = arith.subi %add3A_210, %sub3A_212 : vector<16xi32>
      %add3A_214 = arith.constant 16 : i32
      %add3A_215 = vector.broadcast %add3A_214 : i32 to vector<16xi32>
      %add3A_216 = arith.addi %iota3A, %add3A_215 : vector<16xi32>
      tpu.vector_store_idx %arg13[%sub3A_213], %add3A_216 masked %ge3A_203 : memref<1152xi32, #tpu.memory_space<vmem>>[vector<16xi32>], vector<16xi32>, vector<16xi1>
      %convert_element_type3A_217 = arith.extui %ge3A_203 : vector<16xi1> to vector<16xi32>
      %reduce_sum3A_218 = arith.constant true
      %reduce_sum3A_219 = vector.broadcast %reduce_sum3A_218 : i1 to vector<16xi1>
      %reduce_sum3A_220 = tpu.scan <sum>, %convert_element_type3A_217 masked %reduce_sum3A_219 : vector<16xi32>, vector<16xi1> -> vector<16xi32>
      %reduce_sum3A_221 = vector.extract %reduce_sum3A_220[15] : i32 from vector<16xi32>
      %add3A_222 = arith.addi %add3A_198, %reduce_sum3A_221 : i32
      %get3A_223 = arith.index_cast %scan3A_53 : i32 to index
      %get3A_224 = arith.constant 32 : index
      %get3A_225 = tpu.vector_load %arg12[%get3A_223, %get3A_224] {strides = array<i32>} : memref<8x128xf32, #tpu.memory_space<vmem>>, vector<16xf32>,
      %ge3A_226 = vector.broadcast %reduce_max3A_172 : f32 to vector<16xf32>
      %ge3A_227 = arith.cmpf oge, %get3A_225, %ge3A_226 : vector<16xf32>
      %add3A_228 = arith.addi %mul3A_174, %add3A_222 : i32
      %convert_element_type3A_229 = arith.extui %ge3A_227 : vector<16xi1> to vector<16xi32>
      %broadcast_in_dim3A_230 = arith.constant true
      %broadcast_in_dim3A_231 = vector.broadcast %broadcast_in_dim3A_230 : i1 to vector<16xi1>
      %masked_cumsum3A_232 = tpu.scan <sum>, %convert_element_type3A_229 masked %broadcast_in_dim3A_231 : vector<16xi32>, vector<16xi1> -> vector<16xi32>
      %add3A_233 = vector.broadcast %add3A_228 : i32 to vector<16xi32>
      %add3A_234 = arith.addi %add3A_233, %masked_cumsum3A_232 : vector<16xi32>
      %sub3A_235 = arith.constant 1 : i32
      %sub3A_236 = vector.broadcast %sub3A_235 : i32 to vector<16xi32>
      %sub3A_237 = arith.subi %add3A_234, %sub3A_236 : vector<16xi32>
      %add3A_238 = arith.constant 32 : i32
      %add3A_239 = vector.broadcast %add3A_238 : i32 to vector<16xi32>
      %add3A_240 = arith.addi %iota3A, %add3A_239 : vector<16xi32>
      tpu.vector_store_idx %arg13[%sub3A_237], %add3A_240 masked %ge3A_227 : memref<1152xi32, #tpu.memory_space<vmem>>[vector<16xi32>], vector<16xi32>, vector<16xi1>
      %convert_element_type3A_241 = arith.extui %ge3A_227 : vector<16xi1> to vector<16xi32>
      %reduce_sum3A_242 = arith.constant true
      %reduce_sum3A_243 = vector.broadcast %reduce_sum3A_242 : i1 to vector<16xi1>
      %reduce_sum3A_244 = tpu.scan <sum>, %convert_element_type3A_241 masked %reduce_sum3A_243 : vector<16xi32>, vector<16xi1> -> vector<16xi32>
      %reduce_sum3A_245 = vector.extract %reduce_sum3A_244[15] : i32 from vector<16xi32>
      %add3A_246 = arith.addi %add3A_222, %reduce_sum3A_245 : i32
      %get3A_247 = arith.index_cast %scan3A_53 : i32 to index
      %get3A_248 = arith.constant 48 : index
      %get3A_249 = tpu.vector_load %arg12[%get3A_247, %get3A_248] {strides = array<i32>} : memref<8x128xf32, #tpu.memory_space<vmem>>, vector<16xf32>,
      %ge3A_250 = vector.broadcast %reduce_max3A_172 : f32 to vector<16xf32>
      %ge3A_251 = arith.cmpf oge, %get3A_249, %ge3A_250 : vector<16xf32>
      %add3A_252 = arith.addi %mul3A_174, %add3A_246 : i32
      %convert_element_type3A_253 = arith.extui %ge3A_251 : vector<16xi1> to vector<16xi32>
      %broadcast_in_dim3A_254 = arith.constant true
      %broadcast_in_dim3A_255 = vector.broadcast %broadcast_in_dim3A_254 : i1 to vector<16xi1>
      %masked_cumsum3A_256 = tpu.scan <sum>, %convert_element_type3A_253 masked %broadcast_in_dim3A_255 : vector<16xi32>, vector<16xi1> -> vector<16xi32>
      %add3A_257 = vector.broadcast %add3A_252 : i32 to vector<16xi32>
      %add3A_258 = arith.addi %add3A_257, %masked_cumsum3A_256 : vector<16xi32>
      %sub3A_259 = arith.constant 1 : i32
      %sub3A_260 = vector.broadcast %sub3A_259 : i32 to vector<16xi32>
      %sub3A_261 = arith.subi %add3A_258, %sub3A_260 : vector<16xi32>
      %add3A_262 = arith.constant 48 : i32
      %add3A_263 = vector.broadcast %add3A_262 : i32 to vector<16xi32>
      %add3A_264 = arith.addi %iota3A, %add3A_263 : vector<16xi32>
      tpu.vector_store_idx %arg13[%sub3A_261], %add3A_264 masked %ge3A_251 : memref<1152xi32, #tpu.memory_space<vmem>>[vector<16xi32>], vector<16xi32>, vector<16xi1>
      %convert_element_type3A_265 = arith.extui %ge3A_251 : vector<16xi1> to vector<16xi32>
      %reduce_sum3A_266 = arith.constant true
      %reduce_sum3A_267 = vector.broadcast %reduce_sum3A_266 : i1 to vector<16xi1>
      %reduce_sum3A_268 = tpu.scan <sum>, %convert_element_type3A_265 masked %reduce_sum3A_267 : vector<16xi32>, vector<16xi1> -> vector<16xi32>
      %reduce_sum3A_269 = vector.extract %reduce_sum3A_268[15] : i32 from vector<16xi32>
      %add3A_270 = arith.addi %add3A_246, %reduce_sum3A_269 : i32
      %get3A_271 = arith.index_cast %scan3A_53 : i32 to index
      %get3A_272 = arith.constant 64 : index
      %get3A_273 = tpu.vector_load %arg12[%get3A_271, %get3A_272] {strides = array<i32>} : memref<8x128xf32, #tpu.memory_space<vmem>>, vector<16xf32>,
      %ge3A_274 = vector.broadcast %reduce_max3A_172 : f32 to vector<16xf32>
      %ge3A_275 = arith.cmpf oge, %get3A_273, %ge3A_274 : vector<16xf32>
      %add3A_276 = arith.addi %mul3A_174, %add3A_270 : i32
      %convert_element_type3A_277 = arith.extui %ge3A_275 : vector<16xi1> to vector<16xi32>
      %broadcast_in_dim3A_278 = arith.constant true
      %broadcast_in_dim3A_279 = vector.broadcast %broadcast_in_dim3A_278 : i1 to vector<16xi1>
      %masked_cumsum3A_280 = tpu.scan <sum>, %convert_element_type3A_277 masked %broadcast_in_dim3A_279 : vector<16xi32>, vector<16xi1> -> vector<16xi32>
      %add3A_281 = vector.broadcast %add3A_276 : i32 to vector<16xi32>
      %add3A_282 = arith.addi %add3A_281, %masked_cumsum3A_280 : vector<16xi32>
      %sub3A_283 = arith.constant 1 : i32
      %sub3A_284 = vector.broadcast %sub3A_283 : i32 to vector<16xi32>
      %sub3A_285 = arith.subi %add3A_282, %sub3A_284 : vector<16xi32>
      %add3A_286 = arith.constant 64 : i32
      %add3A_287 = vector.broadcast %add3A_286 : i32 to vector<16xi32>
      %add3A_288 = arith.addi %iota3A, %add3A_287 : vector<16xi32>
      tpu.vector_store_idx %arg13[%sub3A_285], %add3A_288 masked %ge3A_275 : memref<1152xi32, #tpu.memory_space<vmem>>[vector<16xi32>], vector<16xi32>, vector<16xi1>
      %convert_element_type3A_289 = arith.extui %ge3A_275 : vector<16xi1> to vector<16xi32>
      %reduce_sum3A_290 = arith.constant true
      %reduce_sum3A_291 = vector.broadcast %reduce_sum3A_290 : i1 to vector<16xi1>
      %reduce_sum3A_292 = tpu.scan <sum>, %convert_element_type3A_289 masked %reduce_sum3A_291 : vector<16xi32>, vector<16xi1> -> vector<16xi32>
      %reduce_sum3A_293 = vector.extract %reduce_sum3A_292[15] : i32 from vector<16xi32>
      %add3A_294 = arith.addi %add3A_270, %reduce_sum3A_293 : i32
      %get3A_295 = arith.index_cast %scan3A_53 : i32 to index
      %get3A_296 = arith.constant 80 : index
      %get3A_297 = tpu.vector_load %arg12[%get3A_295, %get3A_296] {strides = array<i32>} : memref<8x128xf32, #tpu.memory_space<vmem>>, vector<16xf32>,
      %ge3A_298 = vector.broadcast %reduce_max3A_172 : f32 to vector<16xf32>
      %ge3A_299 = arith.cmpf oge, %get3A_297, %ge3A_298 : vector<16xf32>
      %add3A_300 = arith.addi %mul3A_174, %add3A_294 : i32
      %convert_element_type3A_301 = arith.extui %ge3A_299 : vector<16xi1> to vector<16xi32>
      %broadcast_in_dim3A_302 = arith.constant true
      %broadcast_in_dim3A_303 = vector.broadcast %broadcast_in_dim3A_302 : i1 to vector<16xi1>
      %masked_cumsum3A_304 = tpu.scan <sum>, %convert_element_type3A_301 masked %broadcast_in_dim3A_303 : vector<16xi32>, vector<16xi1> -> vector<16xi32>
      %add3A_305 = vector.broadcast %add3A_300 : i32 to vector<16xi32>
      %add3A_306 = arith.addi %add3A_305, %masked_cumsum3A_304 : vector<16xi32>
      %sub3A_307 = arith.constant 1 : i32
      %sub3A_308 = vector.broadcast %sub3A_307 : i32 to vector<16xi32>
      %sub3A_309 = arith.subi %add3A_306, %sub3A_308 : vector<16xi32>
      %add3A_310 = arith.constant 80 : i32
      %add3A_311 = vector.broadcast %add3A_310 : i32 to vector<16xi32>
      %add3A_312 = arith.addi %iota3A, %add3A_311 : vector<16xi32>
      tpu.vector_store_idx %arg13[%sub3A_309], %add3A_312 masked %ge3A_299 : memref<1152xi32, #tpu.memory_space<vmem>>[vector<16xi32>], vector<16xi32>, vector<16xi1>
      %convert_element_type3A_313 = arith.extui %ge3A_299 : vector<16xi1> to vector<16xi32>
      %reduce_sum3A_314 = arith.constant true
      %reduce_sum3A_315 = vector.broadcast %reduce_sum3A_314 : i1 to vector<16xi1>
      %reduce_sum3A_316 = tpu.scan <sum>, %convert_element_type3A_313 masked %reduce_sum3A_315 : vector<16xi32>, vector<16xi1> -> vector<16xi32>
      %reduce_sum3A_317 = vector.extract %reduce_sum3A_316[15] : i32 from vector<16xi32>
      %add3A_318 = arith.addi %add3A_294, %reduce_sum3A_317 : i32
      %get3A_319 = arith.index_cast %scan3A_53 : i32 to index
      %get3A_320 = arith.constant 96 : index
      %get3A_321 = tpu.vector_load %arg12[%get3A_319, %get3A_320] {strides = array<i32>} : memref<8x128xf32, #tpu.memory_space<vmem>>, vector<16xf32>,
      %ge3A_322 = vector.broadcast %reduce_max3A_172 : f32 to vector<16xf32>
      %ge3A_323 = arith.cmpf oge, %get3A_321, %ge3A_322 : vector<16xf32>
      %add3A_324 = arith.addi %mul3A_174, %add3A_318 : i32
      %convert_element_type3A_325 = arith.extui %ge3A_323 : vector<16xi1> to vector<16xi32>
      %broadcast_in_dim3A_326 = arith.constant true
      %broadcast_in_dim3A_327 = vector.broadcast %broadcast_in_dim3A_326 : i1 to vector<16xi1>
      %masked_cumsum3A_328 = tpu.scan <sum>, %convert_element_type3A_325 masked %broadcast_in_dim3A_327 : vector<16xi32>, vector<16xi1> -> vector<16xi32>
      %add3A_329 = vector.broadcast %add3A_324 : i32 to vector<16xi32>
      %add3A_330 = arith.addi %add3A_329, %masked_cumsum3A_328 : vector<16xi32>
      %sub3A_331 = arith.constant 1 : i32
      %sub3A_332 = vector.broadcast %sub3A_331 : i32 to vector<16xi32>
      %sub3A_333 = arith.subi %add3A_330, %sub3A_332 : vector<16xi32>
      %add3A_334 = arith.constant 96 : i32
      %add3A_335 = vector.broadcast %add3A_334 : i32 to vector<16xi32>
      %add3A_336 = arith.addi %iota3A, %add3A_335 : vector<16xi32>
      tpu.vector_store_idx %arg13[%sub3A_333], %add3A_336 masked %ge3A_323 : memref<1152xi32, #tpu.memory_space<vmem>>[vector<16xi32>], vector<16xi32>, vector<16xi1>
      %convert_element_type3A_337 = arith.extui %ge3A_323 : vector<16xi1> to vector<16xi32>
      %reduce_sum3A_338 = arith.constant true
      %reduce_sum3A_339 = vector.broadcast %reduce_sum3A_338 : i1 to vector<16xi1>
      %reduce_sum3A_340 = tpu.scan <sum>, %convert_element_type3A_337 masked %reduce_sum3A_339 : vector<16xi32>, vector<16xi1> -> vector<16xi32>
      %reduce_sum3A_341 = vector.extract %reduce_sum3A_340[15] : i32 from vector<16xi32>
      %add3A_342 = arith.addi %add3A_318, %reduce_sum3A_341 : i32
      %get3A_343 = arith.index_cast %scan3A_53 : i32 to index
      %get3A_344 = arith.constant 112 : index
      %get3A_345 = tpu.vector_load %arg12[%get3A_343, %get3A_344] {strides = array<i32>} : memref<8x128xf32, #tpu.memory_space<vmem>>, vector<16xf32>,
      %ge3A_346 = vector.broadcast %reduce_max3A_172 : f32 to vector<16xf32>
      %ge3A_347 = arith.cmpf oge, %get3A_345, %ge3A_346 : vector<16xf32>
      %add3A_348 = arith.addi %mul3A_174, %add3A_342 : i32
      %convert_element_type3A_349 = arith.extui %ge3A_347 : vector<16xi1> to vector<16xi32>
      %broadcast_in_dim3A_350 = arith.constant true
      %broadcast_in_dim3A_351 = vector.broadcast %broadcast_in_dim3A_350 : i1 to vector<16xi1>
      %masked_cumsum3A_352 = tpu.scan <sum>, %convert_element_type3A_349 masked %broadcast_in_dim3A_351 : vector<16xi32>, vector<16xi1> -> vector<16xi32>
      %add3A_353 = vector.broadcast %add3A_348 : i32 to vector<16xi32>
      %add3A_354 = arith.addi %add3A_353, %masked_cumsum3A_352 : vector<16xi32>
      %sub3A_355 = arith.constant 1 : i32
      %sub3A_356 = vector.broadcast %sub3A_355 : i32 to vector<16xi32>
      %sub3A_357 = arith.subi %add3A_354, %sub3A_356 : vector<16xi32>
      %add3A_358 = arith.constant 112 : i32
      %add3A_359 = vector.broadcast %add3A_358 : i32 to vector<16xi32>
      %add3A_360 = arith.addi %iota3A, %add3A_359 : vector<16xi32>
      tpu.vector_store_idx %arg13[%sub3A_357], %add3A_360 masked %ge3A_347 : memref<1152xi32, #tpu.memory_space<vmem>>[vector<16xi32>], vector<16xi32>, vector<16xi1>
      %convert_element_type3A_361 = arith.extui %ge3A_347 : vector<16xi1> to vector<16xi32>
      %reduce_sum3A_362 = arith.constant true
      %reduce_sum3A_363 = vector.broadcast %reduce_sum3A_362 : i1 to vector<16xi1>
      %reduce_sum3A_364 = tpu.scan <sum>, %convert_element_type3A_361 masked %reduce_sum3A_363 : vector<16xi32>, vector<16xi1> -> vector<16xi32>
      %reduce_sum3A_365 = vector.extract %reduce_sum3A_364[15] : i32 from vector<16xi32>
      %add3A_366 = arith.addi %add3A_342, %reduce_sum3A_365 : i32
      %min3A = arith.constant 16 : i32
      %min3A_367 = arith.minsi %add3A_366, %min3A : i32
      %swap3A_368 = arith.index_cast %scan3A_53 : i32 to index
      %swap3A_369 = memref.load %arg23[%swap3A_368] : memref<8xi32, #tpu.memory_space<smem>>
      memref.store %min3A_367, %arg23[%swap3A_368] : memref<8xi32, #tpu.memory_space<smem>>
      %get3A_370 = arith.index_cast %mul3A_174 : i32 to index
      %get3A_371 = tpu.vector_load %arg13[%get3A_370] {strides = array<i32>} : memref<1152xi32, #tpu.memory_space<vmem>>, vector<16xi32>,
      %mul3A_372 = arith.constant 256 : i32
      %mul3A_373 = vector.broadcast %mul3A_372 : i32 to vector<16xi32>
      %mul3A_374 = arith.muli %get3A_371, %mul3A_373 : vector<16xi32>
      %add3A_375 = arith.addi %mul3A_2, %scan3A_53 : i32
      %add3A_376 = vector.broadcast %add3A_375 : i32 to vector<16xi32>
      %add3A_377 = arith.addi %mul3A_374, %add3A_376 : vector<16xi32>
      %swap3A_378 = arith.index_cast %scan3A_53 : i32 to index
      %swap3A_379 = arith.constant 0 : index
      %swap3A_380 = tpu.vector_load %arg14[%swap3A_378, %swap3A_379] {strides = array<i32>} : memref<8x16xi32, #tpu.memory_space<vmem>>, vector<16xi32>,
      tpu.vector_store %arg14[%swap3A_378, %swap3A_379], %add3A_377 {strides = array<i32>} : memref<8x16xi32, #tpu.memory_space<vmem>>, vector<16xi32>,
      %dma_start3A = arith.constant 0 : i32
      %dma_start3A_381 = arith.constant 0 : i32
      %dma_start3A_382 = tpu.memref_slice %arg15[%scan3A_53, %dma_start3A, %dma_start3A_381] : memref<8x16x128xf32, #tpu.memory_space<vmem>> -> memref<1x16x128xf32, #tpu.memory_space<vmem>>
      %dma_start3A_383 = tpu.memref_squeeze %dma_start3A_382 : memref<1x16x128xf32, #tpu.memory_space<vmem>> -> memref<16x128xf32, #tpu.memory_space<vmem>>
      %dma_start3A_384 = arith.constant 0 : i32
      %dma_start3A_385 = tpu.memref_slice %arg14[%scan3A_53, %dma_start3A_384] : memref<8x16xi32, #tpu.memory_space<vmem>> -> memref<1x16xi32, #tpu.memory_space<vmem>>
      %dma_start3A_386 = tpu.memref_squeeze %dma_start3A_385 : memref<1x16xi32, #tpu.memory_space<vmem>> -> memref<16xi32, #tpu.memory_space<vmem>>
      %dma_start3A_387 = arith.constant 0 : i32
      %dma_start3A_388 = arith.constant 0 : i32
      %dma_start3A_389 = tpu.memref_slice %arg2[%dma_start3A_387, %dma_start3A_388] : memref<32768x128xf32, #tpu.memory_space<hbm>> -> memref<32768x128xf32, #tpu.memory_space<hbm>>
      tpu.enqueue_indirect_dma source(%dma_start3A_389 : memref<32768x128xf32, #tpu.memory_space<hbm>>) target(%dma_start3A_383 : memref<16x128xf32, #tpu.memory_space<vmem>>) offsets(%dma_start3A_386 : memref<16xi32, #tpu.memory_space<vmem>>) semaphore(%arg24 : memref<!tpu.dma_semaphore, #tpu.memory_space<semaphore_mem>>)
      %scan3A_390 = arith.constant 0 : i32
      scf.yield %scan3A_390 : i32
    }
    %scan3A_10 = arith.constant 8 : i32
    %scan3A_11 = arith.constant 0 : i32
    %scan3A_12 = arith.constant 0 : i32
    %scan3A_13 = arith.constant 9 : i32
    %scan3A_14 = arith.addi %scan3A_12, %scan3A_13 : i32
    %scan3A_15 = arith.constant 1 : i32
    %scan3A_16 = scf.for %scan3A_53 = %scan3A_12 to %scan3A_14 step %scan3A_15 iter_args(%scan3A_54 = %scan3A_11) -> (i32)  : i32 {
      %lt3A_55 = arith.constant 8 : i32
      %lt3A_56 = arith.cmpi slt, %scan3A_53, %lt3A_55 : i32
      %convert_element_type3A = arith.extui %lt3A_56 : i1 to i32
      %cond3A = arith.constant 0 : i32
      %cond3A_57 = arith.cmpi ne, %convert_element_type3A, %cond3A : i32
      scf.if %cond3A_57 {
        %dma_wait3A_63 = arith.constant 0 : i32
        %dma_wait3A_64 = arith.constant 0 : i32
        %dma_wait3A_65 = tpu.memref_slice %arg15[%scan3A_53, %dma_wait3A_63, %dma_wait3A_64] : memref<8x16x128xf32, #tpu.memory_space<vmem>> -> memref<1x16x128xf32, #tpu.memory_space<vmem>>
        %dma_wait3A_66 = tpu.memref_squeeze %dma_wait3A_65 : memref<1x16x128xf32, #tpu.memory_space<vmem>> -> memref<16x128xf32, #tpu.memory_space<vmem>>
        %dma_wait3A_67 = arith.constant 0 : i32
        %dma_wait3A_68 = tpu.memref_slice %arg14[%scan3A_53, %dma_wait3A_67] : memref<8x16xi32, #tpu.memory_space<vmem>> -> memref<1x16xi32, #tpu.memory_space<vmem>>
        %dma_wait3A_69 = tpu.memref_squeeze %dma_wait3A_68 : memref<1x16xi32, #tpu.memory_space<vmem>> -> memref<16xi32, #tpu.memory_space<vmem>>
        %dma_wait3A_70 = arith.constant 0 : i32
        %dma_wait3A_71 = arith.constant 0 : i32
        %dma_wait3A_72 = tpu.memref_slice %arg2[%dma_wait3A_70, %dma_wait3A_71] : memref<32768x128xf32, #tpu.memory_space<hbm>> -> memref<32768x128xf32, #tpu.memory_space<hbm>>
        tpu.wait_indirect_dma semaphore(%arg24 : memref<!tpu.dma_semaphore, #tpu.memory_space<semaphore_mem>>) src(%dma_wait3A_72 : memref<32768x128xf32, #tpu.memory_space<hbm>>) dst(%dma_wait3A_66 : memref<16x128xf32, #tpu.memory_space<vmem>>)
        %get3A = arith.index_cast %scan3A_53 : i32 to index
        %get3A_73 = memref.load %arg23[%get3A] : memref<8xi32, #tpu.memory_space<smem>>
        %broadcast_in_dim3A = arith.constant 0xFF800000 : f32
        %broadcast_in_dim3A_74 = vector.broadcast %broadcast_in_dim3A : f32 to vector<16xf32>
        %broadcast_in_dim3A_75 = arith.constant 0 : i32
        %broadcast_in_dim3A_76 = vector.broadcast %broadcast_in_dim3A_75 : i32 to vector<16xi32>
        %while3A = arith.constant 0 : i32
        %while3A_77 = arith.constant 0xFF800000 : f32
        %while3A_78 = arith.subi %get3A_73, %while3A : i32
        %while3A_79 = arith.addi %while3A, %while3A_78 : i32
        %while3A_80 = arith.constant 1 : i32
        %while3A_81 = arith.divsi %while3A_78, %while3A_80 : i32
        %while3A_82 = arith.muli %while3A_81, %while3A_80 : i32
        %while3A_83 = arith.addi %while3A, %while3A_82 : i32
        %while3A_84 = arith.constant 1 : i32
        %while3A_85:3 = scf.for %while3A_126 = %while3A to %while3A_83 step %while3A_84 iter_args(%while3A_127 = %broadcast_in_dim3A_74, %while3A_128 = %broadcast_in_dim3A_76, %while3A_129 = %while3A_77) -> (vector<16xf32>, vector<16xi32>, f32)  : i32 {
          %mul3A_130 = arith.constant 144 : i32
          %mul3A_131 = arith.muli %scan3A_53, %mul3A_130 : i32
          %add3A_132 = arith.addi %mul3A_131, %while3A_126 : i32
          %get3A_133 = arith.index_cast %add3A_132 : i32 to index
          %get3A_134 = tpu.vector_load %arg13[%get3A_133] {strides = array<i32>} : memref<1152xi32, #tpu.memory_space<vmem>>, vector<16xi32>,
          %slice3A = vector.extract_strided_slice %get3A_134 {offsets = [0], sizes = [1], strides = [1]} : vector<16xi32> to vector<1xi32>
          %squeeze3A = vector.extract %slice3A[0] : i32 from vector<1xi32>
          %get3A_135 = arith.index_cast %scan3A_53 : i32 to index
          %get3A_136 = arith.index_cast %while3A_126 : i32 to index
          %get3A_137 = arith.constant 0 : index
          %get3A_138 = tpu.vector_load %arg15[%get3A_135, %get3A_136, %get3A_137] {strides = array<i32>} : memref<8x16x128xf32, #tpu.memory_space<vmem>>, vector<16xf32>,
          %mul3A_139 = arith.constant 128 : i32
          %mul3A_140 = arith.muli %squeeze3A, %mul3A_139 : i32
          %add3A_141 = arith.constant 0 : i32
          %add3A_142 = arith.addi %mul3A_140, %add3A_141 : i32
          %add3A_143 = vector.broadcast %add3A_142 : i32 to vector<16xi32>
          %add3A_144 = arith.addi %iota3A, %add3A_143 : vector<16xi32>
          %gt3A = vector.broadcast %while3A_129 : f32 to vector<16xf32>
          %gt3A_145 = arith.cmpf ogt, %get3A_138, %gt3A : vector<16xf32>
          %reduce_or3A = arith.constant 1.000000e+00 : f32
          %reduce_or3A_146 = arith.constant 0.000000e+00 : f32
          %reduce_or3A_147 = vector.broadcast %reduce_or3A : f32 to vector<16xf32>
          %reduce_or3A_148 = vector.broadcast %reduce_or3A_146 : f32 to vector<16xf32>
          %reduce_or3A_149 = arith.select %gt3A_145, %reduce_or3A_147, %reduce_or3A_148 : vector<16xi1>, vector<16xf32>
          %reduce_or3A_150 = arith.constant true
          %reduce_or3A_151 = vector.broadcast %reduce_or3A_150 : i1 to vector<16xi1>
          %reduce_or3A_152 = tpu.scan <max>, %reduce_or3A_149 masked %reduce_or3A_151 : vector<16xf32>, vector<16xi1> -> vector<16xf32>
          %reduce_or3A_153 = vector.extract %reduce_or3A_152[15] : f32 from vector<16xf32>
          %reduce_or3A_154 = arith.constant 0.000000e+00 : f32
          %reduce_or3A_155 = arith.cmpf ogt, %reduce_or3A_153, %reduce_or3A_154 : f32
          %convert_element_type3A_156 = arith.extui %reduce_or3A_155 : i1 to i32
          %cond3A_157 = arith.constant 0 : i32
          %cond3A_158 = arith.cmpi ne, %convert_element_type3A_156, %cond3A_157 : i32
          %cond3A_159:2 = scf.if %cond3A_158 -> (vector<16xf32>, vector<16xi32>) {
            %masked_sort3A_380 = arith.constant dense<true> : vector<16xi1>
            %masked_sort3A_381, %masked_sort3A_382, %masked_sort3A_383 = tpu.sort %get3A_138, %add3A_144 masked %masked_sort3A_380 {descending = true} : (vector<16xf32>, vector<16xi32>, vector<16xi1>) -> (vector<16xi1>, vector<16xf32>, vector<16xi32>)
            %gt3A_384 = arith.cmpf ogt, %masked_sort3A_382, %while3A_127 : vector<16xf32>
            %select_n3A = arith.select %gt3A_384, %masked_sort3A_382, %while3A_127 : vector<16xi1>, vector<16xf32>
            %select_n3A_385 = arith.select %gt3A_384, %masked_sort3A_383, %while3A_128 : vector<16xi1>, vector<16xi32>
            %masked_sort3A_386 = arith.constant dense<true> : vector<16xi1>
            %masked_sort3A_387, %masked_sort3A_388, %masked_sort3A_389 = tpu.sort %select_n3A, %select_n3A_385 masked %masked_sort3A_386 : (vector<16xf32>, vector<16xi32>, vector<16xi1>) -> (vector<16xi1>, vector<16xf32>, vector<16xi32>)
            scf.yield %masked_sort3A_388, %masked_sort3A_389 : vector<16xf32>, vector<16xi32>
          } else {
            scf.yield %while3A_127, %while3A_128 : vector<16xf32>, vector<16xi32>
          }
          %reduce_min3A = arith.constant true
          %reduce_min3A_160 = vector.broadcast %reduce_min3A : i1 to vector<16xi1>
          %reduce_min3A_161 = tpu.scan <min>, %cond3A_159#0 masked %reduce_min3A_160 : vector<16xf32>, vector<16xi1> -> vector<16xf32>
          %reduce_min3A_162 = vector.extract %reduce_min3A_161[15] : f32 from vector<16xf32>
          %get3A_163 = arith.index_cast %scan3A_53 : i32 to index
          %get3A_164 = arith.index_cast %while3A_126 : i32 to index
          %get3A_165 = arith.constant 16 : index
          %get3A_166 = tpu.vector_load %arg15[%get3A_163, %get3A_164, %get3A_165] {strides = array<i32>} : memref<8x16x128xf32, #tpu.memory_space<vmem>>, vector<16xf32>,
          %mul3A_167 = arith.constant 128 : i32
          %mul3A_168 = arith.muli %squeeze3A, %mul3A_167 : i32
          %add3A_169 = arith.constant 16 : i32
          %add3A_170 = arith.addi %mul3A_168, %add3A_169 : i32
          %add3A_171 = vector.broadcast %add3A_170 : i32 to vector<16xi32>
          %add3A_172 = arith.addi %iota3A, %add3A_171 : vector<16xi32>
          %gt3A_173 = vector.broadcast %reduce_min3A_162 : f32 to vector<16xf32>
          %gt3A_174 = arith.cmpf ogt, %get3A_166, %gt3A_173 : vector<16xf32>
          %reduce_or3A_175 = arith.constant 1.000000e+00 : f32
          %reduce_or3A_176 = arith.constant 0.000000e+00 : f32
          %reduce_or3A_177 = vector.broadcast %reduce_or3A_175 : f32 to vector<16xf32>
          %reduce_or3A_178 = vector.broadcast %reduce_or3A_176 : f32 to vector<16xf32>
          %reduce_or3A_179 = arith.select %gt3A_174, %reduce_or3A_177, %reduce_or3A_178 : vector<16xi1>, vector<16xf32>
          %reduce_or3A_180 = arith.constant true
          %reduce_or3A_181 = vector.broadcast %reduce_or3A_180 : i1 to vector<16xi1>
          %reduce_or3A_182 = tpu.scan <max>, %reduce_or3A_179 masked %reduce_or3A_181 : vector<16xf32>, vector<16xi1> -> vector<16xf32>
          %reduce_or3A_183 = vector.extract %reduce_or3A_182[15] : f32 from vector<16xf32>
          %reduce_or3A_184 = arith.constant 0.000000e+00 : f32
          %reduce_or3A_185 = arith.cmpf ogt, %reduce_or3A_183, %reduce_or3A_184 : f32
          %convert_element_type3A_186 = arith.extui %reduce_or3A_185 : i1 to i32
          %cond3A_187 = arith.constant 0 : i32
          %cond3A_188 = arith.cmpi ne, %convert_element_type3A_186, %cond3A_187 : i32
          %cond3A_189:2 = scf.if %cond3A_188 -> (vector<16xf32>, vector<16xi32>) {
            %masked_sort3A_380 = arith.constant dense<true> : vector<16xi1>
            %masked_sort3A_381, %masked_sort3A_382, %masked_sort3A_383 = tpu.sort %get3A_166, %add3A_172 masked %masked_sort3A_380 {descending = true} : (vector<16xf32>, vector<16xi32>, vector<16xi1>) -> (vector<16xi1>, vector<16xf32>, vector<16xi32>)
            %gt3A_384 = arith.cmpf ogt, %masked_sort3A_382, %cond3A_159#0 : vector<16xf32>
            %select_n3A = arith.select %gt3A_384, %masked_sort3A_382, %cond3A_159#0 : vector<16xi1>, vector<16xf32>
            %select_n3A_385 = arith.select %gt3A_384, %masked_sort3A_383, %cond3A_159#1 : vector<16xi1>, vector<16xi32>
            %masked_sort3A_386 = arith.constant dense<true> : vector<16xi1>
            %masked_sort3A_387, %masked_sort3A_388, %masked_sort3A_389 = tpu.sort %select_n3A, %select_n3A_385 masked %masked_sort3A_386 : (vector<16xf32>, vector<16xi32>, vector<16xi1>) -> (vector<16xi1>, vector<16xf32>, vector<16xi32>)
            scf.yield %masked_sort3A_388, %masked_sort3A_389 : vector<16xf32>, vector<16xi32>
          } else {
            scf.yield %cond3A_159#0, %cond3A_159#1 : vector<16xf32>, vector<16xi32>
          }
          %reduce_min3A_190 = arith.constant true
          %reduce_min3A_191 = vector.broadcast %reduce_min3A_190 : i1 to vector<16xi1>
          %reduce_min3A_192 = tpu.scan <min>, %cond3A_189#0 masked %reduce_min3A_191 : vector<16xf32>, vector<16xi1> -> vector<16xf32>
          %reduce_min3A_193 = vector.extract %reduce_min3A_192[15] : f32 from vector<16xf32>
          %get3A_194 = arith.index_cast %scan3A_53 : i32 to index
          %get3A_195 = arith.index_cast %while3A_126 : i32 to index
          %get3A_196 = arith.constant 32 : index
          %get3A_197 = tpu.vector_load %arg15[%get3A_194, %get3A_195, %get3A_196] {strides = array<i32>} : memref<8x16x128xf32, #tpu.memory_space<vmem>>, vector<16xf32>,
          %mul3A_198 = arith.constant 128 : i32
          %mul3A_199 = arith.muli %squeeze3A, %mul3A_198 : i32
          %add3A_200 = arith.constant 32 : i32
          %add3A_201 = arith.addi %mul3A_199, %add3A_200 : i32
          %add3A_202 = vector.broadcast %add3A_201 : i32 to vector<16xi32>
          %add3A_203 = arith.addi %iota3A, %add3A_202 : vector<16xi32>
          %gt3A_204 = vector.broadcast %reduce_min3A_193 : f32 to vector<16xf32>
          %gt3A_205 = arith.cmpf ogt, %get3A_197, %gt3A_204 : vector<16xf32>
          %reduce_or3A_206 = arith.constant 1.000000e+00 : f32
          %reduce_or3A_207 = arith.constant 0.000000e+00 : f32
          %reduce_or3A_208 = vector.broadcast %reduce_or3A_206 : f32 to vector<16xf32>
          %reduce_or3A_209 = vector.broadcast %reduce_or3A_207 : f32 to vector<16xf32>
          %reduce_or3A_210 = arith.select %gt3A_205, %reduce_or3A_208, %reduce_or3A_209 : vector<16xi1>, vector<16xf32>
          %reduce_or3A_211 = arith.constant true
          %reduce_or3A_212 = vector.broadcast %reduce_or3A_211 : i1 to vector<16xi1>
          %reduce_or3A_213 = tpu.scan <max>, %reduce_or3A_210 masked %reduce_or3A_212 : vector<16xf32>, vector<16xi1> -> vector<16xf32>
          %reduce_or3A_214 = vector.extract %reduce_or3A_213[15] : f32 from vector<16xf32>
          %reduce_or3A_215 = arith.constant 0.000000e+00 : f32
          %reduce_or3A_216 = arith.cmpf ogt, %reduce_or3A_214, %reduce_or3A_215 : f32
          %convert_element_type3A_217 = arith.extui %reduce_or3A_216 : i1 to i32
          %cond3A_218 = arith.constant 0 : i32
          %cond3A_219 = arith.cmpi ne, %convert_element_type3A_217, %cond3A_218 : i32
          %cond3A_220:2 = scf.if %cond3A_219 -> (vector<16xf32>, vector<16xi32>) {
            %masked_sort3A_380 = arith.constant dense<true> : vector<16xi1>
            %masked_sort3A_381, %masked_sort3A_382, %masked_sort3A_383 = tpu.sort %get3A_197, %add3A_203 masked %masked_sort3A_380 {descending = true} : (vector<16xf32>, vector<16xi32>, vector<16xi1>) -> (vector<16xi1>, vector<16xf32>, vector<16xi32>)
            %gt3A_384 = arith.cmpf ogt, %masked_sort3A_382, %cond3A_189#0 : vector<16xf32>
            %select_n3A = arith.select %gt3A_384, %masked_sort3A_382, %cond3A_189#0 : vector<16xi1>, vector<16xf32>
            %select_n3A_385 = arith.select %gt3A_384, %masked_sort3A_383, %cond3A_189#1 : vector<16xi1>, vector<16xi32>
            %masked_sort3A_386 = arith.constant dense<true> : vector<16xi1>
            %masked_sort3A_387, %masked_sort3A_388, %masked_sort3A_389 = tpu.sort %select_n3A, %select_n3A_385 masked %masked_sort3A_386 : (vector<16xf32>, vector<16xi32>, vector<16xi1>) -> (vector<16xi1>, vector<16xf32>, vector<16xi32>)
            scf.yield %masked_sort3A_388, %masked_sort3A_389 : vector<16xf32>, vector<16xi32>
          } else {
            scf.yield %cond3A_189#0, %cond3A_189#1 : vector<16xf32>, vector<16xi32>
          }
          %reduce_min3A_221 = arith.constant true
          %reduce_min3A_222 = vector.broadcast %reduce_min3A_221 : i1 to vector<16xi1>
          %reduce_min3A_223 = tpu.scan <min>, %cond3A_220#0 masked %reduce_min3A_222 : vector<16xf32>, vector<16xi1> -> vector<16xf32>
          %reduce_min3A_224 = vector.extract %reduce_min3A_223[15] : f32 from vector<16xf32>
          %get3A_225 = arith.index_cast %scan3A_53 : i32 to index
          %get3A_226 = arith.index_cast %while3A_126 : i32 to index
          %get3A_227 = arith.constant 48 : index
          %get3A_228 = tpu.vector_load %arg15[%get3A_225, %get3A_226, %get3A_227] {strides = array<i32>} : memref<8x16x128xf32, #tpu.memory_space<vmem>>, vector<16xf32>,
          %mul3A_229 = arith.constant 128 : i32
          %mul3A_230 = arith.muli %squeeze3A, %mul3A_229 : i32
          %add3A_231 = arith.constant 48 : i32
          %add3A_232 = arith.addi %mul3A_230, %add3A_231 : i32
          %add3A_233 = vector.broadcast %add3A_232 : i32 to vector<16xi32>
          %add3A_234 = arith.addi %iota3A, %add3A_233 : vector<16xi32>
          %gt3A_235 = vector.broadcast %reduce_min3A_224 : f32 to vector<16xf32>
          %gt3A_236 = arith.cmpf ogt, %get3A_228, %gt3A_235 : vector<16xf32>
          %reduce_or3A_237 = arith.constant 1.000000e+00 : f32
          %reduce_or3A_238 = arith.constant 0.000000e+00 : f32
          %reduce_or3A_239 = vector.broadcast %reduce_or3A_237 : f32 to vector<16xf32>
          %reduce_or3A_240 = vector.broadcast %reduce_or3A_238 : f32 to vector<16xf32>
          %reduce_or3A_241 = arith.select %gt3A_236, %reduce_or3A_239, %reduce_or3A_240 : vector<16xi1>, vector<16xf32>
          %reduce_or3A_242 = arith.constant true
          %reduce_or3A_243 = vector.broadcast %reduce_or3A_242 : i1 to vector<16xi1>
          %reduce_or3A_244 = tpu.scan <max>, %reduce_or3A_241 masked %reduce_or3A_243 : vector<16xf32>, vector<16xi1> -> vector<16xf32>
          %reduce_or3A_245 = vector.extract %reduce_or3A_244[15] : f32 from vector<16xf32>
          %reduce_or3A_246 = arith.constant 0.000000e+00 : f32
          %reduce_or3A_247 = arith.cmpf ogt, %reduce_or3A_245, %reduce_or3A_246 : f32
          %convert_element_type3A_248 = arith.extui %reduce_or3A_247 : i1 to i32
          %cond3A_249 = arith.constant 0 : i32
          %cond3A_250 = arith.cmpi ne, %convert_element_type3A_248, %cond3A_249 : i32
          %cond3A_251:2 = scf.if %cond3A_250 -> (vector<16xf32>, vector<16xi32>) {
            %masked_sort3A_380 = arith.constant dense<true> : vector<16xi1>
            %masked_sort3A_381, %masked_sort3A_382, %masked_sort3A_383 = tpu.sort %get3A_228, %add3A_234 masked %masked_sort3A_380 {descending = true} : (vector<16xf32>, vector<16xi32>, vector<16xi1>) -> (vector<16xi1>, vector<16xf32>, vector<16xi32>)
            %gt3A_384 = arith.cmpf ogt, %masked_sort3A_382, %cond3A_220#0 : vector<16xf32>
            %select_n3A = arith.select %gt3A_384, %masked_sort3A_382, %cond3A_220#0 : vector<16xi1>, vector<16xf32>
            %select_n3A_385 = arith.select %gt3A_384, %masked_sort3A_383, %cond3A_220#1 : vector<16xi1>, vector<16xi32>
            %masked_sort3A_386 = arith.constant dense<true> : vector<16xi1>
            %masked_sort3A_387, %masked_sort3A_388, %masked_sort3A_389 = tpu.sort %select_n3A, %select_n3A_385 masked %masked_sort3A_386 : (vector<16xf32>, vector<16xi32>, vector<16xi1>) -> (vector<16xi1>, vector<16xf32>, vector<16xi32>)
            scf.yield %masked_sort3A_388, %masked_sort3A_389 : vector<16xf32>, vector<16xi32>
          } else {
            scf.yield %cond3A_220#0, %cond3A_220#1 : vector<16xf32>, vector<16xi32>
          }
          %reduce_min3A_252 = arith.constant true
          %reduce_min3A_253 = vector.broadcast %reduce_min3A_252 : i1 to vector<16xi1>
          %reduce_min3A_254 = tpu.scan <min>, %cond3A_251#0 masked %reduce_min3A_253 : vector<16xf32>, vector<16xi1> -> vector<16xf32>
          %reduce_min3A_255 = vector.extract %reduce_min3A_254[15] : f32 from vector<16xf32>
          %get3A_256 = arith.index_cast %scan3A_53 : i32 to index
          %get3A_257 = arith.index_cast %while3A_126 : i32 to index
          %get3A_258 = arith.constant 64 : index
          %get3A_259 = tpu.vector_load %arg15[%get3A_256, %get3A_257, %get3A_258] {strides = array<i32>} : memref<8x16x128xf32, #tpu.memory_space<vmem>>, vector<16xf32>,
          %mul3A_260 = arith.constant 128 : i32
          %mul3A_261 = arith.muli %squeeze3A, %mul3A_260 : i32
          %add3A_262 = arith.constant 64 : i32
          %add3A_263 = arith.addi %mul3A_261, %add3A_262 : i32
          %add3A_264 = vector.broadcast %add3A_263 : i32 to vector<16xi32>
          %add3A_265 = arith.addi %iota3A, %add3A_264 : vector<16xi32>
          %gt3A_266 = vector.broadcast %reduce_min3A_255 : f32 to vector<16xf32>
          %gt3A_267 = arith.cmpf ogt, %get3A_259, %gt3A_266 : vector<16xf32>
          %reduce_or3A_268 = arith.constant 1.000000e+00 : f32
          %reduce_or3A_269 = arith.constant 0.000000e+00 : f32
          %reduce_or3A_270 = vector.broadcast %reduce_or3A_268 : f32 to vector<16xf32>
          %reduce_or3A_271 = vector.broadcast %reduce_or3A_269 : f32 to vector<16xf32>
          %reduce_or3A_272 = arith.select %gt3A_267, %reduce_or3A_270, %reduce_or3A_271 : vector<16xi1>, vector<16xf32>
          %reduce_or3A_273 = arith.constant true
          %reduce_or3A_274 = vector.broadcast %reduce_or3A_273 : i1 to vector<16xi1>
          %reduce_or3A_275 = tpu.scan <max>, %reduce_or3A_272 masked %reduce_or3A_274 : vector<16xf32>, vector<16xi1> -> vector<16xf32>
          %reduce_or3A_276 = vector.extract %reduce_or3A_275[15] : f32 from vector<16xf32>
          %reduce_or3A_277 = arith.constant 0.000000e+00 : f32
          %reduce_or3A_278 = arith.cmpf ogt, %reduce_or3A_276, %reduce_or3A_277 : f32
          %convert_element_type3A_279 = arith.extui %reduce_or3A_278 : i1 to i32
          %cond3A_280 = arith.constant 0 : i32
          %cond3A_281 = arith.cmpi ne, %convert_element_type3A_279, %cond3A_280 : i32
          %cond3A_282:2 = scf.if %cond3A_281 -> (vector<16xf32>, vector<16xi32>) {
            %masked_sort3A_380 = arith.constant dense<true> : vector<16xi1>
            %masked_sort3A_381, %masked_sort3A_382, %masked_sort3A_383 = tpu.sort %get3A_259, %add3A_265 masked %masked_sort3A_380 {descending = true} : (vector<16xf32>, vector<16xi32>, vector<16xi1>) -> (vector<16xi1>, vector<16xf32>, vector<16xi32>)
            %gt3A_384 = arith.cmpf ogt, %masked_sort3A_382, %cond3A_251#0 : vector<16xf32>
            %select_n3A = arith.select %gt3A_384, %masked_sort3A_382, %cond3A_251#0 : vector<16xi1>, vector<16xf32>
            %select_n3A_385 = arith.select %gt3A_384, %masked_sort3A_383, %cond3A_251#1 : vector<16xi1>, vector<16xi32>
            %masked_sort3A_386 = arith.constant dense<true> : vector<16xi1>
            %masked_sort3A_387, %masked_sort3A_388, %masked_sort3A_389 = tpu.sort %select_n3A, %select_n3A_385 masked %masked_sort3A_386 : (vector<16xf32>, vector<16xi32>, vector<16xi1>) -> (vector<16xi1>, vector<16xf32>, vector<16xi32>)
            scf.yield %masked_sort3A_388, %masked_sort3A_389 : vector<16xf32>, vector<16xi32>
          } else {
            scf.yield %cond3A_251#0, %cond3A_251#1 : vector<16xf32>, vector<16xi32>
          }
          %reduce_min3A_283 = arith.constant true
          %reduce_min3A_284 = vector.broadcast %reduce_min3A_283 : i1 to vector<16xi1>
          %reduce_min3A_285 = tpu.scan <min>, %cond3A_282#0 masked %reduce_min3A_284 : vector<16xf32>, vector<16xi1> -> vector<16xf32>
          %reduce_min3A_286 = vector.extract %reduce_min3A_285[15] : f32 from vector<16xf32>
          %get3A_287 = arith.index_cast %scan3A_53 : i32 to index
          %get3A_288 = arith.index_cast %while3A_126 : i32 to index
          %get3A_289 = arith.constant 80 : index
          %get3A_290 = tpu.vector_load %arg15[%get3A_287, %get3A_288, %get3A_289] {strides = array<i32>} : memref<8x16x128xf32, #tpu.memory_space<vmem>>, vector<16xf32>,
          %mul3A_291 = arith.constant 128 : i32
          %mul3A_292 = arith.muli %squeeze3A, %mul3A_291 : i32
          %add3A_293 = arith.constant 80 : i32
          %add3A_294 = arith.addi %mul3A_292, %add3A_293 : i32
          %add3A_295 = vector.broadcast %add3A_294 : i32 to vector<16xi32>
          %add3A_296 = arith.addi %iota3A, %add3A_295 : vector<16xi32>
          %gt3A_297 = vector.broadcast %reduce_min3A_286 : f32 to vector<16xf32>
          %gt3A_298 = arith.cmpf ogt, %get3A_290, %gt3A_297 : vector<16xf32>
          %reduce_or3A_299 = arith.constant 1.000000e+00 : f32
          %reduce_or3A_300 = arith.constant 0.000000e+00 : f32
          %reduce_or3A_301 = vector.broadcast %reduce_or3A_299 : f32 to vector<16xf32>
          %reduce_or3A_302 = vector.broadcast %reduce_or3A_300 : f32 to vector<16xf32>
          %reduce_or3A_303 = arith.select %gt3A_298, %reduce_or3A_301, %reduce_or3A_302 : vector<16xi1>, vector<16xf32>
          %reduce_or3A_304 = arith.constant true
          %reduce_or3A_305 = vector.broadcast %reduce_or3A_304 : i1 to vector<16xi1>
          %reduce_or3A_306 = tpu.scan <max>, %reduce_or3A_303 masked %reduce_or3A_305 : vector<16xf32>, vector<16xi1> -> vector<16xf32>
          %reduce_or3A_307 = vector.extract %reduce_or3A_306[15] : f32 from vector<16xf32>
          %reduce_or3A_308 = arith.constant 0.000000e+00 : f32
          %reduce_or3A_309 = arith.cmpf ogt, %reduce_or3A_307, %reduce_or3A_308 : f32
          %convert_element_type3A_310 = arith.extui %reduce_or3A_309 : i1 to i32
          %cond3A_311 = arith.constant 0 : i32
          %cond3A_312 = arith.cmpi ne, %convert_element_type3A_310, %cond3A_311 : i32
          %cond3A_313:2 = scf.if %cond3A_312 -> (vector<16xf32>, vector<16xi32>) {
            %masked_sort3A_380 = arith.constant dense<true> : vector<16xi1>
            %masked_sort3A_381, %masked_sort3A_382, %masked_sort3A_383 = tpu.sort %get3A_290, %add3A_296 masked %masked_sort3A_380 {descending = true} : (vector<16xf32>, vector<16xi32>, vector<16xi1>) -> (vector<16xi1>, vector<16xf32>, vector<16xi32>)
            %gt3A_384 = arith.cmpf ogt, %masked_sort3A_382, %cond3A_282#0 : vector<16xf32>
            %select_n3A = arith.select %gt3A_384, %masked_sort3A_382, %cond3A_282#0 : vector<16xi1>, vector<16xf32>
            %select_n3A_385 = arith.select %gt3A_384, %masked_sort3A_383, %cond3A_282#1 : vector<16xi1>, vector<16xi32>
            %masked_sort3A_386 = arith.constant dense<true> : vector<16xi1>
            %masked_sort3A_387, %masked_sort3A_388, %masked_sort3A_389 = tpu.sort %select_n3A, %select_n3A_385 masked %masked_sort3A_386 : (vector<16xf32>, vector<16xi32>, vector<16xi1>) -> (vector<16xi1>, vector<16xf32>, vector<16xi32>)
            scf.yield %masked_sort3A_388, %masked_sort3A_389 : vector<16xf32>, vector<16xi32>
          } else {
            scf.yield %cond3A_282#0, %cond3A_282#1 : vector<16xf32>, vector<16xi32>
          }
          %reduce_min3A_314 = arith.constant true
          %reduce_min3A_315 = vector.broadcast %reduce_min3A_314 : i1 to vector<16xi1>
          %reduce_min3A_316 = tpu.scan <min>, %cond3A_313#0 masked %reduce_min3A_315 : vector<16xf32>, vector<16xi1> -> vector<16xf32>
          %reduce_min3A_317 = vector.extract %reduce_min3A_316[15] : f32 from vector<16xf32>
          %get3A_318 = arith.index_cast %scan3A_53 : i32 to index
          %get3A_319 = arith.index_cast %while3A_126 : i32 to index
          %get3A_320 = arith.constant 96 : index
          %get3A_321 = tpu.vector_load %arg15[%get3A_318, %get3A_319, %get3A_320] {strides = array<i32>} : memref<8x16x128xf32, #tpu.memory_space<vmem>>, vector<16xf32>,
          %mul3A_322 = arith.constant 128 : i32
          %mul3A_323 = arith.muli %squeeze3A, %mul3A_322 : i32
          %add3A_324 = arith.constant 96 : i32
          %add3A_325 = arith.addi %mul3A_323, %add3A_324 : i32
          %add3A_326 = vector.broadcast %add3A_325 : i32 to vector<16xi32>
          %add3A_327 = arith.addi %iota3A, %add3A_326 : vector<16xi32>
          %gt3A_328 = vector.broadcast %reduce_min3A_317 : f32 to vector<16xf32>
          %gt3A_329 = arith.cmpf ogt, %get3A_321, %gt3A_328 : vector<16xf32>
          %reduce_or3A_330 = arith.constant 1.000000e+00 : f32
          %reduce_or3A_331 = arith.constant 0.000000e+00 : f32
          %reduce_or3A_332 = vector.broadcast %reduce_or3A_330 : f32 to vector<16xf32>
          %reduce_or3A_333 = vector.broadcast %reduce_or3A_331 : f32 to vector<16xf32>
          %reduce_or3A_334 = arith.select %gt3A_329, %reduce_or3A_332, %reduce_or3A_333 : vector<16xi1>, vector<16xf32>
          %reduce_or3A_335 = arith.constant true
          %reduce_or3A_336 = vector.broadcast %reduce_or3A_335 : i1 to vector<16xi1>
          %reduce_or3A_337 = tpu.scan <max>, %reduce_or3A_334 masked %reduce_or3A_336 : vector<16xf32>, vector<16xi1> -> vector<16xf32>
          %reduce_or3A_338 = vector.extract %reduce_or3A_337[15] : f32 from vector<16xf32>
          %reduce_or3A_339 = arith.constant 0.000000e+00 : f32
          %reduce_or3A_340 = arith.cmpf ogt, %reduce_or3A_338, %reduce_or3A_339 : f32
          %convert_element_type3A_341 = arith.extui %reduce_or3A_340 : i1 to i32
          %cond3A_342 = arith.constant 0 : i32
          %cond3A_343 = arith.cmpi ne, %convert_element_type3A_341, %cond3A_342 : i32
          %cond3A_344:2 = scf.if %cond3A_343 -> (vector<16xf32>, vector<16xi32>) {
            %masked_sort3A_380 = arith.constant dense<true> : vector<16xi1>
            %masked_sort3A_381, %masked_sort3A_382, %masked_sort3A_383 = tpu.sort %get3A_321, %add3A_327 masked %masked_sort3A_380 {descending = true} : (vector<16xf32>, vector<16xi32>, vector<16xi1>) -> (vector<16xi1>, vector<16xf32>, vector<16xi32>)
            %gt3A_384 = arith.cmpf ogt, %masked_sort3A_382, %cond3A_313#0 : vector<16xf32>
            %select_n3A = arith.select %gt3A_384, %masked_sort3A_382, %cond3A_313#0 : vector<16xi1>, vector<16xf32>
            %select_n3A_385 = arith.select %gt3A_384, %masked_sort3A_383, %cond3A_313#1 : vector<16xi1>, vector<16xi32>
            %masked_sort3A_386 = arith.constant dense<true> : vector<16xi1>
            %masked_sort3A_387, %masked_sort3A_388, %masked_sort3A_389 = tpu.sort %select_n3A, %select_n3A_385 masked %masked_sort3A_386 : (vector<16xf32>, vector<16xi32>, vector<16xi1>) -> (vector<16xi1>, vector<16xf32>, vector<16xi32>)
            scf.yield %masked_sort3A_388, %masked_sort3A_389 : vector<16xf32>, vector<16xi32>
          } else {
            scf.yield %cond3A_313#0, %cond3A_313#1 : vector<16xf32>, vector<16xi32>
          }
          %reduce_min3A_345 = arith.constant true
          %reduce_min3A_346 = vector.broadcast %reduce_min3A_345 : i1 to vector<16xi1>
          %reduce_min3A_347 = tpu.scan <min>, %cond3A_344#0 masked %reduce_min3A_346 : vector<16xf32>, vector<16xi1> -> vector<16xf32>
          %reduce_min3A_348 = vector.extract %reduce_min3A_347[15] : f32 from vector<16xf32>
          %get3A_349 = arith.index_cast %scan3A_53 : i32 to index
          %get3A_350 = arith.index_cast %while3A_126 : i32 to index
          %get3A_351 = arith.constant 112 : index
          %get3A_352 = tpu.vector_load %arg15[%get3A_349, %get3A_350, %get3A_351] {strides = array<i32>} : memref<8x16x128xf32, #tpu.memory_space<vmem>>, vector<16xf32>,
          %mul3A_353 = arith.constant 128 : i32
          %mul3A_354 = arith.muli %squeeze3A, %mul3A_353 : i32
          %add3A_355 = arith.constant 112 : i32
          %add3A_356 = arith.addi %mul3A_354, %add3A_355 : i32
          %add3A_357 = vector.broadcast %add3A_356 : i32 to vector<16xi32>
          %add3A_358 = arith.addi %iota3A, %add3A_357 : vector<16xi32>
          %gt3A_359 = vector.broadcast %reduce_min3A_348 : f32 to vector<16xf32>
          %gt3A_360 = arith.cmpf ogt, %get3A_352, %gt3A_359 : vector<16xf32>
          %reduce_or3A_361 = arith.constant 1.000000e+00 : f32
          %reduce_or3A_362 = arith.constant 0.000000e+00 : f32
          %reduce_or3A_363 = vector.broadcast %reduce_or3A_361 : f32 to vector<16xf32>
          %reduce_or3A_364 = vector.broadcast %reduce_or3A_362 : f32 to vector<16xf32>
          %reduce_or3A_365 = arith.select %gt3A_360, %reduce_or3A_363, %reduce_or3A_364 : vector<16xi1>, vector<16xf32>
          %reduce_or3A_366 = arith.constant true
          %reduce_or3A_367 = vector.broadcast %reduce_or3A_366 : i1 to vector<16xi1>
          %reduce_or3A_368 = tpu.scan <max>, %reduce_or3A_365 masked %reduce_or3A_367 : vector<16xf32>, vector<16xi1> -> vector<16xf32>
          %reduce_or3A_369 = vector.extract %reduce_or3A_368[15] : f32 from vector<16xf32>
          %reduce_or3A_370 = arith.constant 0.000000e+00 : f32
          %reduce_or3A_371 = arith.cmpf ogt, %reduce_or3A_369, %reduce_or3A_370 : f32
          %convert_element_type3A_372 = arith.extui %reduce_or3A_371 : i1 to i32
          %cond3A_373 = arith.constant 0 : i32
          %cond3A_374 = arith.cmpi ne, %convert_element_type3A_372, %cond3A_373 : i32
          %cond3A_375:2 = scf.if %cond3A_374 -> (vector<16xf32>, vector<16xi32>) {
            %masked_sort3A_380 = arith.constant dense<true> : vector<16xi1>
            %masked_sort3A_381, %masked_sort3A_382, %masked_sort3A_383 = tpu.sort %get3A_352, %add3A_358 masked %masked_sort3A_380 {descending = true} : (vector<16xf32>, vector<16xi32>, vector<16xi1>) -> (vector<16xi1>, vector<16xf32>, vector<16xi32>)
            %gt3A_384 = arith.cmpf ogt, %masked_sort3A_382, %cond3A_344#0 : vector<16xf32>
            %select_n3A = arith.select %gt3A_384, %masked_sort3A_382, %cond3A_344#0 : vector<16xi1>, vector<16xf32>
            %select_n3A_385 = arith.select %gt3A_384, %masked_sort3A_383, %cond3A_344#1 : vector<16xi1>, vector<16xi32>
            %masked_sort3A_386 = arith.constant dense<true> : vector<16xi1>
            %masked_sort3A_387, %masked_sort3A_388, %masked_sort3A_389 = tpu.sort %select_n3A, %select_n3A_385 masked %masked_sort3A_386 : (vector<16xf32>, vector<16xi32>, vector<16xi1>) -> (vector<16xi1>, vector<16xf32>, vector<16xi32>)
            scf.yield %masked_sort3A_388, %masked_sort3A_389 : vector<16xf32>, vector<16xi32>
          } else {
            scf.yield %cond3A_344#0, %cond3A_344#1 : vector<16xf32>, vector<16xi32>
          }
          %reduce_min3A_376 = arith.constant true
          %reduce_min3A_377 = vector.broadcast %reduce_min3A_376 : i1 to vector<16xi1>
          %reduce_min3A_378 = tpu.scan <min>, %cond3A_375#0 masked %reduce_min3A_377 : vector<16xf32>, vector<16xi1> -> vector<16xf32>
          %reduce_min3A_379 = vector.extract %reduce_min3A_378[15] : f32 from vector<16xf32>
          scf.yield %cond3A_375#0, %cond3A_375#1, %reduce_min3A_379 : vector<16xf32>, vector<16xi32>, f32
        }
        %while3A_86 = arith.constant 1 : i32
        %while3A_87:3 = scf.for %while3A_126 = %while3A_83 to %while3A_79 step %while3A_86 iter_args(%while3A_127 = %while3A_85#0, %while3A_128 = %while3A_85#1, %while3A_129 = %while3A_85#2) -> (vector<16xf32>, vector<16xi32>, f32)  : i32 {
          %mul3A_130 = arith.constant 144 : i32
          %mul3A_131 = arith.muli %scan3A_53, %mul3A_130 : i32
          %add3A_132 = arith.addi %mul3A_131, %while3A_126 : i32
          %get3A_133 = arith.index_cast %add3A_132 : i32 to index
          %get3A_134 = tpu.vector_load %arg13[%get3A_133] {strides = array<i32>} : memref<1152xi32, #tpu.memory_space<vmem>>, vector<16xi32>,
          %slice3A = vector.extract_strided_slice %get3A_134 {offsets = [0], sizes = [1], strides = [1]} : vector<16xi32> to vector<1xi32>
          %squeeze3A = vector.extract %slice3A[0] : i32 from vector<1xi32>
          %get3A_135 = arith.index_cast %scan3A_53 : i32 to index
          %get3A_136 = arith.index_cast %while3A_126 : i32 to index
          %get3A_137 = arith.constant 0 : index
          %get3A_138 = tpu.vector_load %arg15[%get3A_135, %get3A_136, %get3A_137] {strides = array<i32>} : memref<8x16x128xf32, #tpu.memory_space<vmem>>, vector<16xf32>,
          %mul3A_139 = arith.constant 128 : i32
          %mul3A_140 = arith.muli %squeeze3A, %mul3A_139 : i32
          %add3A_141 = arith.constant 0 : i32
          %add3A_142 = arith.addi %mul3A_140, %add3A_141 : i32
          %add3A_143 = vector.broadcast %add3A_142 : i32 to vector<16xi32>
          %add3A_144 = arith.addi %iota3A, %add3A_143 : vector<16xi32>
          %gt3A = vector.broadcast %while3A_129 : f32 to vector<16xf32>
          %gt3A_145 = arith.cmpf ogt, %get3A_138, %gt3A : vector<16xf32>
          %reduce_or3A = arith.constant 1.000000e+00 : f32
          %reduce_or3A_146 = arith.constant 0.000000e+00 : f32
          %reduce_or3A_147 = vector.broadcast %reduce_or3A : f32 to vector<16xf32>
          %reduce_or3A_148 = vector.broadcast %reduce_or3A_146 : f32 to vector<16xf32>
          %reduce_or3A_149 = arith.select %gt3A_145, %reduce_or3A_147, %reduce_or3A_148 : vector<16xi1>, vector<16xf32>
          %reduce_or3A_150 = arith.constant true
          %reduce_or3A_151 = vector.broadcast %reduce_or3A_150 : i1 to vector<16xi1>
          %reduce_or3A_152 = tpu.scan <max>, %reduce_or3A_149 masked %reduce_or3A_151 : vector<16xf32>, vector<16xi1> -> vector<16xf32>
          %reduce_or3A_153 = vector.extract %reduce_or3A_152[15] : f32 from vector<16xf32>
          %reduce_or3A_154 = arith.constant 0.000000e+00 : f32
          %reduce_or3A_155 = arith.cmpf ogt, %reduce_or3A_153, %reduce_or3A_154 : f32
          %convert_element_type3A_156 = arith.extui %reduce_or3A_155 : i1 to i32
          %cond3A_157 = arith.constant 0 : i32
          %cond3A_158 = arith.cmpi ne, %convert_element_type3A_156, %cond3A_157 : i32
          %cond3A_159:2 = scf.if %cond3A_158 -> (vector<16xf32>, vector<16xi32>) {
            %masked_sort3A_380 = arith.constant dense<true> : vector<16xi1>
            %masked_sort3A_381, %masked_sort3A_382, %masked_sort3A_383 = tpu.sort %get3A_138, %add3A_144 masked %masked_sort3A_380 {descending = true} : (vector<16xf32>, vector<16xi32>, vector<16xi1>) -> (vector<16xi1>, vector<16xf32>, vector<16xi32>)
            %gt3A_384 = arith.cmpf ogt, %masked_sort3A_382, %while3A_127 : vector<16xf32>
            %select_n3A = arith.select %gt3A_384, %masked_sort3A_382, %while3A_127 : vector<16xi1>, vector<16xf32>
            %select_n3A_385 = arith.select %gt3A_384, %masked_sort3A_383, %while3A_128 : vector<16xi1>, vector<16xi32>
            %masked_sort3A_386 = arith.constant dense<true> : vector<16xi1>
            %masked_sort3A_387, %masked_sort3A_388, %masked_sort3A_389 = tpu.sort %select_n3A, %select_n3A_385 masked %masked_sort3A_386 : (vector<16xf32>, vector<16xi32>, vector<16xi1>) -> (vector<16xi1>, vector<16xf32>, vector<16xi32>)
            scf.yield %masked_sort3A_388, %masked_sort3A_389 : vector<16xf32>, vector<16xi32>
          } else {
            scf.yield %while3A_127, %while3A_128 : vector<16xf32>, vector<16xi32>
          }
          %reduce_min3A = arith.constant true
          %reduce_min3A_160 = vector.broadcast %reduce_min3A : i1 to vector<16xi1>
          %reduce_min3A_161 = tpu.scan <min>, %cond3A_159#0 masked %reduce_min3A_160 : vector<16xf32>, vector<16xi1> -> vector<16xf32>
          %reduce_min3A_162 = vector.extract %reduce_min3A_161[15] : f32 from vector<16xf32>
          %get3A_163 = arith.index_cast %scan3A_53 : i32 to index
          %get3A_164 = arith.index_cast %while3A_126 : i32 to index
          %get3A_165 = arith.constant 16 : index
          %get3A_166 = tpu.vector_load %arg15[%get3A_163, %get3A_164, %get3A_165] {strides = array<i32>} : memref<8x16x128xf32, #tpu.memory_space<vmem>>, vector<16xf32>,
          %mul3A_167 = arith.constant 128 : i32
          %mul3A_168 = arith.muli %squeeze3A, %mul3A_167 : i32
          %add3A_169 = arith.constant 16 : i32
          %add3A_170 = arith.addi %mul3A_168, %add3A_169 : i32
          %add3A_171 = vector.broadcast %add3A_170 : i32 to vector<16xi32>
          %add3A_172 = arith.addi %iota3A, %add3A_171 : vector<16xi32>
          %gt3A_173 = vector.broadcast %reduce_min3A_162 : f32 to vector<16xf32>
          %gt3A_174 = arith.cmpf ogt, %get3A_166, %gt3A_173 : vector<16xf32>
          %reduce_or3A_175 = arith.constant 1.000000e+00 : f32
          %reduce_or3A_176 = arith.constant 0.000000e+00 : f32
          %reduce_or3A_177 = vector.broadcast %reduce_or3A_175 : f32 to vector<16xf32>
          %reduce_or3A_178 = vector.broadcast %reduce_or3A_176 : f32 to vector<16xf32>
          %reduce_or3A_179 = arith.select %gt3A_174, %reduce_or3A_177, %reduce_or3A_178 : vector<16xi1>, vector<16xf32>
          %reduce_or3A_180 = arith.constant true
          %reduce_or3A_181 = vector.broadcast %reduce_or3A_180 : i1 to vector<16xi1>
          %reduce_or3A_182 = tpu.scan <max>, %reduce_or3A_179 masked %reduce_or3A_181 : vector<16xf32>, vector<16xi1> -> vector<16xf32>
          %reduce_or3A_183 = vector.extract %reduce_or3A_182[15] : f32 from vector<16xf32>
          %reduce_or3A_184 = arith.constant 0.000000e+00 : f32
          %reduce_or3A_185 = arith.cmpf ogt, %reduce_or3A_183, %reduce_or3A_184 : f32
          %convert_element_type3A_186 = arith.extui %reduce_or3A_185 : i1 to i32
          %cond3A_187 = arith.constant 0 : i32
          %cond3A_188 = arith.cmpi ne, %convert_element_type3A_186, %cond3A_187 : i32
          %cond3A_189:2 = scf.if %cond3A_188 -> (vector<16xf32>, vector<16xi32>) {
            %masked_sort3A_380 = arith.constant dense<true> : vector<16xi1>
            %masked_sort3A_381, %masked_sort3A_382, %masked_sort3A_383 = tpu.sort %get3A_166, %add3A_172 masked %masked_sort3A_380 {descending = true} : (vector<16xf32>, vector<16xi32>, vector<16xi1>) -> (vector<16xi1>, vector<16xf32>, vector<16xi32>)
            %gt3A_384 = arith.cmpf ogt, %masked_sort3A_382, %cond3A_159#0 : vector<16xf32>
            %select_n3A = arith.select %gt3A_384, %masked_sort3A_382, %cond3A_159#0 : vector<16xi1>, vector<16xf32>
            %select_n3A_385 = arith.select %gt3A_384, %masked_sort3A_383, %cond3A_159#1 : vector<16xi1>, vector<16xi32>
            %masked_sort3A_386 = arith.constant dense<true> : vector<16xi1>
            %masked_sort3A_387, %masked_sort3A_388, %masked_sort3A_389 = tpu.sort %select_n3A, %select_n3A_385 masked %masked_sort3A_386 : (vector<16xf32>, vector<16xi32>, vector<16xi1>) -> (vector<16xi1>, vector<16xf32>, vector<16xi32>)
            scf.yield %masked_sort3A_388, %masked_sort3A_389 : vector<16xf32>, vector<16xi32>
          } else {
            scf.yield %cond3A_159#0, %cond3A_159#1 : vector<16xf32>, vector<16xi32>
          }
          %reduce_min3A_190 = arith.constant true
          %reduce_min3A_191 = vector.broadcast %reduce_min3A_190 : i1 to vector<16xi1>
          %reduce_min3A_192 = tpu.scan <min>, %cond3A_189#0 masked %reduce_min3A_191 : vector<16xf32>, vector<16xi1> -> vector<16xf32>
          %reduce_min3A_193 = vector.extract %reduce_min3A_192[15] : f32 from vector<16xf32>
          %get3A_194 = arith.index_cast %scan3A_53 : i32 to index
          %get3A_195 = arith.index_cast %while3A_126 : i32 to index
          %get3A_196 = arith.constant 32 : index
          %get3A_197 = tpu.vector_load %arg15[%get3A_194, %get3A_195, %get3A_196] {strides = array<i32>} : memref<8x16x128xf32, #tpu.memory_space<vmem>>, vector<16xf32>,
          %mul3A_198 = arith.constant 128 : i32
          %mul3A_199 = arith.muli %squeeze3A, %mul3A_198 : i32
          %add3A_200 = arith.constant 32 : i32
          %add3A_201 = arith.addi %mul3A_199, %add3A_200 : i32
          %add3A_202 = vector.broadcast %add3A_201 : i32 to vector<16xi32>
          %add3A_203 = arith.addi %iota3A, %add3A_202 : vector<16xi32>
          %gt3A_204 = vector.broadcast %reduce_min3A_193 : f32 to vector<16xf32>
          %gt3A_205 = arith.cmpf ogt, %get3A_197, %gt3A_204 : vector<16xf32>
          %reduce_or3A_206 = arith.constant 1.000000e+00 : f32
          %reduce_or3A_207 = arith.constant 0.000000e+00 : f32
          %reduce_or3A_208 = vector.broadcast %reduce_or3A_206 : f32 to vector<16xf32>
          %reduce_or3A_209 = vector.broadcast %reduce_or3A_207 : f32 to vector<16xf32>
          %reduce_or3A_210 = arith.select %gt3A_205, %reduce_or3A_208, %reduce_or3A_209 : vector<16xi1>, vector<16xf32>
          %reduce_or3A_211 = arith.constant true
          %reduce_or3A_212 = vector.broadcast %reduce_or3A_211 : i1 to vector<16xi1>
          %reduce_or3A_213 = tpu.scan <max>, %reduce_or3A_210 masked %reduce_or3A_212 : vector<16xf32>, vector<16xi1> -> vector<16xf32>
          %reduce_or3A_214 = vector.extract %reduce_or3A_213[15] : f32 from vector<16xf32>
          %reduce_or3A_215 = arith.constant 0.000000e+00 : f32
          %reduce_or3A_216 = arith.cmpf ogt, %reduce_or3A_214, %reduce_or3A_215 : f32
          %convert_element_type3A_217 = arith.extui %reduce_or3A_216 : i1 to i32
          %cond3A_218 = arith.constant 0 : i32
          %cond3A_219 = arith.cmpi ne, %convert_element_type3A_217, %cond3A_218 : i32
          %cond3A_220:2 = scf.if %cond3A_219 -> (vector<16xf32>, vector<16xi32>) {
            %masked_sort3A_380 = arith.constant dense<true> : vector<16xi1>
            %masked_sort3A_381, %masked_sort3A_382, %masked_sort3A_383 = tpu.sort %get3A_197, %add3A_203 masked %masked_sort3A_380 {descending = true} : (vector<16xf32>, vector<16xi32>, vector<16xi1>) -> (vector<16xi1>, vector<16xf32>, vector<16xi32>)
            %gt3A_384 = arith.cmpf ogt, %masked_sort3A_382, %cond3A_189#0 : vector<16xf32>
            %select_n3A = arith.select %gt3A_384, %masked_sort3A_382, %cond3A_189#0 : vector<16xi1>, vector<16xf32>
            %select_n3A_385 = arith.select %gt3A_384, %masked_sort3A_383, %cond3A_189#1 : vector<16xi1>, vector<16xi32>
            %masked_sort3A_386 = arith.constant dense<true> : vector<16xi1>
            %masked_sort3A_387, %masked_sort3A_388, %masked_sort3A_389 = tpu.sort %select_n3A, %select_n3A_385 masked %masked_sort3A_386 : (vector<16xf32>, vector<16xi32>, vector<16xi1>) -> (vector<16xi1>, vector<16xf32>, vector<16xi32>)
            scf.yield %masked_sort3A_388, %masked_sort3A_389 : vector<16xf32>, vector<16xi32>
          } else {
            scf.yield %cond3A_189#0, %cond3A_189#1 : vector<16xf32>, vector<16xi32>
          }
          %reduce_min3A_221 = arith.constant true
          %reduce_min3A_222 = vector.broadcast %reduce_min3A_221 : i1 to vector<16xi1>
          %reduce_min3A_223 = tpu.scan <min>, %cond3A_220#0 masked %reduce_min3A_222 : vector<16xf32>, vector<16xi1> -> vector<16xf32>
          %reduce_min3A_224 = vector.extract %reduce_min3A_223[15] : f32 from vector<16xf32>
          %get3A_225 = arith.index_cast %scan3A_53 : i32 to index
          %get3A_226 = arith.index_cast %while3A_126 : i32 to index
          %get3A_227 = arith.constant 48 : index
          %get3A_228 = tpu.vector_load %arg15[%get3A_225, %get3A_226, %get3A_227] {strides = array<i32>} : memref<8x16x128xf32, #tpu.memory_space<vmem>>, vector<16xf32>,
          %mul3A_229 = arith.constant 128 : i32
          %mul3A_230 = arith.muli %squeeze3A, %mul3A_229 : i32
          %add3A_231 = arith.constant 48 : i32
          %add3A_232 = arith.addi %mul3A_230, %add3A_231 : i32
          %add3A_233 = vector.broadcast %add3A_232 : i32 to vector<16xi32>
          %add3A_234 = arith.addi %iota3A, %add3A_233 : vector<16xi32>
          %gt3A_235 = vector.broadcast %reduce_min3A_224 : f32 to vector<16xf32>
          %gt3A_236 = arith.cmpf ogt, %get3A_228, %gt3A_235 : vector<16xf32>
          %reduce_or3A_237 = arith.constant 1.000000e+00 : f32
          %reduce_or3A_238 = arith.constant 0.000000e+00 : f32
          %reduce_or3A_239 = vector.broadcast %reduce_or3A_237 : f32 to vector<16xf32>
          %reduce_or3A_240 = vector.broadcast %reduce_or3A_238 : f32 to vector<16xf32>
          %reduce_or3A_241 = arith.select %gt3A_236, %reduce_or3A_239, %reduce_or3A_240 : vector<16xi1>, vector<16xf32>
          %reduce_or3A_242 = arith.constant true
          %reduce_or3A_243 = vector.broadcast %reduce_or3A_242 : i1 to vector<16xi1>
          %reduce_or3A_244 = tpu.scan <max>, %reduce_or3A_241 masked %reduce_or3A_243 : vector<16xf32>, vector<16xi1> -> vector<16xf32>
          %reduce_or3A_245 = vector.extract %reduce_or3A_244[15] : f32 from vector<16xf32>
          %reduce_or3A_246 = arith.constant 0.000000e+00 : f32
          %reduce_or3A_247 = arith.cmpf ogt, %reduce_or3A_245, %reduce_or3A_246 : f32
          %convert_element_type3A_248 = arith.extui %reduce_or3A_247 : i1 to i32
          %cond3A_249 = arith.constant 0 : i32
          %cond3A_250 = arith.cmpi ne, %convert_element_type3A_248, %cond3A_249 : i32
          %cond3A_251:2 = scf.if %cond3A_250 -> (vector<16xf32>, vector<16xi32>) {
            %masked_sort3A_380 = arith.constant dense<true> : vector<16xi1>
            %masked_sort3A_381, %masked_sort3A_382, %masked_sort3A_383 = tpu.sort %get3A_228, %add3A_234 masked %masked_sort3A_380 {descending = true} : (vector<16xf32>, vector<16xi32>, vector<16xi1>) -> (vector<16xi1>, vector<16xf32>, vector<16xi32>)
            %gt3A_384 = arith.cmpf ogt, %masked_sort3A_382, %cond3A_220#0 : vector<16xf32>
            %select_n3A = arith.select %gt3A_384, %masked_sort3A_382, %cond3A_220#0 : vector<16xi1>, vector<16xf32>
            %select_n3A_385 = arith.select %gt3A_384, %masked_sort3A_383, %cond3A_220#1 : vector<16xi1>, vector<16xi32>
            %masked_sort3A_386 = arith.constant dense<true> : vector<16xi1>
            %masked_sort3A_387, %masked_sort3A_388, %masked_sort3A_389 = tpu.sort %select_n3A, %select_n3A_385 masked %masked_sort3A_386 : (vector<16xf32>, vector<16xi32>, vector<16xi1>) -> (vector<16xi1>, vector<16xf32>, vector<16xi32>)
            scf.yield %masked_sort3A_388, %masked_sort3A_389 : vector<16xf32>, vector<16xi32>
          } else {
            scf.yield %cond3A_220#0, %cond3A_220#1 : vector<16xf32>, vector<16xi32>
          }
          %reduce_min3A_252 = arith.constant true
          %reduce_min3A_253 = vector.broadcast %reduce_min3A_252 : i1 to vector<16xi1>
          %reduce_min3A_254 = tpu.scan <min>, %cond3A_251#0 masked %reduce_min3A_253 : vector<16xf32>, vector<16xi1> -> vector<16xf32>
          %reduce_min3A_255 = vector.extract %reduce_min3A_254[15] : f32 from vector<16xf32>
          %get3A_256 = arith.index_cast %scan3A_53 : i32 to index
          %get3A_257 = arith.index_cast %while3A_126 : i32 to index
          %get3A_258 = arith.constant 64 : index
          %get3A_259 = tpu.vector_load %arg15[%get3A_256, %get3A_257, %get3A_258] {strides = array<i32>} : memref<8x16x128xf32, #tpu.memory_space<vmem>>, vector<16xf32>,
          %mul3A_260 = arith.constant 128 : i32
          %mul3A_261 = arith.muli %squeeze3A, %mul3A_260 : i32
          %add3A_262 = arith.constant 64 : i32
          %add3A_263 = arith.addi %mul3A_261, %add3A_262 : i32
          %add3A_264 = vector.broadcast %add3A_263 : i32 to vector<16xi32>
          %add3A_265 = arith.addi %iota3A, %add3A_264 : vector<16xi32>
          %gt3A_266 = vector.broadcast %reduce_min3A_255 : f32 to vector<16xf32>
          %gt3A_267 = arith.cmpf ogt, %get3A_259, %gt3A_266 : vector<16xf32>
          %reduce_or3A_268 = arith.constant 1.000000e+00 : f32
          %reduce_or3A_269 = arith.constant 0.000000e+00 : f32
          %reduce_or3A_270 = vector.broadcast %reduce_or3A_268 : f32 to vector<16xf32>
          %reduce_or3A_271 = vector.broadcast %reduce_or3A_269 : f32 to vector<16xf32>
          %reduce_or3A_272 = arith.select %gt3A_267, %reduce_or3A_270, %reduce_or3A_271 : vector<16xi1>, vector<16xf32>
          %reduce_or3A_273 = arith.constant true
          %reduce_or3A_274 = vector.broadcast %reduce_or3A_273 : i1 to vector<16xi1>
          %reduce_or3A_275 = tpu.scan <max>, %reduce_or3A_272 masked %reduce_or3A_274 : vector<16xf32>, vector<16xi1> -> vector<16xf32>
          %reduce_or3A_276 = vector.extract %reduce_or3A_275[15] : f32 from vector<16xf32>
          %reduce_or3A_277 = arith.constant 0.000000e+00 : f32
          %reduce_or3A_278 = arith.cmpf ogt, %reduce_or3A_276, %reduce_or3A_277 : f32
          %convert_element_type3A_279 = arith.extui %reduce_or3A_278 : i1 to i32
          %cond3A_280 = arith.constant 0 : i32
          %cond3A_281 = arith.cmpi ne, %convert_element_type3A_279, %cond3A_280 : i32
          %cond3A_282:2 = scf.if %cond3A_281 -> (vector<16xf32>, vector<16xi32>) {
            %masked_sort3A_380 = arith.constant dense<true> : vector<16xi1>
            %masked_sort3A_381, %masked_sort3A_382, %masked_sort3A_383 = tpu.sort %get3A_259, %add3A_265 masked %masked_sort3A_380 {descending = true} : (vector<16xf32>, vector<16xi32>, vector<16xi1>) -> (vector<16xi1>, vector<16xf32>, vector<16xi32>)
            %gt3A_384 = arith.cmpf ogt, %masked_sort3A_382, %cond3A_251#0 : vector<16xf32>
            %select_n3A = arith.select %gt3A_384, %masked_sort3A_382, %cond3A_251#0 : vector<16xi1>, vector<16xf32>
            %select_n3A_385 = arith.select %gt3A_384, %masked_sort3A_383, %cond3A_251#1 : vector<16xi1>, vector<16xi32>
            %masked_sort3A_386 = arith.constant dense<true> : vector<16xi1>
            %masked_sort3A_387, %masked_sort3A_388, %masked_sort3A_389 = tpu.sort %select_n3A, %select_n3A_385 masked %masked_sort3A_386 : (vector<16xf32>, vector<16xi32>, vector<16xi1>) -> (vector<16xi1>, vector<16xf32>, vector<16xi32>)
            scf.yield %masked_sort3A_388, %masked_sort3A_389 : vector<16xf32>, vector<16xi32>
          } else {
            scf.yield %cond3A_251#0, %cond3A_251#1 : vector<16xf32>, vector<16xi32>
          }
          %reduce_min3A_283 = arith.constant true
          %reduce_min3A_284 = vector.broadcast %reduce_min3A_283 : i1 to vector<16xi1>
          %reduce_min3A_285 = tpu.scan <min>, %cond3A_282#0 masked %reduce_min3A_284 : vector<16xf32>, vector<16xi1> -> vector<16xf32>
          %reduce_min3A_286 = vector.extract %reduce_min3A_285[15] : f32 from vector<16xf32>
          %get3A_287 = arith.index_cast %scan3A_53 : i32 to index
          %get3A_288 = arith.index_cast %while3A_126 : i32 to index
          %get3A_289 = arith.constant 80 : index
          %get3A_290 = tpu.vector_load %arg15[%get3A_287, %get3A_288, %get3A_289] {strides = array<i32>} : memref<8x16x128xf32, #tpu.memory_space<vmem>>, vector<16xf32>,
          %mul3A_291 = arith.constant 128 : i32
          %mul3A_292 = arith.muli %squeeze3A, %mul3A_291 : i32
          %add3A_293 = arith.constant 80 : i32
          %add3A_294 = arith.addi %mul3A_292, %add3A_293 : i32
          %add3A_295 = vector.broadcast %add3A_294 : i32 to vector<16xi32>
          %add3A_296 = arith.addi %iota3A, %add3A_295 : vector<16xi32>
          %gt3A_297 = vector.broadcast %reduce_min3A_286 : f32 to vector<16xf32>
          %gt3A_298 = arith.cmpf ogt, %get3A_290, %gt3A_297 : vector<16xf32>
          %reduce_or3A_299 = arith.constant 1.000000e+00 : f32
          %reduce_or3A_300 = arith.constant 0.000000e+00 : f32
          %reduce_or3A_301 = vector.broadcast %reduce_or3A_299 : f32 to vector<16xf32>
          %reduce_or3A_302 = vector.broadcast %reduce_or3A_300 : f32 to vector<16xf32>
          %reduce_or3A_303 = arith.select %gt3A_298, %reduce_or3A_301, %reduce_or3A_302 : vector<16xi1>, vector<16xf32>
          %reduce_or3A_304 = arith.constant true
          %reduce_or3A_305 = vector.broadcast %reduce_or3A_304 : i1 to vector<16xi1>
          %reduce_or3A_306 = tpu.scan <max>, %reduce_or3A_303 masked %reduce_or3A_305 : vector<16xf32>, vector<16xi1> -> vector<16xf32>
          %reduce_or3A_307 = vector.extract %reduce_or3A_306[15] : f32 from vector<16xf32>
          %reduce_or3A_308 = arith.constant 0.000000e+00 : f32
          %reduce_or3A_309 = arith.cmpf ogt, %reduce_or3A_307, %reduce_or3A_308 : f32
          %convert_element_type3A_310 = arith.extui %reduce_or3A_309 : i1 to i32
          %cond3A_311 = arith.constant 0 : i32
          %cond3A_312 = arith.cmpi ne, %convert_element_type3A_310, %cond3A_311 : i32
          %cond3A_313:2 = scf.if %cond3A_312 -> (vector<16xf32>, vector<16xi32>) {
            %masked_sort3A_380 = arith.constant dense<true> : vector<16xi1>
            %masked_sort3A_381, %masked_sort3A_382, %masked_sort3A_383 = tpu.sort %get3A_290, %add3A_296 masked %masked_sort3A_380 {descending = true} : (vector<16xf32>, vector<16xi32>, vector<16xi1>) -> (vector<16xi1>, vector<16xf32>, vector<16xi32>)
            %gt3A_384 = arith.cmpf ogt, %masked_sort3A_382, %cond3A_282#0 : vector<16xf32>
            %select_n3A = arith.select %gt3A_384, %masked_sort3A_382, %cond3A_282#0 : vector<16xi1>, vector<16xf32>
            %select_n3A_385 = arith.select %gt3A_384, %masked_sort3A_383, %cond3A_282#1 : vector<16xi1>, vector<16xi32>
            %masked_sort3A_386 = arith.constant dense<true> : vector<16xi1>
            %masked_sort3A_387, %masked_sort3A_388, %masked_sort3A_389 = tpu.sort %select_n3A, %select_n3A_385 masked %masked_sort3A_386 : (vector<16xf32>, vector<16xi32>, vector<16xi1>) -> (vector<16xi1>, vector<16xf32>, vector<16xi32>)
            scf.yield %masked_sort3A_388, %masked_sort3A_389 : vector<16xf32>, vector<16xi32>
          } else {
            scf.yield %cond3A_282#0, %cond3A_282#1 : vector<16xf32>, vector<16xi32>
          }
          %reduce_min3A_314 = arith.constant true
          %reduce_min3A_315 = vector.broadcast %reduce_min3A_314 : i1 to vector<16xi1>
          %reduce_min3A_316 = tpu.scan <min>, %cond3A_313#0 masked %reduce_min3A_315 : vector<16xf32>, vector<16xi1> -> vector<16xf32>
          %reduce_min3A_317 = vector.extract %reduce_min3A_316[15] : f32 from vector<16xf32>
          %get3A_318 = arith.index_cast %scan3A_53 : i32 to index
          %get3A_319 = arith.index_cast %while3A_126 : i32 to index
          %get3A_320 = arith.constant 96 : index
          %get3A_321 = tpu.vector_load %arg15[%get3A_318, %get3A_319, %get3A_320] {strides = array<i32>} : memref<8x16x128xf32, #tpu.memory_space<vmem>>, vector<16xf32>,
          %mul3A_322 = arith.constant 128 : i32
          %mul3A_323 = arith.muli %squeeze3A, %mul3A_322 : i32
          %add3A_324 = arith.constant 96 : i32
          %add3A_325 = arith.addi %mul3A_323, %add3A_324 : i32
          %add3A_326 = vector.broadcast %add3A_325 : i32 to vector<16xi32>
          %add3A_327 = arith.addi %iota3A, %add3A_326 : vector<16xi32>
          %gt3A_328 = vector.broadcast %reduce_min3A_317 : f32 to vector<16xf32>
          %gt3A_329 = arith.cmpf ogt, %get3A_321, %gt3A_328 : vector<16xf32>
          %reduce_or3A_330 = arith.constant 1.000000e+00 : f32
          %reduce_or3A_331 = arith.constant 0.000000e+00 : f32
          %reduce_or3A_332 = vector.broadcast %reduce_or3A_330 : f32 to vector<16xf32>
          %reduce_or3A_333 = vector.broadcast %reduce_or3A_331 : f32 to vector<16xf32>
          %reduce_or3A_334 = arith.select %gt3A_329, %reduce_or3A_332, %reduce_or3A_333 : vector<16xi1>, vector<16xf32>
          %reduce_or3A_335 = arith.constant true
          %reduce_or3A_336 = vector.broadcast %reduce_or3A_335 : i1 to vector<16xi1>
          %reduce_or3A_337 = tpu.scan <max>, %reduce_or3A_334 masked %reduce_or3A_336 : vector<16xf32>, vector<16xi1> -> vector<16xf32>
          %reduce_or3A_338 = vector.extract %reduce_or3A_337[15] : f32 from vector<16xf32>
          %reduce_or3A_339 = arith.constant 0.000000e+00 : f32
          %reduce_or3A_340 = arith.cmpf ogt, %reduce_or3A_338, %reduce_or3A_339 : f32
          %convert_element_type3A_341 = arith.extui %reduce_or3A_340 : i1 to i32
          %cond3A_342 = arith.constant 0 : i32
          %cond3A_343 = arith.cmpi ne, %convert_element_type3A_341, %cond3A_342 : i32
          %cond3A_344:2 = scf.if %cond3A_343 -> (vector<16xf32>, vector<16xi32>) {
            %masked_sort3A_380 = arith.constant dense<true> : vector<16xi1>
            %masked_sort3A_381, %masked_sort3A_382, %masked_sort3A_383 = tpu.sort %get3A_321, %add3A_327 masked %masked_sort3A_380 {descending = true} : (vector<16xf32>, vector<16xi32>, vector<16xi1>) -> (vector<16xi1>, vector<16xf32>, vector<16xi32>)
            %gt3A_384 = arith.cmpf ogt, %masked_sort3A_382, %cond3A_313#0 : vector<16xf32>
            %select_n3A = arith.select %gt3A_384, %masked_sort3A_382, %cond3A_313#0 : vector<16xi1>, vector<16xf32>
            %select_n3A_385 = arith.select %gt3A_384, %masked_sort3A_383, %cond3A_313#1 : vector<16xi1>, vector<16xi32>
            %masked_sort3A_386 = arith.constant dense<true> : vector<16xi1>
            %masked_sort3A_387, %masked_sort3A_388, %masked_sort3A_389 = tpu.sort %select_n3A, %select_n3A_385 masked %masked_sort3A_386 : (vector<16xf32>, vector<16xi32>, vector<16xi1>) -> (vector<16xi1>, vector<16xf32>, vector<16xi32>)
            scf.yield %masked_sort3A_388, %masked_sort3A_389 : vector<16xf32>, vector<16xi32>
          } else {
            scf.yield %cond3A_313#0, %cond3A_313#1 : vector<16xf32>, vector<16xi32>
          }
          %reduce_min3A_345 = arith.constant true
          %reduce_min3A_346 = vector.broadcast %reduce_min3A_345 : i1 to vector<16xi1>
          %reduce_min3A_347 = tpu.scan <min>, %cond3A_344#0 masked %reduce_min3A_346 : vector<16xf32>, vector<16xi1> -> vector<16xf32>
          %reduce_min3A_348 = vector.extract %reduce_min3A_347[15] : f32 from vector<16xf32>
          %get3A_349 = arith.index_cast %scan3A_53 : i32 to index
          %get3A_350 = arith.index_cast %while3A_126 : i32 to index
          %get3A_351 = arith.constant 112 : index
          %get3A_352 = tpu.vector_load %arg15[%get3A_349, %get3A_350, %get3A_351] {strides = array<i32>} : memref<8x16x128xf32, #tpu.memory_space<vmem>>, vector<16xf32>,
          %mul3A_353 = arith.constant 128 : i32
          %mul3A_354 = arith.muli %squeeze3A, %mul3A_353 : i32
          %add3A_355 = arith.constant 112 : i32
          %add3A_356 = arith.addi %mul3A_354, %add3A_355 : i32
          %add3A_357 = vector.broadcast %add3A_356 : i32 to vector<16xi32>
          %add3A_358 = arith.addi %iota3A, %add3A_357 : vector<16xi32>
          %gt3A_359 = vector.broadcast %reduce_min3A_348 : f32 to vector<16xf32>
          %gt3A_360 = arith.cmpf ogt, %get3A_352, %gt3A_359 : vector<16xf32>
          %reduce_or3A_361 = arith.constant 1.000000e+00 : f32
          %reduce_or3A_362 = arith.constant 0.000000e+00 : f32
          %reduce_or3A_363 = vector.broadcast %reduce_or3A_361 : f32 to vector<16xf32>
          %reduce_or3A_364 = vector.broadcast %reduce_or3A_362 : f32 to vector<16xf32>
          %reduce_or3A_365 = arith.select %gt3A_360, %reduce_or3A_363, %reduce_or3A_364 : vector<16xi1>, vector<16xf32>
          %reduce_or3A_366 = arith.constant true
          %reduce_or3A_367 = vector.broadcast %reduce_or3A_366 : i1 to vector<16xi1>
          %reduce_or3A_368 = tpu.scan <max>, %reduce_or3A_365 masked %reduce_or3A_367 : vector<16xf32>, vector<16xi1> -> vector<16xf32>
          %reduce_or3A_369 = vector.extract %reduce_or3A_368[15] : f32 from vector<16xf32>
          %reduce_or3A_370 = arith.constant 0.000000e+00 : f32
          %reduce_or3A_371 = arith.cmpf ogt, %reduce_or3A_369, %reduce_or3A_370 : f32
          %convert_element_type3A_372 = arith.extui %reduce_or3A_371 : i1 to i32
          %cond3A_373 = arith.constant 0 : i32
          %cond3A_374 = arith.cmpi ne, %convert_element_type3A_372, %cond3A_373 : i32
          %cond3A_375:2 = scf.if %cond3A_374 -> (vector<16xf32>, vector<16xi32>) {
            %masked_sort3A_380 = arith.constant dense<true> : vector<16xi1>
            %masked_sort3A_381, %masked_sort3A_382, %masked_sort3A_383 = tpu.sort %get3A_352, %add3A_358 masked %masked_sort3A_380 {descending = true} : (vector<16xf32>, vector<16xi32>, vector<16xi1>) -> (vector<16xi1>, vector<16xf32>, vector<16xi32>)
            %gt3A_384 = arith.cmpf ogt, %masked_sort3A_382, %cond3A_344#0 : vector<16xf32>
            %select_n3A = arith.select %gt3A_384, %masked_sort3A_382, %cond3A_344#0 : vector<16xi1>, vector<16xf32>
            %select_n3A_385 = arith.select %gt3A_384, %masked_sort3A_383, %cond3A_344#1 : vector<16xi1>, vector<16xi32>
            %masked_sort3A_386 = arith.constant dense<true> : vector<16xi1>
            %masked_sort3A_387, %masked_sort3A_388, %masked_sort3A_389 = tpu.sort %select_n3A, %select_n3A_385 masked %masked_sort3A_386 : (vector<16xf32>, vector<16xi32>, vector<16xi1>) -> (vector<16xi1>, vector<16xf32>, vector<16xi32>)
            scf.yield %masked_sort3A_388, %masked_sort3A_389 : vector<16xf32>, vector<16xi32>
          } else {
            scf.yield %cond3A_344#0, %cond3A_344#1 : vector<16xf32>, vector<16xi32>
          }
          %reduce_min3A_376 = arith.constant true
          %reduce_min3A_377 = vector.broadcast %reduce_min3A_376 : i1 to vector<16xi1>
          %reduce_min3A_378 = tpu.scan <min>, %cond3A_375#0 masked %reduce_min3A_377 : vector<16xf32>, vector<16xi1> -> vector<16xf32>
          %reduce_min3A_379 = vector.extract %reduce_min3A_378[15] : f32 from vector<16xf32>
          scf.yield %cond3A_375#0, %cond3A_375#1, %reduce_min3A_379 : vector<16xf32>, vector<16xi32>, f32
        }
        %masked_sort3A = arith.constant dense<true> : vector<16xi1>
        %masked_sort3A_88, %masked_sort3A_89, %masked_sort3A_90 = tpu.sort %while3A_87#0, %while3A_87#1 masked %masked_sort3A {descending = true} : (vector<16xf32>, vector<16xi32>, vector<16xi1>) -> (vector<16xi1>, vector<16xf32>, vector<16xi32>)
        %mul3A_91 = arith.constant 8 : i32
        %mul3A_92 = arith.muli %scan3A_53, %mul3A_91 : i32
        %add3A_93 = vector.broadcast %mul3A_92 : i32 to vector<16xi32>
        %add3A_94 = arith.addi %add3A_93, %iota3A : vector<16xi32>
        tpu.vector_store_idx %arg20[%add3A_94], %masked_sort3A_89 masked %lt3A_4 : memref<64xf32, #tpu.memory_space<vmem>>[vector<16xi32>], vector<16xf32>, vector<16xi1>
        %mul3A_95 = arith.constant 8 : i32
        %mul3A_96 = arith.muli %scan3A_53, %mul3A_95 : i32
        %add3A_97 = vector.broadcast %mul3A_96 : i32 to vector<16xi32>
        %add3A_98 = arith.addi %add3A_97, %iota3A : vector<16xi32>
        tpu.vector_store_idx %arg16[%add3A_98], %masked_sort3A_90 masked %lt3A_4 : memref<64xi32, #tpu.memory_space<vmem>>[vector<16xi32>], vector<16xi32>, vector<16xi1>
        %gather3A = tpu.vector_load_idx %arg11[%masked_sort3A_90] : memref<16384xi32, #tpu.memory_space<vmem>>[vector<16xi32>], vector<16xi32>,
        %mul3A_99 = arith.constant 8 : i32
        %mul3A_100 = arith.muli %scan3A_53, %mul3A_99 : i32
        %add3A_101 = vector.broadcast %mul3A_100 : i32 to vector<16xi32>
        %add3A_102 = arith.addi %add3A_101, %iota3A : vector<16xi32>
        tpu.vector_store_idx %arg21[%add3A_102], %gather3A masked %lt3A_4 : memref<64xi32, #tpu.memory_space<vmem>>[vector<16xi32>], vector<16xi32>, vector<16xi1>
        %rem3A = arith.constant 2 : i32
        %rem3A_103 = arith.remsi %scan3A_53, %rem3A : i32
        %mul3A_104 = arith.constant 8 : i32
        %mul3A_105 = arith.muli %scan3A_53, %mul3A_104 : i32
        %dma_start3A = arith.constant 0 : i32
        %dma_start3A_106 = arith.constant 0 : i32
        %dma_start3A_107 = tpu.memref_slice %arg17[%rem3A_103, %dma_start3A, %dma_start3A_106] : memref<2x8x2048xf32, #tpu.memory_space<vmem>> -> memref<1x8x2048xf32, #tpu.memory_space<vmem>>
        %dma_start3A_108 = tpu.memref_squeeze %dma_start3A_107 : memref<1x8x2048xf32, #tpu.memory_space<vmem>> -> memref<8x2048xf32, #tpu.memory_space<vmem>>
        %dma_start3A_109 = tpu.memref_slice %arg16[%mul3A_105] : memref<64xi32, #tpu.memory_space<vmem>> -> memref<8xi32, #tpu.memory_space<vmem>>
        %dma_start3A_110 = arith.constant 0 : i32
        %dma_start3A_111 = arith.constant 0 : i32
        %dma_start3A_112 = tpu.memref_slice %arg4[%dma_start3A_110, %dma_start3A_111] : memref<16384x2048xf32, #tpu.memory_space<hbm>> -> memref<16384x2048xf32, #tpu.memory_space<hbm>>
        tpu.enqueue_indirect_dma source(%dma_start3A_112 : memref<16384x2048xf32, #tpu.memory_space<hbm>>) target(%dma_start3A_108 : memref<8x2048xf32, #tpu.memory_space<vmem>>) offsets(%dma_start3A_109 : memref<8xi32, #tpu.memory_space<vmem>>) semaphore(%arg25 : memref<!tpu.dma_semaphore, #tpu.memory_space<semaphore_mem>>)
        %add3A_113 = arith.addi %mul3A_2, %scan3A_53 : i32
        %dma_start3A_114 = arith.constant 0 : i32
        %dma_start3A_115 = tpu.memref_slice %arg18[%rem3A_103, %dma_start3A_114] : memref<2x2048xf32, #tpu.memory_space<vmem>> -> memref<1x2048xf32, #tpu.memory_space<vmem>>
        %dma_start3A_116 = tpu.memref_squeeze %dma_start3A_115 : memref<1x2048xf32, #tpu.memory_space<vmem>> -> memref<2048xf32, #tpu.memory_space<vmem>>
        %dma_start3A_117 = arith.constant 0 : i32
        %dma_start3A_118 = tpu.memref_slice %arg6[%add3A_113, %dma_start3A_117] : memref<256x2048xf32, #tpu.memory_space<hbm>> -> memref<1x2048xf32, #tpu.memory_space<hbm>>
        %dma_start3A_119 = tpu.memref_squeeze %dma_start3A_118 : memref<1x2048xf32, #tpu.memory_space<hbm>> -> memref<2048xf32, #tpu.memory_space<hbm>>
        %dma_start3A_120 = arith.constant 0 : i32
        %dma_start3A_121 = tpu.memref_slice %arg18[%rem3A_103, %dma_start3A_120] : memref<2x2048xf32, #tpu.memory_space<vmem>> -> memref<1x2048xf32, #tpu.memory_space<vmem>>
        %dma_start3A_122 = tpu.memref_squeeze %dma_start3A_121 : memref<1x2048xf32, #tpu.memory_space<vmem>> -> memref<2048xf32, #tpu.memory_space<vmem>>
        %dma_start3A_123 = arith.constant 0 : i32
        %dma_start3A_124 = tpu.memref_slice %arg6[%add3A_113, %dma_start3A_123] : memref<256x2048xf32, #tpu.memory_space<hbm>> -> memref<1x2048xf32, #tpu.memory_space<hbm>>
        %dma_start3A_125 = tpu.memref_squeeze %dma_start3A_124 : memref<1x2048xf32, #tpu.memory_space<hbm>> -> memref<2048xf32, #tpu.memory_space<hbm>>
        tpu.enqueue_dma source(%dma_start3A_125 : memref<2048xf32, #tpu.memory_space<hbm>>) target(%dma_start3A_122 : memref<2048xf32, #tpu.memory_space<vmem>>) target_semaphore(%arg26 : memref<!tpu.dma_semaphore, #tpu.memory_space<semaphore_mem>>)
      } else {
      }
      %ge3A = arith.constant 1 : i32
      %ge3A_58 = arith.cmpi sge, %scan3A_53, %ge3A : i32
      %convert_element_type3A_59 = arith.extui %ge3A_58 : i1 to i32
      %cond3A_60 = arith.constant 0 : i32
      %cond3A_61 = arith.cmpi ne, %convert_element_type3A_59, %cond3A_60 : i32
      scf.if %cond3A_61 {
        %sub3A = arith.constant 1 : i32
        %sub3A_63 = arith.subi %scan3A_53, %sub3A : i32
        %rem3A = arith.constant 2 : i32
        %rem3A_64 = arith.remsi %sub3A_63, %rem3A : i32
        %mul3A_65 = arith.constant 8 : i32
        %mul3A_66 = arith.muli %sub3A_63, %mul3A_65 : i32
        %dma_wait3A_67 = arith.constant 0 : i32
        %dma_wait3A_68 = arith.constant 0 : i32
        %dma_wait3A_69 = tpu.memref_slice %arg17[%rem3A_64, %dma_wait3A_67, %dma_wait3A_68] : memref<2x8x2048xf32, #tpu.memory_space<vmem>> -> memref<1x8x2048xf32, #tpu.memory_space<vmem>>
        %dma_wait3A_70 = tpu.memref_squeeze %dma_wait3A_69 : memref<1x8x2048xf32, #tpu.memory_space<vmem>> -> memref<8x2048xf32, #tpu.memory_space<vmem>>
        %dma_wait3A_71 = tpu.memref_slice %arg16[%mul3A_66] : memref<64xi32, #tpu.memory_space<vmem>> -> memref<8xi32, #tpu.memory_space<vmem>>
        %dma_wait3A_72 = arith.constant 0 : i32
        %dma_wait3A_73 = arith.constant 0 : i32
        %dma_wait3A_74 = tpu.memref_slice %arg4[%dma_wait3A_72, %dma_wait3A_73] : memref<16384x2048xf32, #tpu.memory_space<hbm>> -> memref<16384x2048xf32, #tpu.memory_space<hbm>>
        tpu.wait_indirect_dma semaphore(%arg25 : memref<!tpu.dma_semaphore, #tpu.memory_space<semaphore_mem>>) src(%dma_wait3A_74 : memref<16384x2048xf32, #tpu.memory_space<hbm>>) dst(%dma_wait3A_70 : memref<8x2048xf32, #tpu.memory_space<vmem>>)
        %add3A_75 = arith.addi %mul3A_2, %sub3A_63 : i32
        %dma_wait3A_76 = arith.constant 0 : i32
        %dma_wait3A_77 = tpu.memref_slice %arg18[%rem3A_64, %dma_wait3A_76] : memref<2x2048xf32, #tpu.memory_space<vmem>> -> memref<1x2048xf32, #tpu.memory_space<vmem>>
        %dma_wait3A_78 = tpu.memref_squeeze %dma_wait3A_77 : memref<1x2048xf32, #tpu.memory_space<vmem>> -> memref<2048xf32, #tpu.memory_space<vmem>>
        %dma_wait3A_79 = arith.constant 0 : i32
        %dma_wait3A_80 = tpu.memref_slice %arg6[%add3A_75, %dma_wait3A_79] : memref<256x2048xf32, #tpu.memory_space<hbm>> -> memref<1x2048xf32, #tpu.memory_space<hbm>>
        %dma_wait3A_81 = tpu.memref_squeeze %dma_wait3A_80 : memref<1x2048xf32, #tpu.memory_space<hbm>> -> memref<2048xf32, #tpu.memory_space<hbm>>
        %dma_wait3A_82 = arith.constant 0 : i32
        %dma_wait3A_83 = tpu.memref_slice %arg18[%rem3A_64, %dma_wait3A_82] : memref<2x2048xf32, #tpu.memory_space<vmem>> -> memref<1x2048xf32, #tpu.memory_space<vmem>>
        %dma_wait3A_84 = tpu.memref_squeeze %dma_wait3A_83 : memref<1x2048xf32, #tpu.memory_space<vmem>> -> memref<2048xf32, #tpu.memory_space<vmem>>
        %dma_wait3A_85 = arith.constant 0 : i32
        %dma_wait3A_86 = tpu.memref_slice %arg6[%add3A_75, %dma_wait3A_85] : memref<256x2048xf32, #tpu.memory_space<hbm>> -> memref<1x2048xf32, #tpu.memory_space<hbm>>
        %dma_wait3A_87 = tpu.memref_squeeze %dma_wait3A_86 : memref<1x2048xf32, #tpu.memory_space<hbm>> -> memref<2048xf32, #tpu.memory_space<hbm>>
        tpu.wait_dma2 semaphore(%arg26 : memref<!tpu.dma_semaphore, #tpu.memory_space<semaphore_mem>>) src(%dma_wait3A_87 : memref<2048xf32, #tpu.memory_space<hbm>>) dst(%dma_wait3A_84 : memref<2048xf32, #tpu.memory_space<vmem>>)
        %ge3A_88 = arith.constant 2 : i32
        %ge3A_89 = arith.cmpi sge, %sub3A_63, %ge3A_88 : i32
        %convert_element_type3A_90 = arith.extui %ge3A_89 : i1 to i32
        %cond3A_91 = arith.constant 0 : i32
        %cond3A_92 = arith.cmpi ne, %convert_element_type3A_90, %cond3A_91 : i32
        scf.if %cond3A_92 {
          %add3A_305 = arith.addi %mul3A_2, %sub3A_63 : i32
          %sub3A_306 = arith.constant 2 : i32
          %sub3A_307 = arith.subi %add3A_305, %sub3A_306 : i32
          %dma_wait3A_308 = arith.constant 0 : i32
          %dma_wait3A_309 = tpu.memref_slice %arg19[%rem3A_64, %dma_wait3A_308] : memref<2x2048xf32, #tpu.memory_space<vmem>> -> memref<1x2048xf32, #tpu.memory_space<vmem>>
          %dma_wait3A_310 = tpu.memref_squeeze %dma_wait3A_309 : memref<1x2048xf32, #tpu.memory_space<vmem>> -> memref<2048xf32, #tpu.memory_space<vmem>>
          %dma_wait3A_311 = arith.constant 0 : i32
          %dma_wait3A_312 = tpu.memref_slice %arg10[%sub3A_307, %dma_wait3A_311] : memref<256x2048xf32, #tpu.memory_space<hbm>> -> memref<1x2048xf32, #tpu.memory_space<hbm>>
          %dma_wait3A_313 = tpu.memref_squeeze %dma_wait3A_312 : memref<1x2048xf32, #tpu.memory_space<hbm>> -> memref<2048xf32, #tpu.memory_space<hbm>>
          %dma_wait3A_314 = arith.constant 0 : i32
          %dma_wait3A_315 = tpu.memref_slice %arg10[%sub3A_307, %dma_wait3A_314] : memref<256x2048xf32, #tpu.memory_space<hbm>> -> memref<1x2048xf32, #tpu.memory_space<hbm>>
          %dma_wait3A_316 = tpu.memref_squeeze %dma_wait3A_315 : memref<1x2048xf32, #tpu.memory_space<hbm>> -> memref<2048xf32, #tpu.memory_space<hbm>>
          %dma_wait3A_317 = arith.constant 0 : i32
          %dma_wait3A_318 = tpu.memref_slice %arg19[%rem3A_64, %dma_wait3A_317] : memref<2x2048xf32, #tpu.memory_space<vmem>> -> memref<1x2048xf32, #tpu.memory_space<vmem>>
          %dma_wait3A_319 = tpu.memref_squeeze %dma_wait3A_318 : memref<1x2048xf32, #tpu.memory_space<vmem>> -> memref<2048xf32, #tpu.memory_space<vmem>>
          tpu.wait_dma2 semaphore(%arg27 : memref<!tpu.dma_semaphore, #tpu.memory_space<semaphore_mem>>) src(%dma_wait3A_319 : memref<2048xf32, #tpu.memory_space<vmem>>) dst(%dma_wait3A_316 : memref<2048xf32, #tpu.memory_space<hbm>>)
        } else {
        }
        %broadcast_in_dim3A = arith.constant 0.000000e+00 : f32
        %broadcast_in_dim3A_93 = vector.broadcast %broadcast_in_dim3A : f32 to vector<16xf32>
        %broadcast_in_dim3A_94 = arith.constant 0.000000e+00 : f32
        %broadcast_in_dim3A_95 = vector.broadcast %broadcast_in_dim3A_94 : f32 to vector<16xf32>
        %broadcast_in_dim3A_96 = arith.constant 0.000000e+00 : f32
        %broadcast_in_dim3A_97 = vector.broadcast %broadcast_in_dim3A_96 : f32 to vector<16xf32>
        %broadcast_in_dim3A_98 = arith.constant 0.000000e+00 : f32
        %broadcast_in_dim3A_99 = vector.broadcast %broadcast_in_dim3A_98 : f32 to vector<16xf32>
        %broadcast_in_dim3A_100 = arith.constant 0.000000e+00 : f32
        %broadcast_in_dim3A_101 = vector.broadcast %broadcast_in_dim3A_100 : f32 to vector<16xf32>
        %broadcast_in_dim3A_102 = arith.constant 0.000000e+00 : f32
        %broadcast_in_dim3A_103 = vector.broadcast %broadcast_in_dim3A_102 : f32 to vector<16xf32>
        %broadcast_in_dim3A_104 = arith.constant 0.000000e+00 : f32
        %broadcast_in_dim3A_105 = vector.broadcast %broadcast_in_dim3A_104 : f32 to vector<16xf32>
        %broadcast_in_dim3A_106 = arith.constant 0.000000e+00 : f32
        %broadcast_in_dim3A_107 = vector.broadcast %broadcast_in_dim3A_106 : f32 to vector<16xf32>
        %scan3A_108 = arith.constant 0 : i32
        %scan3A_109 = arith.constant 128 : i32
        %scan3A_110 = arith.addi %scan3A_108, %scan3A_109 : i32
        %scan3A_111 = arith.constant 1 : i32
        %scan3A_112:8 = scf.for %scan3A_305 = %scan3A_108 to %scan3A_110 step %scan3A_111 iter_args(%scan3A_306 = %broadcast_in_dim3A_93, %scan3A_307 = %broadcast_in_dim3A_95, %scan3A_308 = %broadcast_in_dim3A_97, %scan3A_309 = %broadcast_in_dim3A_99, %scan3A_310 = %broadcast_in_dim3A_101, %scan3A_311 = %broadcast_in_dim3A_103, %scan3A_312 = %broadcast_in_dim3A_105, %scan3A_313 = %broadcast_in_dim3A_107) -> (vector<16xf32>, vector<16xf32>, vector<16xf32>, vector<16xf32>, vector<16xf32>, vector<16xf32>, vector<16xf32>, vector<16xf32>)  : i32 {
          %mul3A_314 = arith.constant 16 : i32
          %mul3A_315 = arith.muli %scan3A_305, %mul3A_314 : i32
          %get3A = arith.index_cast %rem3A_64 : i32 to index
          %get3A_316 = arith.index_cast %mul3A_315 : i32 to index
          %get3A_317 = tpu.vector_load %arg18[%get3A, %get3A_316] {strides = array<i32>} : memref<2x2048xf32, #tpu.memory_space<vmem>>, vector<16xf32>,
          %mul3A_318 = arith.constant 16 : i32
          %mul3A_319 = arith.muli %scan3A_305, %mul3A_318 : i32
          %get3A_320 = arith.constant 0 : i32
          %get3A_321 = arith.index_cast %rem3A_64 : i32 to index
          %get3A_322 = arith.index_cast %get3A_320 : i32 to index
          %get3A_323 = arith.index_cast %mul3A_319 : i32 to index
          %get3A_324 = tpu.vector_load %arg17[%get3A_321, %get3A_322, %get3A_323] {strides = array<i32>} : memref<2x8x2048xf32, #tpu.memory_space<vmem>>, vector<16xf32>,
          %mul3A_325 = arith.mulf %get3A_324, %get3A_317 : vector<16xf32>
          %add3A_326 = arith.addf %scan3A_306, %mul3A_325 : vector<16xf32>
          %mul3A_327 = arith.constant 16 : i32
          %mul3A_328 = arith.muli %scan3A_305, %mul3A_327 : i32
          %get3A_329 = arith.constant 1 : i32
          %get3A_330 = arith.index_cast %rem3A_64 : i32 to index
          %get3A_331 = arith.index_cast %get3A_329 : i32 to index
          %get3A_332 = arith.index_cast %mul3A_328 : i32 to index
          %get3A_333 = tpu.vector_load %arg17[%get3A_330, %get3A_331, %get3A_332] {strides = array<i32>} : memref<2x8x2048xf32, #tpu.memory_space<vmem>>, vector<16xf32>,
          %mul3A_334 = arith.mulf %get3A_333, %get3A_317 : vector<16xf32>
          %add3A_335 = arith.addf %scan3A_307, %mul3A_334 : vector<16xf32>
          %mul3A_336 = arith.constant 16 : i32
          %mul3A_337 = arith.muli %scan3A_305, %mul3A_336 : i32
          %get3A_338 = arith.constant 2 : i32
          %get3A_339 = arith.index_cast %rem3A_64 : i32 to index
          %get3A_340 = arith.index_cast %get3A_338 : i32 to index
          %get3A_341 = arith.index_cast %mul3A_337 : i32 to index
          %get3A_342 = tpu.vector_load %arg17[%get3A_339, %get3A_340, %get3A_341] {strides = array<i32>} : memref<2x8x2048xf32, #tpu.memory_space<vmem>>, vector<16xf32>,
          %mul3A_343 = arith.mulf %get3A_342, %get3A_317 : vector<16xf32>
          %add3A_344 = arith.addf %scan3A_308, %mul3A_343 : vector<16xf32>
          %mul3A_345 = arith.constant 16 : i32
          %mul3A_346 = arith.muli %scan3A_305, %mul3A_345 : i32
          %get3A_347 = arith.constant 3 : i32
          %get3A_348 = arith.index_cast %rem3A_64 : i32 to index
          %get3A_349 = arith.index_cast %get3A_347 : i32 to index
          %get3A_350 = arith.index_cast %mul3A_346 : i32 to index
          %get3A_351 = tpu.vector_load %arg17[%get3A_348, %get3A_349, %get3A_350] {strides = array<i32>} : memref<2x8x2048xf32, #tpu.memory_space<vmem>>, vector<16xf32>,
          %mul3A_352 = arith.mulf %get3A_351, %get3A_317 : vector<16xf32>
          %add3A_353 = arith.addf %scan3A_309, %mul3A_352 : vector<16xf32>
          %mul3A_354 = arith.constant 16 : i32
          %mul3A_355 = arith.muli %scan3A_305, %mul3A_354 : i32
          %get3A_356 = arith.constant 4 : i32
          %get3A_357 = arith.index_cast %rem3A_64 : i32 to index
          %get3A_358 = arith.index_cast %get3A_356 : i32 to index
          %get3A_359 = arith.index_cast %mul3A_355 : i32 to index
          %get3A_360 = tpu.vector_load %arg17[%get3A_357, %get3A_358, %get3A_359] {strides = array<i32>} : memref<2x8x2048xf32, #tpu.memory_space<vmem>>, vector<16xf32>,
          %mul3A_361 = arith.mulf %get3A_360, %get3A_317 : vector<16xf32>
          %add3A_362 = arith.addf %scan3A_310, %mul3A_361 : vector<16xf32>
          %mul3A_363 = arith.constant 16 : i32
          %mul3A_364 = arith.muli %scan3A_305, %mul3A_363 : i32
          %get3A_365 = arith.constant 5 : i32
          %get3A_366 = arith.index_cast %rem3A_64 : i32 to index
          %get3A_367 = arith.index_cast %get3A_365 : i32 to index
          %get3A_368 = arith.index_cast %mul3A_364 : i32 to index
          %get3A_369 = tpu.vector_load %arg17[%get3A_366, %get3A_367, %get3A_368] {strides = array<i32>} : memref<2x8x2048xf32, #tpu.memory_space<vmem>>, vector<16xf32>,
          %mul3A_370 = arith.mulf %get3A_369, %get3A_317 : vector<16xf32>
          %add3A_371 = arith.addf %scan3A_311, %mul3A_370 : vector<16xf32>
          %mul3A_372 = arith.constant 16 : i32
          %mul3A_373 = arith.muli %scan3A_305, %mul3A_372 : i32
          %get3A_374 = arith.constant 6 : i32
          %get3A_375 = arith.index_cast %rem3A_64 : i32 to index
          %get3A_376 = arith.index_cast %get3A_374 : i32 to index
          %get3A_377 = arith.index_cast %mul3A_373 : i32 to index
          %get3A_378 = tpu.vector_load %arg17[%get3A_375, %get3A_376, %get3A_377] {strides = array<i32>} : memref<2x8x2048xf32, #tpu.memory_space<vmem>>, vector<16xf32>,
          %mul3A_379 = arith.mulf %get3A_378, %get3A_317 : vector<16xf32>
          %add3A_380 = arith.addf %scan3A_312, %mul3A_379 : vector<16xf32>
          %mul3A_381 = arith.constant 16 : i32
          %mul3A_382 = arith.muli %scan3A_305, %mul3A_381 : i32
          %get3A_383 = arith.constant 7 : i32
          %get3A_384 = arith.index_cast %rem3A_64 : i32 to index
          %get3A_385 = arith.index_cast %get3A_383 : i32 to index
          %get3A_386 = arith.index_cast %mul3A_382 : i32 to index
          %get3A_387 = tpu.vector_load %arg17[%get3A_384, %get3A_385, %get3A_386] {strides = array<i32>} : memref<2x8x2048xf32, #tpu.memory_space<vmem>>, vector<16xf32>,
          %mul3A_388 = arith.mulf %get3A_387, %get3A_317 : vector<16xf32>
          %add3A_389 = arith.addf %scan3A_313, %mul3A_388 : vector<16xf32>
          scf.yield %add3A_326, %add3A_335, %add3A_344, %add3A_353, %add3A_362, %add3A_371, %add3A_380, %add3A_389 : vector<16xf32>, vector<16xf32>, vector<16xf32>, vector<16xf32>, vector<16xf32>, vector<16xf32>, vector<16xf32>, vector<16xf32>
        }
        %scan3A_113 = arith.constant 128 : i32
        %broadcast_in_dim3A_114 = arith.constant 0xFF800000 : f32
        %broadcast_in_dim3A_115 = vector.broadcast %broadcast_in_dim3A_114 : f32 to vector<16xf32>
        %eq3A = arith.constant 0 : i32
        %eq3A_116 = vector.broadcast %eq3A : i32 to vector<16xi32>
        %eq3A_117 = arith.cmpi eq, %iota3A, %eq3A_116 : vector<16xi32>
        %reduce_sum3A = arith.constant true
        %reduce_sum3A_118 = vector.broadcast %reduce_sum3A : i1 to vector<16xi1>
        %reduce_sum3A_119 = tpu.scan <sum>, %scan3A_112#0 masked %reduce_sum3A_118 : vector<16xf32>, vector<16xi1> -> vector<16xf32>
        %reduce_sum3A_120 = vector.extract %reduce_sum3A_119[15] : f32 from vector<16xf32>
        %broadcast_in_dim3A_121 = vector.broadcast %reduce_sum3A_120 : f32 to vector<16xf32>
        %select_n3A = arith.select %eq3A_117, %broadcast_in_dim3A_121, %broadcast_in_dim3A_115 : vector<16xi1>, vector<16xf32>
        %eq3A_122 = arith.constant 1 : i32
        %eq3A_123 = vector.broadcast %eq3A_122 : i32 to vector<16xi32>
        %eq3A_124 = arith.cmpi eq, %iota3A, %eq3A_123 : vector<16xi32>
        %reduce_sum3A_125 = arith.constant true
        %reduce_sum3A_126 = vector.broadcast %reduce_sum3A_125 : i1 to vector<16xi1>
        %reduce_sum3A_127 = tpu.scan <sum>, %scan3A_112#1 masked %reduce_sum3A_126 : vector<16xf32>, vector<16xi1> -> vector<16xf32>
        %reduce_sum3A_128 = vector.extract %reduce_sum3A_127[15] : f32 from vector<16xf32>
        %broadcast_in_dim3A_129 = vector.broadcast %reduce_sum3A_128 : f32 to vector<16xf32>
        %select_n3A_130 = arith.select %eq3A_124, %broadcast_in_dim3A_129, %select_n3A : vector<16xi1>, vector<16xf32>
        %eq3A_131 = arith.constant 2 : i32
        %eq3A_132 = vector.broadcast %eq3A_131 : i32 to vector<16xi32>
        %eq3A_133 = arith.cmpi eq, %iota3A, %eq3A_132 : vector<16xi32>
        %reduce_sum3A_134 = arith.constant true
        %reduce_sum3A_135 = vector.broadcast %reduce_sum3A_134 : i1 to vector<16xi1>
        %reduce_sum3A_136 = tpu.scan <sum>, %scan3A_112#2 masked %reduce_sum3A_135 : vector<16xf32>, vector<16xi1> -> vector<16xf32>
        %reduce_sum3A_137 = vector.extract %reduce_sum3A_136[15] : f32 from vector<16xf32>
        %broadcast_in_dim3A_138 = vector.broadcast %reduce_sum3A_137 : f32 to vector<16xf32>
        %select_n3A_139 = arith.select %eq3A_133, %broadcast_in_dim3A_138, %select_n3A_130 : vector<16xi1>, vector<16xf32>
        %eq3A_140 = arith.constant 3 : i32
        %eq3A_141 = vector.broadcast %eq3A_140 : i32 to vector<16xi32>
        %eq3A_142 = arith.cmpi eq, %iota3A, %eq3A_141 : vector<16xi32>
        %reduce_sum3A_143 = arith.constant true
        %reduce_sum3A_144 = vector.broadcast %reduce_sum3A_143 : i1 to vector<16xi1>
        %reduce_sum3A_145 = tpu.scan <sum>, %scan3A_112#3 masked %reduce_sum3A_144 : vector<16xf32>, vector<16xi1> -> vector<16xf32>
        %reduce_sum3A_146 = vector.extract %reduce_sum3A_145[15] : f32 from vector<16xf32>
        %broadcast_in_dim3A_147 = vector.broadcast %reduce_sum3A_146 : f32 to vector<16xf32>
        %select_n3A_148 = arith.select %eq3A_142, %broadcast_in_dim3A_147, %select_n3A_139 : vector<16xi1>, vector<16xf32>
        %eq3A_149 = arith.constant 4 : i32
        %eq3A_150 = vector.broadcast %eq3A_149 : i32 to vector<16xi32>
        %eq3A_151 = arith.cmpi eq, %iota3A, %eq3A_150 : vector<16xi32>
        %reduce_sum3A_152 = arith.constant true
        %reduce_sum3A_153 = vector.broadcast %reduce_sum3A_152 : i1 to vector<16xi1>
        %reduce_sum3A_154 = tpu.scan <sum>, %scan3A_112#4 masked %reduce_sum3A_153 : vector<16xf32>, vector<16xi1> -> vector<16xf32>
        %reduce_sum3A_155 = vector.extract %reduce_sum3A_154[15] : f32 from vector<16xf32>
        %broadcast_in_dim3A_156 = vector.broadcast %reduce_sum3A_155 : f32 to vector<16xf32>
        %select_n3A_157 = arith.select %eq3A_151, %broadcast_in_dim3A_156, %select_n3A_148 : vector<16xi1>, vector<16xf32>
        %eq3A_158 = arith.constant 5 : i32
        %eq3A_159 = vector.broadcast %eq3A_158 : i32 to vector<16xi32>
        %eq3A_160 = arith.cmpi eq, %iota3A, %eq3A_159 : vector<16xi32>
        %reduce_sum3A_161 = arith.constant true
        %reduce_sum3A_162 = vector.broadcast %reduce_sum3A_161 : i1 to vector<16xi1>
        %reduce_sum3A_163 = tpu.scan <sum>, %scan3A_112#5 masked %reduce_sum3A_162 : vector<16xf32>, vector<16xi1> -> vector<16xf32>
        %reduce_sum3A_164 = vector.extract %reduce_sum3A_163[15] : f32 from vector<16xf32>
        %broadcast_in_dim3A_165 = vector.broadcast %reduce_sum3A_164 : f32 to vector<16xf32>
        %select_n3A_166 = arith.select %eq3A_160, %broadcast_in_dim3A_165, %select_n3A_157 : vector<16xi1>, vector<16xf32>
        %eq3A_167 = arith.constant 6 : i32
        %eq3A_168 = vector.broadcast %eq3A_167 : i32 to vector<16xi32>
        %eq3A_169 = arith.cmpi eq, %iota3A, %eq3A_168 : vector<16xi32>
        %reduce_sum3A_170 = arith.constant true
        %reduce_sum3A_171 = vector.broadcast %reduce_sum3A_170 : i1 to vector<16xi1>
        %reduce_sum3A_172 = tpu.scan <sum>, %scan3A_112#6 masked %reduce_sum3A_171 : vector<16xf32>, vector<16xi1> -> vector<16xf32>
        %reduce_sum3A_173 = vector.extract %reduce_sum3A_172[15] : f32 from vector<16xf32>
        %broadcast_in_dim3A_174 = vector.broadcast %reduce_sum3A_173 : f32 to vector<16xf32>
        %select_n3A_175 = arith.select %eq3A_169, %broadcast_in_dim3A_174, %select_n3A_166 : vector<16xi1>, vector<16xf32>
        %eq3A_176 = arith.constant 7 : i32
        %eq3A_177 = vector.broadcast %eq3A_176 : i32 to vector<16xi32>
        %eq3A_178 = arith.cmpi eq, %iota3A, %eq3A_177 : vector<16xi32>
        %reduce_sum3A_179 = arith.constant true
        %reduce_sum3A_180 = vector.broadcast %reduce_sum3A_179 : i1 to vector<16xi1>
        %reduce_sum3A_181 = tpu.scan <sum>, %scan3A_112#7 masked %reduce_sum3A_180 : vector<16xf32>, vector<16xi1> -> vector<16xf32>
        %reduce_sum3A_182 = vector.extract %reduce_sum3A_181[15] : f32 from vector<16xf32>
        %broadcast_in_dim3A_183 = vector.broadcast %reduce_sum3A_182 : f32 to vector<16xf32>
        %select_n3A_184 = arith.select %eq3A_178, %broadcast_in_dim3A_183, %select_n3A_175 : vector<16xi1>, vector<16xf32>
        %reduce_max3A = arith.constant true
        %reduce_max3A_185 = vector.broadcast %reduce_max3A : i1 to vector<16xi1>
        %reduce_max3A_186 = tpu.scan <max>, %select_n3A_184 masked %reduce_max3A_185 : vector<16xf32>, vector<16xi1> -> vector<16xf32>
        %reduce_max3A_187 = vector.extract %reduce_max3A_186[15] : f32 from vector<16xf32>
        %sub3A_188 = vector.broadcast %reduce_max3A_187 : f32 to vector<16xf32>
        %sub3A_189 = arith.subf %select_n3A_184, %sub3A_188 : vector<16xf32>
        %mul3A_190 = arith.constant 0.0220970865 : f32
        %mul3A_191 = vector.broadcast %mul3A_190 : f32 to vector<16xf32>
        %mul3A_192 = arith.mulf %sub3A_189, %mul3A_191 : vector<16xf32>
        %exp3A = math.exp %mul3A_192 : vector<16xf32>
        %reduce_sum3A_193 = arith.constant true
        %reduce_sum3A_194 = vector.broadcast %reduce_sum3A_193 : i1 to vector<16xi1>
        %reduce_sum3A_195 = tpu.scan <sum>, %exp3A masked %reduce_sum3A_194 : vector<16xf32>, vector<16xi1> -> vector<16xf32>
        %reduce_sum3A_196 = vector.extract %reduce_sum3A_195[15] : f32 from vector<16xf32>
        %div3A = vector.broadcast %reduce_sum3A_196 : f32 to vector<16xf32>
        %div3A_197 = arith.divf %exp3A, %div3A : vector<16xf32>
        %mul3A_198 = arith.constant 8 : i32
        %mul3A_199 = arith.muli %sub3A_63, %mul3A_198 : i32
        %iota3A_200 = tpu.iota {dimensions = array<i32: 0>} : vector<16xi32>
        %add3A_201 = vector.broadcast %mul3A_199 : i32 to vector<16xi32>
        %add3A_202 = arith.addi %add3A_201, %iota3A_200 : vector<16xi32>
        %iota3A_203 = tpu.iota {dimensions = array<i32: 0>} : vector<16xi32>
        %lt3A_204 = arith.constant 8 : i32
        %lt3A_205 = vector.broadcast %lt3A_204 : i32 to vector<16xi32>
        %lt3A_206 = arith.cmpi slt, %iota3A_203, %lt3A_205 : vector<16xi32>
        tpu.vector_store_idx %arg22[%add3A_202], %div3A_197 masked %lt3A_206 : memref<64xf32, #tpu.memory_space<vmem>>[vector<16xi32>], vector<16xf32>, vector<16xi1>
        %eq3A_207 = arith.constant 0 : i32
        %eq3A_208 = vector.broadcast %eq3A_207 : i32 to vector<16xi32>
        %eq3A_209 = arith.cmpi eq, %iota3A, %eq3A_208 : vector<16xi32>
        %jit3A = arith.constant 0.000000e+00 : f32
        %broadcast_in_dim3A_210 = vector.broadcast %jit3A : f32 to vector<16xf32>
        %select_n3A_211 = arith.select %eq3A_209, %div3A_197, %broadcast_in_dim3A_210 : vector<16xi1>, vector<16xf32>
        %reduce_sum3A_212 = arith.constant true
        %reduce_sum3A_213 = vector.broadcast %reduce_sum3A_212 : i1 to vector<16xi1>
        %reduce_sum3A_214 = tpu.scan <sum>, %select_n3A_211 masked %reduce_sum3A_213 : vector<16xf32>, vector<16xi1> -> vector<16xf32>
        %reduce_sum3A_215 = vector.extract %reduce_sum3A_214[15] : f32 from vector<16xf32>
        %eq3A_216 = arith.constant 1 : i32
        %eq3A_217 = vector.broadcast %eq3A_216 : i32 to vector<16xi32>
        %eq3A_218 = arith.cmpi eq, %iota3A, %eq3A_217 : vector<16xi32>
        %jit3A_219 = arith.constant 0.000000e+00 : f32
        %broadcast_in_dim3A_220 = vector.broadcast %jit3A_219 : f32 to vector<16xf32>
        %select_n3A_221 = arith.select %eq3A_218, %div3A_197, %broadcast_in_dim3A_220 : vector<16xi1>, vector<16xf32>
        %reduce_sum3A_222 = arith.constant true
        %reduce_sum3A_223 = vector.broadcast %reduce_sum3A_222 : i1 to vector<16xi1>
        %reduce_sum3A_224 = tpu.scan <sum>, %select_n3A_221 masked %reduce_sum3A_223 : vector<16xf32>, vector<16xi1> -> vector<16xf32>
        %reduce_sum3A_225 = vector.extract %reduce_sum3A_224[15] : f32 from vector<16xf32>
        %eq3A_226 = arith.constant 2 : i32
        %eq3A_227 = vector.broadcast %eq3A_226 : i32 to vector<16xi32>
        %eq3A_228 = arith.cmpi eq, %iota3A, %eq3A_227 : vector<16xi32>
        %jit3A_229 = arith.constant 0.000000e+00 : f32
        %broadcast_in_dim3A_230 = vector.broadcast %jit3A_229 : f32 to vector<16xf32>
        %select_n3A_231 = arith.select %eq3A_228, %div3A_197, %broadcast_in_dim3A_230 : vector<16xi1>, vector<16xf32>
        %reduce_sum3A_232 = arith.constant true
        %reduce_sum3A_233 = vector.broadcast %reduce_sum3A_232 : i1 to vector<16xi1>
        %reduce_sum3A_234 = tpu.scan <sum>, %select_n3A_231 masked %reduce_sum3A_233 : vector<16xf32>, vector<16xi1> -> vector<16xf32>
        %reduce_sum3A_235 = vector.extract %reduce_sum3A_234[15] : f32 from vector<16xf32>
        %eq3A_236 = arith.constant 3 : i32
        %eq3A_237 = vector.broadcast %eq3A_236 : i32 to vector<16xi32>
        %eq3A_238 = arith.cmpi eq, %iota3A, %eq3A_237 : vector<16xi32>
        %jit3A_239 = arith.constant 0.000000e+00 : f32
        %broadcast_in_dim3A_240 = vector.broadcast %jit3A_239 : f32 to vector<16xf32>
        %select_n3A_241 = arith.select %eq3A_238, %div3A_197, %broadcast_in_dim3A_240 : vector<16xi1>, vector<16xf32>
        %reduce_sum3A_242 = arith.constant true
        %reduce_sum3A_243 = vector.broadcast %reduce_sum3A_242 : i1 to vector<16xi1>
        %reduce_sum3A_244 = tpu.scan <sum>, %select_n3A_241 masked %reduce_sum3A_243 : vector<16xf32>, vector<16xi1> -> vector<16xf32>
        %reduce_sum3A_245 = vector.extract %reduce_sum3A_244[15] : f32 from vector<16xf32>
        %eq3A_246 = arith.constant 4 : i32
        %eq3A_247 = vector.broadcast %eq3A_246 : i32 to vector<16xi32>
        %eq3A_248 = arith.cmpi eq, %iota3A, %eq3A_247 : vector<16xi32>
        %jit3A_249 = arith.constant 0.000000e+00 : f32
        %broadcast_in_dim3A_250 = vector.broadcast %jit3A_249 : f32 to vector<16xf32>
        %select_n3A_251 = arith.select %eq3A_248, %div3A_197, %broadcast_in_dim3A_250 : vector<16xi1>, vector<16xf32>
        %reduce_sum3A_252 = arith.constant true
        %reduce_sum3A_253 = vector.broadcast %reduce_sum3A_252 : i1 to vector<16xi1>
        %reduce_sum3A_254 = tpu.scan <sum>, %select_n3A_251 masked %reduce_sum3A_253 : vector<16xf32>, vector<16xi1> -> vector<16xf32>
        %reduce_sum3A_255 = vector.extract %reduce_sum3A_254[15] : f32 from vector<16xf32>
        %eq3A_256 = arith.constant 5 : i32
        %eq3A_257 = vector.broadcast %eq3A_256 : i32 to vector<16xi32>
        %eq3A_258 = arith.cmpi eq, %iota3A, %eq3A_257 : vector<16xi32>
        %jit3A_259 = arith.constant 0.000000e+00 : f32
        %broadcast_in_dim3A_260 = vector.broadcast %jit3A_259 : f32 to vector<16xf32>
        %select_n3A_261 = arith.select %eq3A_258, %div3A_197, %broadcast_in_dim3A_260 : vector<16xi1>, vector<16xf32>
        %reduce_sum3A_262 = arith.constant true
        %reduce_sum3A_263 = vector.broadcast %reduce_sum3A_262 : i1 to vector<16xi1>
        %reduce_sum3A_264 = tpu.scan <sum>, %select_n3A_261 masked %reduce_sum3A_263 : vector<16xf32>, vector<16xi1> -> vector<16xf32>
        %reduce_sum3A_265 = vector.extract %reduce_sum3A_264[15] : f32 from vector<16xf32>
        %eq3A_266 = arith.constant 6 : i32
        %eq3A_267 = vector.broadcast %eq3A_266 : i32 to vector<16xi32>
        %eq3A_268 = arith.cmpi eq, %iota3A, %eq3A_267 : vector<16xi32>
        %jit3A_269 = arith.constant 0.000000e+00 : f32
        %broadcast_in_dim3A_270 = vector.broadcast %jit3A_269 : f32 to vector<16xf32>
        %select_n3A_271 = arith.select %eq3A_268, %div3A_197, %broadcast_in_dim3A_270 : vector<16xi1>, vector<16xf32>
        %reduce_sum3A_272 = arith.constant true
        %reduce_sum3A_273 = vector.broadcast %reduce_sum3A_272 : i1 to vector<16xi1>
        %reduce_sum3A_274 = tpu.scan <sum>, %select_n3A_271 masked %reduce_sum3A_273 : vector<16xf32>, vector<16xi1> -> vector<16xf32>
        %reduce_sum3A_275 = vector.extract %reduce_sum3A_274[15] : f32 from vector<16xf32>
        %eq3A_276 = arith.constant 7 : i32
        %eq3A_277 = vector.broadcast %eq3A_276 : i32 to vector<16xi32>
        %eq3A_278 = arith.cmpi eq, %iota3A, %eq3A_277 : vector<16xi32>
        %jit3A_279 = arith.constant 0.000000e+00 : f32
        %broadcast_in_dim3A_280 = vector.broadcast %jit3A_279 : f32 to vector<16xf32>
        %select_n3A_281 = arith.select %eq3A_278, %div3A_197, %broadcast_in_dim3A_280 : vector<16xi1>, vector<16xf32>
        %reduce_sum3A_282 = arith.constant true
        %reduce_sum3A_283 = vector.broadcast %reduce_sum3A_282 : i1 to vector<16xi1>
        %reduce_sum3A_284 = tpu.scan <sum>, %select_n3A_281 masked %reduce_sum3A_283 : vector<16xf32>, vector<16xi1> -> vector<16xf32>
        %reduce_sum3A_285 = vector.extract %reduce_sum3A_284[15] : f32 from vector<16xf32>
        %scan3A_286 = arith.constant 0 : i32
        %scan3A_287 = arith.constant 0 : i32
        %scan3A_288 = arith.constant 128 : i32
        %scan3A_289 = arith.addi %scan3A_287, %scan3A_288 : i32
        %scan3A_290 = arith.constant 1 : i32
        %scan3A_291 = scf.for %scan3A_305 = %scan3A_287 to %scan3A_289 step %scan3A_290 iter_args(%scan3A_306 = %scan3A_286) -> (i32)  : i32 {
          %mul3A_307 = arith.constant 16 : i32
          %mul3A_308 = arith.muli %scan3A_305, %mul3A_307 : i32
          %get3A = arith.constant 0 : i32
          %get3A_309 = arith.index_cast %rem3A_64 : i32 to index
          %get3A_310 = arith.index_cast %get3A : i32 to index
          %get3A_311 = arith.index_cast %mul3A_308 : i32 to index
          %get3A_312 = tpu.vector_load %arg17[%get3A_309, %get3A_310, %get3A_311] {strides = array<i32>} : memref<2x8x2048xf32, #tpu.memory_space<vmem>>, vector<16xf32>,
          %mul3A_313 = vector.broadcast %reduce_sum3A_215 : f32 to vector<16xf32>
          %mul3A_314 = arith.mulf %mul3A_313, %get3A_312 : vector<16xf32>
          %get3A_315 = arith.constant 1 : i32
          %get3A_316 = arith.index_cast %rem3A_64 : i32 to index
          %get3A_317 = arith.index_cast %get3A_315 : i32 to index
          %get3A_318 = arith.index_cast %mul3A_308 : i32 to index
          %get3A_319 = tpu.vector_load %arg17[%get3A_316, %get3A_317, %get3A_318] {strides = array<i32>} : memref<2x8x2048xf32, #tpu.memory_space<vmem>>, vector<16xf32>,
          %mul3A_320 = vector.broadcast %reduce_sum3A_225 : f32 to vector<16xf32>
          %mul3A_321 = arith.mulf %mul3A_320, %get3A_319 : vector<16xf32>
          %add3A_322 = arith.addf %mul3A_314, %mul3A_321 : vector<16xf32>
          %get3A_323 = arith.constant 2 : i32
          %get3A_324 = arith.index_cast %rem3A_64 : i32 to index
          %get3A_325 = arith.index_cast %get3A_323 : i32 to index
          %get3A_326 = arith.index_cast %mul3A_308 : i32 to index
          %get3A_327 = tpu.vector_load %arg17[%get3A_324, %get3A_325, %get3A_326] {strides = array<i32>} : memref<2x8x2048xf32, #tpu.memory_space<vmem>>, vector<16xf32>,
          %mul3A_328 = vector.broadcast %reduce_sum3A_235 : f32 to vector<16xf32>
          %mul3A_329 = arith.mulf %mul3A_328, %get3A_327 : vector<16xf32>
          %add3A_330 = arith.addf %add3A_322, %mul3A_329 : vector<16xf32>
          %get3A_331 = arith.constant 3 : i32
          %get3A_332 = arith.index_cast %rem3A_64 : i32 to index
          %get3A_333 = arith.index_cast %get3A_331 : i32 to index
          %get3A_334 = arith.index_cast %mul3A_308 : i32 to index
          %get3A_335 = tpu.vector_load %arg17[%get3A_332, %get3A_333, %get3A_334] {strides = array<i32>} : memref<2x8x2048xf32, #tpu.memory_space<vmem>>, vector<16xf32>,
          %mul3A_336 = vector.broadcast %reduce_sum3A_245 : f32 to vector<16xf32>
          %mul3A_337 = arith.mulf %mul3A_336, %get3A_335 : vector<16xf32>
          %add3A_338 = arith.addf %add3A_330, %mul3A_337 : vector<16xf32>
          %get3A_339 = arith.constant 4 : i32
          %get3A_340 = arith.index_cast %rem3A_64 : i32 to index
          %get3A_341 = arith.index_cast %get3A_339 : i32 to index
          %get3A_342 = arith.index_cast %mul3A_308 : i32 to index
          %get3A_343 = tpu.vector_load %arg17[%get3A_340, %get3A_341, %get3A_342] {strides = array<i32>} : memref<2x8x2048xf32, #tpu.memory_space<vmem>>, vector<16xf32>,
          %mul3A_344 = vector.broadcast %reduce_sum3A_255 : f32 to vector<16xf32>
          %mul3A_345 = arith.mulf %mul3A_344, %get3A_343 : vector<16xf32>
          %add3A_346 = arith.addf %add3A_338, %mul3A_345 : vector<16xf32>
          %get3A_347 = arith.constant 5 : i32
          %get3A_348 = arith.index_cast %rem3A_64 : i32 to index
          %get3A_349 = arith.index_cast %get3A_347 : i32 to index
          %get3A_350 = arith.index_cast %mul3A_308 : i32 to index
          %get3A_351 = tpu.vector_load %arg17[%get3A_348, %get3A_349, %get3A_350] {strides = array<i32>} : memref<2x8x2048xf32, #tpu.memory_space<vmem>>, vector<16xf32>,
          %mul3A_352 = vector.broadcast %reduce_sum3A_265 : f32 to vector<16xf32>
          %mul3A_353 = arith.mulf %mul3A_352, %get3A_351 : vector<16xf32>
          %add3A_354 = arith.addf %add3A_346, %mul3A_353 : vector<16xf32>
          %get3A_355 = arith.constant 6 : i32
          %get3A_356 = arith.index_cast %rem3A_64 : i32 to index
          %get3A_357 = arith.index_cast %get3A_355 : i32 to index
          %get3A_358 = arith.index_cast %mul3A_308 : i32 to index
          %get3A_359 = tpu.vector_load %arg17[%get3A_356, %get3A_357, %get3A_358] {strides = array<i32>} : memref<2x8x2048xf32, #tpu.memory_space<vmem>>, vector<16xf32>,
          %mul3A_360 = vector.broadcast %reduce_sum3A_275 : f32 to vector<16xf32>
          %mul3A_361 = arith.mulf %mul3A_360, %get3A_359 : vector<16xf32>
          %add3A_362 = arith.addf %add3A_354, %mul3A_361 : vector<16xf32>
          %get3A_363 = arith.constant 7 : i32
          %get3A_364 = arith.index_cast %rem3A_64 : i32 to index
          %get3A_365 = arith.index_cast %get3A_363 : i32 to index
          %get3A_366 = arith.index_cast %mul3A_308 : i32 to index
          %get3A_367 = tpu.vector_load %arg17[%get3A_364, %get3A_365, %get3A_366] {strides = array<i32>} : memref<2x8x2048xf32, #tpu.memory_space<vmem>>, vector<16xf32>,
          %mul3A_368 = vector.broadcast %reduce_sum3A_285 : f32 to vector<16xf32>
          %mul3A_369 = arith.mulf %mul3A_368, %get3A_367 : vector<16xf32>
          %add3A_370 = arith.addf %add3A_362, %mul3A_369 : vector<16xf32>
          %swap3A = arith.index_cast %rem3A_64 : i32 to index
          %swap3A_371 = arith.index_cast %mul3A_308 : i32 to index
          %swap3A_372 = tpu.vector_load %arg19[%swap3A, %swap3A_371] {strides = array<i32>} : memref<2x2048xf32, #tpu.memory_space<vmem>>, vector<16xf32>,
          tpu.vector_store %arg19[%swap3A, %swap3A_371], %add3A_370 {strides = array<i32>} : memref<2x2048xf32, #tpu.memory_space<vmem>>, vector<16xf32>,
          %scan3A_373 = arith.constant 0 : i32
          scf.yield %scan3A_373 : i32
        }
        %scan3A_292 = arith.constant 128 : i32
        %add3A_293 = arith.addi %mul3A_2, %sub3A_63 : i32
        %dma_start3A = arith.constant 0 : i32
        %dma_start3A_294 = tpu.memref_slice %arg19[%rem3A_64, %dma_start3A] : memref<2x2048xf32, #tpu.memory_space<vmem>> -> memref<1x2048xf32, #tpu.memory_space<vmem>>
        %dma_start3A_295 = tpu.memref_squeeze %dma_start3A_294 : memref<1x2048xf32, #tpu.memory_space<vmem>> -> memref<2048xf32, #tpu.memory_space<vmem>>
        %dma_start3A_296 = arith.constant 0 : i32
        %dma_start3A_297 = tpu.memref_slice %arg10[%add3A_293, %dma_start3A_296] : memref<256x2048xf32, #tpu.memory_space<hbm>> -> memref<1x2048xf32, #tpu.memory_space<hbm>>
        %dma_start3A_298 = tpu.memref_squeeze %dma_start3A_297 : memref<1x2048xf32, #tpu.memory_space<hbm>> -> memref<2048xf32, #tpu.memory_space<hbm>>
        %dma_start3A_299 = arith.constant 0 : i32
        %dma_start3A_300 = tpu.memref_slice %arg10[%add3A_293, %dma_start3A_299] : memref<256x2048xf32, #tpu.memory_space<hbm>> -> memref<1x2048xf32, #tpu.memory_space<hbm>>
        %dma_start3A_301 = tpu.memref_squeeze %dma_start3A_300 : memref<1x2048xf32, #tpu.memory_space<hbm>> -> memref<2048xf32, #tpu.memory_space<hbm>>
        %dma_start3A_302 = arith.constant 0 : i32
        %dma_start3A_303 = tpu.memref_slice %arg19[%rem3A_64, %dma_start3A_302] : memref<2x2048xf32, #tpu.memory_space<vmem>> -> memref<1x2048xf32, #tpu.memory_space<vmem>>
        %dma_start3A_304 = tpu.memref_squeeze %dma_start3A_303 : memref<1x2048xf32, #tpu.memory_space<vmem>> -> memref<2048xf32, #tpu.memory_space<vmem>>
        tpu.enqueue_dma source(%dma_start3A_304 : memref<2048xf32, #tpu.memory_space<vmem>>) target(%dma_start3A_301 : memref<2048xf32, #tpu.memory_space<hbm>>) target_semaphore(%arg27 : memref<!tpu.dma_semaphore, #tpu.memory_space<semaphore_mem>>)
      } else {
      }
      %scan3A_62 = arith.constant 0 : i32
      scf.yield %scan3A_62 : i32
    }
    %scan3A_17 = arith.constant 9 : i32
    %add3A_18 = arith.constant 6 : i32
    %add3A_19 = arith.addi %mul3A_2, %add3A_18 : i32
    %dma_wait3A = arith.constant 0 : i32
    %dma_wait3A_20 = arith.constant 0 : i32
    %dma_wait3A_21 = tpu.memref_slice %arg19[%dma_wait3A, %dma_wait3A_20] : memref<2x2048xf32, #tpu.memory_space<vmem>> -> memref<1x2048xf32, #tpu.memory_space<vmem>>
    %dma_wait3A_22 = tpu.memref_squeeze %dma_wait3A_21 : memref<1x2048xf32, #tpu.memory_space<vmem>> -> memref<2048xf32, #tpu.memory_space<vmem>>
    %dma_wait3A_23 = arith.constant 0 : i32
    %dma_wait3A_24 = tpu.memref_slice %arg10[%add3A_19, %dma_wait3A_23] : memref<256x2048xf32, #tpu.memory_space<hbm>> -> memref<1x2048xf32, #tpu.memory_space<hbm>>
    %dma_wait3A_25 = tpu.memref_squeeze %dma_wait3A_24 : memref<1x2048xf32, #tpu.memory_space<hbm>> -> memref<2048xf32, #tpu.memory_space<hbm>>
    %dma_wait3A_26 = arith.constant 0 : i32
    %dma_wait3A_27 = tpu.memref_slice %arg10[%add3A_19, %dma_wait3A_26] : memref<256x2048xf32, #tpu.memory_space<hbm>> -> memref<1x2048xf32, #tpu.memory_space<hbm>>
    %dma_wait3A_28 = tpu.memref_squeeze %dma_wait3A_27 : memref<1x2048xf32, #tpu.memory_space<hbm>> -> memref<2048xf32, #tpu.memory_space<hbm>>
    %dma_wait3A_29 = arith.constant 0 : i32
    %dma_wait3A_30 = tpu.memref_slice %arg19[%dma_wait3A, %dma_wait3A_29] : memref<2x2048xf32, #tpu.memory_space<vmem>> -> memref<1x2048xf32, #tpu.memory_space<vmem>>
    %dma_wait3A_31 = tpu.memref_squeeze %dma_wait3A_30 : memref<1x2048xf32, #tpu.memory_space<vmem>> -> memref<2048xf32, #tpu.memory_space<vmem>>
    tpu.wait_dma2 semaphore(%arg27 : memref<!tpu.dma_semaphore, #tpu.memory_space<semaphore_mem>>) src(%dma_wait3A_31 : memref<2048xf32, #tpu.memory_space<vmem>>) dst(%dma_wait3A_28 : memref<2048xf32, #tpu.memory_space<hbm>>)
    %add3A_32 = arith.constant 7 : i32
    %add3A_33 = arith.addi %mul3A_2, %add3A_32 : i32
    %dma_wait3A_34 = arith.constant 1 : i32
    %dma_wait3A_35 = arith.constant 0 : i32
    %dma_wait3A_36 = tpu.memref_slice %arg19[%dma_wait3A_34, %dma_wait3A_35] : memref<2x2048xf32, #tpu.memory_space<vmem>> -> memref<1x2048xf32, #tpu.memory_space<vmem>>
    %dma_wait3A_37 = tpu.memref_squeeze %dma_wait3A_36 : memref<1x2048xf32, #tpu.memory_space<vmem>> -> memref<2048xf32, #tpu.memory_space<vmem>>
    %dma_wait3A_38 = arith.constant 0 : i32
    %dma_wait3A_39 = tpu.memref_slice %arg10[%add3A_33, %dma_wait3A_38] : memref<256x2048xf32, #tpu.memory_space<hbm>> -> memref<1x2048xf32, #tpu.memory_space<hbm>>
    %dma_wait3A_40 = tpu.memref_squeeze %dma_wait3A_39 : memref<1x2048xf32, #tpu.memory_space<hbm>> -> memref<2048xf32, #tpu.memory_space<hbm>>
    %dma_wait3A_41 = arith.constant 0 : i32
    %dma_wait3A_42 = tpu.memref_slice %arg10[%add3A_33, %dma_wait3A_41] : memref<256x2048xf32, #tpu.memory_space<hbm>> -> memref<1x2048xf32, #tpu.memory_space<hbm>>
    %dma_wait3A_43 = tpu.memref_squeeze %dma_wait3A_42 : memref<1x2048xf32, #tpu.memory_space<hbm>> -> memref<2048xf32, #tpu.memory_space<hbm>>
    %dma_wait3A_44 = arith.constant 0 : i32
    %dma_wait3A_45 = tpu.memref_slice %arg19[%dma_wait3A_34, %dma_wait3A_44] : memref<2x2048xf32, #tpu.memory_space<vmem>> -> memref<1x2048xf32, #tpu.memory_space<vmem>>
    %dma_wait3A_46 = tpu.memref_squeeze %dma_wait3A_45 : memref<1x2048xf32, #tpu.memory_space<vmem>> -> memref<2048xf32, #tpu.memory_space<vmem>>
    tpu.wait_dma2 semaphore(%arg27 : memref<!tpu.dma_semaphore, #tpu.memory_space<semaphore_mem>>) src(%dma_wait3A_46 : memref<2048xf32, #tpu.memory_space<vmem>>) dst(%dma_wait3A_43 : memref<2048xf32, #tpu.memory_space<hbm>>)
    %mul3A_47 = arith.constant 8 : i32
    %mul3A_48 = arith.muli %mul3A_2, %mul3A_47 : i32
    "tpu.region"() ({
      %run_scoped3A = tpu.sem_alloc : memref<!tpu.dma_semaphore, #tpu.memory_space<semaphore_mem>>
      %dma_start3A = tpu.memref_slice %arg7[%mul3A_48] : memref<2048xf32, #tpu.memory_space<hbm>> -> memref<64xf32, #tpu.memory_space<hbm>>
      %dma_start3A_53 = tpu.memref_slice %arg7[%mul3A_48] : memref<2048xf32, #tpu.memory_space<hbm>> -> memref<64xf32, #tpu.memory_space<hbm>>
      tpu.enqueue_dma source(%arg20 : memref<64xf32, #tpu.memory_space<vmem>>) target(%dma_start3A_53 : memref<64xf32, #tpu.memory_space<hbm>>) target_semaphore(%run_scoped3A : memref<!tpu.dma_semaphore, #tpu.memory_space<semaphore_mem>>)
      %dma_wait3A_54 = tpu.memref_slice %arg7[%mul3A_48] : memref<2048xf32, #tpu.memory_space<hbm>> -> memref<64xf32, #tpu.memory_space<hbm>>
      %dma_wait3A_55 = tpu.memref_slice %arg7[%mul3A_48] : memref<2048xf32, #tpu.memory_space<hbm>> -> memref<64xf32, #tpu.memory_space<hbm>>
      tpu.wait_dma2 semaphore(%run_scoped3A : memref<!tpu.dma_semaphore, #tpu.memory_space<semaphore_mem>>) src(%arg20 : memref<64xf32, #tpu.memory_space<vmem>>) dst(%dma_wait3A_55 : memref<64xf32, #tpu.memory_space<hbm>>)
      tpu.yield
    }) : () -> ()
    %mul3A_49 = arith.constant 8 : i32
    %mul3A_50 = arith.muli %mul3A_2, %mul3A_49 : i32
    "tpu.region"() ({
      %run_scoped3A = tpu.sem_alloc : memref<!tpu.dma_semaphore, #tpu.memory_space<semaphore_mem>>
      %dma_start3A = tpu.memref_slice %arg8[%mul3A_50] : memref<2048xi32, #tpu.memory_space<hbm>> -> memref<64xi32, #tpu.memory_space<hbm>>
      %dma_start3A_53 = tpu.memref_slice %arg8[%mul3A_50] : memref<2048xi32, #tpu.memory_space<hbm>> -> memref<64xi32, #tpu.memory_space<hbm>>
      tpu.enqueue_dma source(%arg21 : memref<64xi32, #tpu.memory_space<vmem>>) target(%dma_start3A_53 : memref<64xi32, #tpu.memory_space<hbm>>) target_semaphore(%run_scoped3A : memref<!tpu.dma_semaphore, #tpu.memory_space<semaphore_mem>>)
      %dma_wait3A_54 = tpu.memref_slice %arg8[%mul3A_50] : memref<2048xi32, #tpu.memory_space<hbm>> -> memref<64xi32, #tpu.memory_space<hbm>>
      %dma_wait3A_55 = tpu.memref_slice %arg8[%mul3A_50] : memref<2048xi32, #tpu.memory_space<hbm>> -> memref<64xi32, #tpu.memory_space<hbm>>
      tpu.wait_dma2 semaphore(%run_scoped3A : memref<!tpu.dma_semaphore, #tpu.memory_space<semaphore_mem>>) src(%arg21 : memref<64xi32, #tpu.memory_space<vmem>>) dst(%dma_wait3A_55 : memref<64xi32, #tpu.memory_space<hbm>>)
      tpu.yield
    }) : () -> ()
    %mul3A_51 = arith.constant 8 : i32
    %mul3A_52 = arith.muli %mul3A_2, %mul3A_51 : i32
    "tpu.region"() ({
      %run_scoped3A = tpu.sem_alloc : memref<!tpu.dma_semaphore, #tpu.memory_space<semaphore_mem>>
      %dma_start3A = tpu.memref_slice %arg9[%mul3A_52] : memref<2048xf32, #tpu.memory_space<hbm>> -> memref<64xf32, #tpu.memory_space<hbm>>
      %dma_start3A_53 = tpu.memref_slice %arg9[%mul3A_52] : memref<2048xf32, #tpu.memory_space<hbm>> -> memref<64xf32, #tpu.memory_space<hbm>>
      tpu.enqueue_dma source(%arg22 : memref<64xf32, #tpu.memory_space<vmem>>) target(%dma_start3A_53 : memref<64xf32, #tpu.memory_space<hbm>>) target_semaphore(%run_scoped3A : memref<!tpu.dma_semaphore, #tpu.memory_space<semaphore_mem>>)
      %dma_wait3A_54 = tpu.memref_slice %arg9[%mul3A_52] : memref<2048xf32, #tpu.memory_space<hbm>> -> memref<64xf32, #tpu.memory_space<hbm>>
      %dma_wait3A_55 = tpu.memref_slice %arg9[%mul3A_52] : memref<2048xf32, #tpu.memory_space<hbm>> -> memref<64xf32, #tpu.memory_space<hbm>>
      tpu.wait_dma2 semaphore(%run_scoped3A : memref<!tpu.dma_semaphore, #tpu.memory_space<semaphore_mem>>) src(%arg22 : memref<64xf32, #tpu.memory_space<vmem>>) dst(%dma_wait3A_55 : memref<64xf32, #tpu.memory_space<hbm>>)
      tpu.yield
    }) : () -> ()
    return
  }
}

module attributes {stable_mosaic.version = 14 : i64} {
  func.func @_bmaxT_body(%arg0: memref<128x256xf32, #tpu.memory_space<vmem>>, %arg1: memref<256x128xf32, #tpu.memory_space<vmem>>) attributes {dimension_semantics = [], scalar_prefetch = 0 : i64, scratch_operands = 0 : i64, tpu.core_type = #tpu.core_type<tc>} {
    %get3A = arith.constant 0 : index
    %get3A_0 = arith.constant 0 : index
    %get3A_1 = vector.load %arg0[%get3A, %get3A_0] : memref<128x256xf32, #tpu.memory_space<vmem>>, vector<128x256xf32>
    %transpose3A = tpu.transpose %get3A_1, [1, 0] : vector<128x256xf32> -> vector<256x128xf32>
    %swap3A = arith.constant 0 : index
    %swap3A_2 = arith.constant 0 : index
    %swap3A_3 = vector.load %arg1[%swap3A, %swap3A_2] : memref<256x128xf32, #tpu.memory_space<vmem>>, vector<256x128xf32>
    tpu.vector_store %arg1[%swap3A, %swap3A_2], %transpose3A {strides = array<i32>} : memref<256x128xf32, #tpu.memory_space<vmem>>, vector<256x128xf32>,
    return
  }
}

module attributes {stable_mosaic.version = 14 : i64} {
  func.func @_ptab2_body(%arg0: i32, %arg1: memref<51x300xf32, #tpu.memory_space<vmem>>, %arg2: memref<300x1024xf32, #tpu.memory_space<vmem>>, %arg3: memref<1x1024xf32, #tpu.memory_space<vmem>>, %arg4: memref<1024x2048xf32, #tpu.memory_space<vmem>>, %arg5: memref<1x2048xf32, #tpu.memory_space<vmem>>, %arg6: memref<2048x512xf32, #tpu.memory_space<vmem>>, %arg7: memref<51x512xf32, #tpu.memory_space<vmem>>, %arg8: memref<51x2048xf32, #tpu.memory_space<vmem>>) attributes {dimension_semantics = [#tpu.dimension_semantics<arbitrary>], iteration_bounds = array<i64: 4>, scalar_prefetch = 0 : i64, scratch_operands = 1 : i64, tpu.core_type = #tpu.core_type<tc>, window_params = [{pipeline_mode = #tpu.pipeline_mode<synchronous>, transform_indices = @transform_0, window_bounds = array<i64: 51, 300>}, {pipeline_mode = #tpu.pipeline_mode<synchronous>, transform_indices = @transform_1, window_bounds = array<i64: 300, 1024>}, {pipeline_mode = #tpu.pipeline_mode<synchronous>, transform_indices = @transform_2, window_bounds = array<i64: 1, 1024>}, {pipeline_mode = #tpu.pipeline_mode<synchronous>, transform_indices = @transform_3, window_bounds = array<i64: 1024, 2048>}, {pipeline_mode = #tpu.pipeline_mode<synchronous>, transform_indices = @transform_4, window_bounds = array<i64: 1, 2048>}, {transform_indices = @transform_5, window_bounds = array<i64: 2048, 512>}, {transform_indices = @transform_6, window_bounds = array<i64: 51, 512>}]} {
    %eq3A = arith.constant 0 : i32
    %eq3A_0 = arith.cmpi eq, %arg0, %eq3A : i32
    %convert_element_type3A = arith.extui %eq3A_0 : i1 to i32
    %cond3A = arith.constant 0 : i32
    %cond3A_1 = arith.cmpi ne, %convert_element_type3A, %cond3A : i32
    scf.if %cond3A_1 {
      %get3A_10 = arith.constant 0 : index
      %get3A_11 = arith.constant 0 : index
      %get3A_12 = vector.load %arg1[%get3A_10, %get3A_11] : memref<51x300xf32, #tpu.memory_space<vmem>>, vector<51x300xf32>
      %get3A_13 = arith.constant 0 : index
      %get3A_14 = arith.constant 0 : index
      %get3A_15 = vector.load %arg2[%get3A_13, %get3A_14] : memref<300x1024xf32, #tpu.memory_space<vmem>>, vector<300x1024xf32>
      %dot_general3A_16 = arith.constant dense<0.000000e+00> : vector<51x1024xf32>
      %dot_general3A_17 = tpu.matmul %get3A_12, %get3A_15, %dot_general3A_16 {dimension_numbers = #tpu.dot_dimension_numbers<[1], [0], [0], [1], [0, 0, 1, 1], [], []>, transpose_lhs_hint = false} : vector<51x300xf32>, vector<300x1024xf32>, vector<51x1024xf32> -> vector<51x1024xf32>
      %get3A_18 = arith.constant 0 : index
      %get3A_19 = arith.constant 0 : index
      %get3A_20 = vector.load %arg3[%get3A_18, %get3A_19] : memref<1x1024xf32, #tpu.memory_space<vmem>>, vector<1x1024xf32>
      %add3A = vector.broadcast %get3A_20 : vector<1x1024xf32> to vector<51x1024xf32>
      %add3A_21 = arith.addf %dot_general3A_17, %add3A : vector<51x1024xf32>
      %max3A = arith.constant 0.000000e+00 : f32
      %max3A_22 = vector.broadcast %max3A : f32 to vector<51x1024xf32>
      %max3A_23 = arith.maximumf %add3A_21, %max3A_22 : vector<51x1024xf32>
      %get3A_24 = arith.constant 0 : index
      %get3A_25 = arith.constant 0 : index
      %get3A_26 = vector.load %arg4[%get3A_24, %get3A_25] : memref<1024x2048xf32, #tpu.memory_space<vmem>>, vector<1024x2048xf32>
      %dot_general3A_27 = arith.constant dense<0.000000e+00> : vector<51x2048xf32>
      %dot_general3A_28 = tpu.matmul %max3A_23, %get3A_26, %dot_general3A_27 {dimension_numbers = #tpu.dot_dimension_numbers<[1], [0], [0], [1], [0, 0, 1, 1], [], []>, transpose_lhs_hint = false} : vector<51x1024xf32>, vector<1024x2048xf32>, vector<51x2048xf32> -> vector<51x2048xf32>
      %get3A_29 = arith.constant 0 : index
      %get3A_30 = arith.constant 0 : index
      %get3A_31 = vector.load %arg5[%get3A_29, %get3A_30] : memref<1x2048xf32, #tpu.memory_space<vmem>>, vector<1x2048xf32>
      %add3A_32 = vector.broadcast %get3A_31 : vector<1x2048xf32> to vector<51x2048xf32>
      %add3A_33 = arith.addf %dot_general3A_28, %add3A_32 : vector<51x2048xf32>
      %swap3A_34 = arith.constant 0 : index
      %swap3A_35 = arith.constant 0 : index
      %swap3A_36 = vector.load %arg8[%swap3A_34, %swap3A_35] : memref<51x2048xf32, #tpu.memory_space<vmem>>, vector<51x2048xf32>
      tpu.vector_store %arg8[%swap3A_34, %swap3A_35], %add3A_33 {strides = array<i32>} : memref<51x2048xf32, #tpu.memory_space<vmem>>, vector<51x2048xf32>,
    } else {
    }
    %get3A = arith.constant 0 : index
    %get3A_2 = arith.constant 0 : index
    %get3A_3 = vector.load %arg8[%get3A, %get3A_2] : memref<51x2048xf32, #tpu.memory_space<vmem>>, vector<51x2048xf32>
    %get3A_4 = arith.constant 0 : index
    %get3A_5 = arith.constant 0 : index
    %get3A_6 = vector.load %arg6[%get3A_4, %get3A_5] : memref<2048x512xf32, #tpu.memory_space<vmem>>, vector<2048x512xf32>
    %dot_general3A = arith.constant dense<0.000000e+00> : vector<51x512xf32>
    %dot_general3A_7 = tpu.matmul %get3A_3, %get3A_6, %dot_general3A {dimension_numbers = #tpu.dot_dimension_numbers<[1], [0], [0], [1], [0, 0, 1, 1], [], []>, transpose_lhs_hint = false} : vector<51x2048xf32>, vector<2048x512xf32>, vector<51x512xf32> -> vector<51x512xf32>
    %swap3A = arith.constant 0 : index
    %swap3A_8 = arith.constant 0 : index
    %swap3A_9 = vector.load %arg7[%swap3A, %swap3A_8] : memref<51x512xf32, #tpu.memory_space<vmem>>, vector<51x512xf32>
    tpu.vector_store %arg7[%swap3A, %swap3A_8], %dot_general3A_7 {strides = array<i32>} : memref<51x512xf32, #tpu.memory_space<vmem>>, vector<51x512xf32>,
    return
  }
  func.func @transform_0(%arg0: i32) -> (i32, i32) {
    %c0_i32 = arith.constant 0 : i32
    %c0_i32_0 = arith.constant 0 : i32
    %c0_i32_1 = arith.constant 0 : i32
    return %c0_i32, %c0_i32_0 : i32, i32
  }
  func.func @transform_1(%arg0: i32) -> (i32, i32) {
    %c0_i32 = arith.constant 0 : i32
    %c0_i32_0 = arith.constant 0 : i32
    %c0_i32_1 = arith.constant 0 : i32
    return %c0_i32, %c0_i32_0 : i32, i32
  }
  func.func @transform_2(%arg0: i32) -> (i32, i32) {
    %c0_i32 = arith.constant 0 : i32
    %c0_i32_0 = arith.constant 0 : i32
    %c0_i32_1 = arith.constant 0 : i32
    return %c0_i32, %c0_i32_0 : i32, i32
  }
  func.func @transform_3(%arg0: i32) -> (i32, i32) {
    %c0_i32 = arith.constant 0 : i32
    %c0_i32_0 = arith.constant 0 : i32
    %c0_i32_1 = arith.constant 0 : i32
    return %c0_i32, %c0_i32_0 : i32, i32
  }
  func.func @transform_4(%arg0: i32) -> (i32, i32) {
    %c0_i32 = arith.constant 0 : i32
    %c0_i32_0 = arith.constant 0 : i32
    %c0_i32_1 = arith.constant 0 : i32
    return %c0_i32, %c0_i32_0 : i32, i32
  }
  func.func @transform_5(%arg0: i32) -> (i32, i32) {
    %c1_i32 = arith.constant 1 : i32
    %c0_i32 = arith.constant 0 : i32
    return %c1_i32, %arg0 : i32, i32
  }
  func.func @transform_6(%arg0: i32) -> (i32, i32) {
    %c0_i32 = arith.constant 0 : i32
    %c0_i32_0 = arith.constant 0 : i32
    return %c0_i32, %arg0 : i32, i32
  }
}

module attributes {stable_mosaic.version = 14 : i64} {
  func.func @_sim_body(%arg0: i32, %arg1: memref<256x2048xf32, #tpu.memory_space<vmem>>, %arg2: memref<1024x2048xf32, #tpu.memory_space<vmem>>, %arg3: memref<2048x128xf32, #tpu.memory_space<vmem>>, %arg4: memref<8x256xf32, #tpu.memory_space<vmem>>) attributes {dimension_semantics = [#tpu.dimension_semantics<arbitrary>], iteration_bounds = array<i64: 16>, scalar_prefetch = 0 : i64, scratch_operands = 0 : i64, tpu.core_type = #tpu.core_type<tc>, window_params = [{pipeline_mode = #tpu.pipeline_mode<synchronous>, transform_indices = @transform_0, window_bounds = array<i64: 256, 2048>}, {transform_indices = @transform_1, window_bounds = array<i64: 1024, 2048>}, {transform_indices = @transform_2, window_bounds = array<i64: 2048, 128>}, {transform_indices = @transform_3, window_bounds = array<i64: 8, 256>}]} {
    %get3A = arith.constant 0 : index
    %get3A_0 = arith.constant 0 : index
    %get3A_1 = vector.load %arg1[%get3A, %get3A_0] : memref<256x2048xf32, #tpu.memory_space<vmem>>, vector<256x2048xf32>
    %mul3A = arith.mulf %get3A_1, %get3A_1 : vector<256x2048xf32>
    %reduce_sum3A = arith.constant dense<0.000000e+00> : vector<256xf32>
    %reduce_sum3A_2 = vector.multi_reduction <add>, %mul3A, %reduce_sum3A [1] : vector<256x2048xf32> to vector<256xf32>
    %broadcast_in_dim3A = vector.shape_cast %reduce_sum3A_2 : vector<256xf32> to vector<256x1xf32>
    %sqrt3A = math.sqrt %broadcast_in_dim3A : vector<256x1xf32>
    %add3A = arith.constant 9.99999996E-13 : f32
    %add3A_3 = vector.broadcast %add3A : f32 to vector<256x1xf32>
    %add3A_4 = arith.addf %sqrt3A, %add3A_3 : vector<256x1xf32>
    %div3A = vector.broadcast %add3A_4 : vector<256x1xf32> to vector<256x2048xf32>
    %div3A_5 = arith.divf %get3A_1, %div3A : vector<256x2048xf32>
    %get3A_6 = arith.constant 0 : index
    %get3A_7 = arith.constant 0 : index
    %get3A_8 = vector.load %arg2[%get3A_6, %get3A_7] : memref<1024x2048xf32, #tpu.memory_space<vmem>>, vector<1024x2048xf32>
    %mul3A_9 = arith.mulf %get3A_8, %get3A_8 : vector<1024x2048xf32>
    %reduce_sum3A_10 = arith.constant dense<0.000000e+00> : vector<1024xf32>
    %reduce_sum3A_11 = vector.multi_reduction <add>, %mul3A_9, %reduce_sum3A_10 [1] : vector<1024x2048xf32> to vector<1024xf32>
    %broadcast_in_dim3A_12 = vector.shape_cast %reduce_sum3A_11 : vector<1024xf32> to vector<1024x1xf32>
    %sqrt3A_13 = math.sqrt %broadcast_in_dim3A_12 : vector<1024x1xf32>
    %add3A_14 = arith.constant 9.99999996E-13 : f32
    %add3A_15 = vector.broadcast %add3A_14 : f32 to vector<1024x1xf32>
    %add3A_16 = arith.addf %sqrt3A_13, %add3A_15 : vector<1024x1xf32>
    %div3A_17 = vector.broadcast %add3A_16 : vector<1024x1xf32> to vector<1024x2048xf32>
    %div3A_18 = arith.divf %get3A_8, %div3A_17 : vector<1024x2048xf32>
    %dot_general3A = arith.constant dense<0.000000e+00> : vector<256x1024xf32>
    %dot_general3A_19 = tpu.matmul %div3A_5, %div3A_18, %dot_general3A {dimension_numbers = #tpu.dot_dimension_numbers<[1], [1], [0], [0], [0, 0, 1, 0], [], []>, transpose_lhs_hint = false} : vector<256x2048xf32>, vector<1024x2048xf32>, vector<256x1024xf32> -> vector<256x1024xf32>
    %reshape3A = vector.shape_cast %dot_general3A_19 : vector<256x1024xf32> to vector<256x8x128xf32>
    %transpose3A = tpu.transpose %reshape3A, [1, 0, 2] : vector<256x8x128xf32> -> vector<8x256x128xf32>
    %reshape3A_20 = vector.shape_cast %transpose3A : vector<8x256x128xf32> to vector<2048x128xf32>
    %swap3A = arith.constant 0 : index
    %swap3A_21 = arith.constant 0 : index
    %swap3A_22 = vector.load %arg3[%swap3A, %swap3A_21] : memref<2048x128xf32, #tpu.memory_space<vmem>>, vector<2048x128xf32>
    tpu.vector_store %arg3[%swap3A, %swap3A_21], %reshape3A_20 {strides = array<i32>} : memref<2048x128xf32, #tpu.memory_space<vmem>>, vector<2048x128xf32>,
    %reduce_max3A = arith.constant dense<0xFF800000> : vector<8x256xf32>
    %reduce_max3A_23 = vector.multi_reduction <maximumf>, %transpose3A, %reduce_max3A [2] : vector<8x256x128xf32> to vector<8x256xf32>
    %swap3A_24 = arith.constant 0 : index
    %swap3A_25 = arith.constant 0 : index
    %swap3A_26 = vector.load %arg4[%swap3A_24, %swap3A_25] : memref<8x256xf32, #tpu.memory_space<vmem>>, vector<8x256xf32>
    tpu.vector_store %arg4[%swap3A_24, %swap3A_25], %reduce_max3A_23 {strides = array<i32>} : memref<8x256xf32, #tpu.memory_space<vmem>>, vector<8x256xf32>,
    return
  }
  func.func @transform_0(%arg0: i32) -> (i32, i32) {
    %c0_i32 = arith.constant 0 : i32
    %c0_i32_0 = arith.constant 0 : i32
    %c0_i32_1 = arith.constant 0 : i32
    return %c0_i32, %c0_i32_0 : i32, i32
  }
  func.func @transform_1(%arg0: i32) -> (i32, i32) {
    %c0_i32 = arith.constant 0 : i32
    %c0_i32_0 = arith.constant 0 : i32
    return %arg0, %c0_i32 : i32, i32
  }
  func.func @transform_2(%arg0: i32) -> (i32, i32) {
    %c0_i32 = arith.constant 0 : i32
    %c0_i32_0 = arith.constant 0 : i32
    return %arg0, %c0_i32 : i32, i32
  }
  func.func @transform_3(%arg0: i32) -> (i32, i32) {
    %c0_i32 = arith.constant 0 : i32
    %c0_i32_0 = arith.constant 0 : i32
    return %arg0, %c0_i32 : i32, i32
  }
}

module attributes {stable_mosaic.version = 14 : i64} {
  func.func @_qt_body(%arg0: i32, %arg1: memref<256x2048xf32, #tpu.memory_space<vmem>>, %arg2: memref<2048x128xf32, #tpu.memory_space<vmem>>, %arg3: memref<128xf32, #tpu.memory_space<vmem>>, %arg4: memref<2048x128xf32, #tpu.memory_space<vmem>>, %arg5: memref<256x2048xf32, #tpu.memory_space<vmem>>) attributes {dimension_semantics = [#tpu.dimension_semantics<arbitrary>], iteration_bounds = array<i64: 16>, scalar_prefetch = 0 : i64, scratch_operands = 0 : i64, tpu.core_type = #tpu.core_type<tc>, window_params = [{pipeline_mode = #tpu.pipeline_mode<synchronous>, transform_indices = @transform_0, window_bounds = array<i64: 256, 2048>}, {transform_indices = @transform_1, window_bounds = array<i64: 2048, 128>}, {transform_indices = @transform_2, window_bounds = array<i64: 128>}, {transform_indices = @transform_3, window_bounds = array<i64: 2048, 128>}, {pipeline_mode = #tpu.pipeline_mode<synchronous>, transform_indices = @transform_4, window_bounds = array<i64: 256, 2048>}]} {
    %get3A = arith.constant 0 : index
    %get3A_0 = arith.constant 0 : index
    %get3A_1 = vector.load %arg1[%get3A, %get3A_0] : memref<256x2048xf32, #tpu.memory_space<vmem>>, vector<256x2048xf32>
    %get3A_2 = arith.constant 0 : index
    %get3A_3 = arith.constant 0 : index
    %get3A_4 = vector.load %arg2[%get3A_2, %get3A_3] : memref<2048x128xf32, #tpu.memory_space<vmem>>, vector<2048x128xf32>
    %dot_general3A = arith.constant dense<0.000000e+00> : vector<256x128xf32>
    %dot_general3A_5 = tpu.matmul %get3A_1, %get3A_4, %dot_general3A {dimension_numbers = #tpu.dot_dimension_numbers<[1], [0], [0], [1], [0, 0, 1, 1], [], []>, transpose_lhs_hint = false} : vector<256x2048xf32>, vector<2048x128xf32>, vector<256x128xf32> -> vector<256x128xf32>
    %get3A_6 = arith.constant 0 : index
    %get3A_7 = vector.load %arg3[%get3A_6] : memref<128xf32, #tpu.memory_space<vmem>>, vector<128xf32>
    %broadcast_in_dim3A = vector.shape_cast %get3A_7 : vector<128xf32> to vector<1x128xf32>
    %add3A = vector.broadcast %broadcast_in_dim3A : vector<1x128xf32> to vector<256x128xf32>
    %add3A_8 = arith.addf %dot_general3A_5, %add3A : vector<256x128xf32>
    %get3A_9 = arith.constant 0 : index
    %get3A_10 = arith.constant 0 : index
    %get3A_11 = vector.load %arg4[%get3A_9, %get3A_10] : memref<2048x128xf32, #tpu.memory_space<vmem>>, vector<2048x128xf32>
    %dot_general3A_12 = arith.constant dense<0.000000e+00> : vector<256x2048xf32>
    %dot_general3A_13 = tpu.matmul %add3A_8, %get3A_11, %dot_general3A_12 {dimension_numbers = #tpu.dot_dimension_numbers<[1], [1], [0], [0], [0, 0, 1, 0], [], []>, transpose_lhs_hint = false} : vector<256x128xf32>, vector<2048x128xf32>, vector<256x2048xf32> -> vector<256x2048xf32>
    %eq3A = arith.constant 0 : i32
    %eq3A_14 = arith.cmpi eq, %arg0, %eq3A : i32
    %convert_element_type3A = arith.extui %eq3A_14 : i1 to i32
    %cond3A = arith.constant 0 : i32
    %cond3A_15 = arith.cmpi ne, %convert_element_type3A, %cond3A : i32
    scf.if %cond3A_15 {
      %swap3A = arith.constant 0 : index
      %swap3A_20 = arith.constant 0 : index
      %swap3A_21 = vector.load %arg5[%swap3A, %swap3A_20] : memref<256x2048xf32, #tpu.memory_space<vmem>>, vector<256x2048xf32>
      tpu.vector_store %arg5[%swap3A, %swap3A_20], %dot_general3A_13 {strides = array<i32>} : memref<256x2048xf32, #tpu.memory_space<vmem>>, vector<256x2048xf32>,
    } else {
    }
    %gt3A = arith.constant 0 : i32
    %gt3A_16 = arith.cmpi sgt, %arg0, %gt3A : i32
    %convert_element_type3A_17 = arith.extui %gt3A_16 : i1 to i32
    %cond3A_18 = arith.constant 0 : i32
    %cond3A_19 = arith.cmpi ne, %convert_element_type3A_17, %cond3A_18 : i32
    scf.if %cond3A_19 {
      %get3A_20 = arith.constant 0 : index
      %get3A_21 = arith.constant 0 : index
      %get3A_22 = vector.load %arg5[%get3A_20, %get3A_21] : memref<256x2048xf32, #tpu.memory_space<vmem>>, vector<256x2048xf32>
      %add3A_23 = arith.addf %get3A_22, %dot_general3A_13 : vector<256x2048xf32>
      %swap3A = arith.constant 0 : index
      %swap3A_24 = arith.constant 0 : index
      %swap3A_25 = vector.load %arg5[%swap3A, %swap3A_24] : memref<256x2048xf32, #tpu.memory_space<vmem>>, vector<256x2048xf32>
      tpu.vector_store %arg5[%swap3A, %swap3A_24], %add3A_23 {strides = array<i32>} : memref<256x2048xf32, #tpu.memory_space<vmem>>, vector<256x2048xf32>,
    } else {
    }
    return
  }
  func.func @transform_0(%arg0: i32) -> (i32, i32) {
    %c0_i32 = arith.constant 0 : i32
    %c0_i32_0 = arith.constant 0 : i32
    %c0_i32_1 = arith.constant 0 : i32
    return %c0_i32, %c0_i32_0 : i32, i32
  }
  func.func @transform_1(%arg0: i32) -> (i32, i32) {
    %c0_i32 = arith.constant 0 : i32
    %c0_i32_0 = arith.constant 0 : i32
    return %c0_i32, %arg0 : i32, i32
  }
  func.func @transform_2(%arg0: i32) -> i32 {
    %c0_i32 = arith.constant 0 : i32
    return %arg0 : i32
  }
  func.func @transform_3(%arg0: i32) -> (i32, i32) {
    %c0_i32 = arith.constant 0 : i32
    %c0_i32_0 = arith.constant 0 : i32
    return %c0_i32, %arg0 : i32, i32
  }
  func.func @transform_4(%arg0: i32) -> (i32, i32) {
    %c0_i32 = arith.constant 0 : i32
    %c0_i32_0 = arith.constant 0 : i32
    %c0_i32_1 = arith.constant 0 : i32
    return %c0_i32, %c0_i32_0 : i32, i32
  }
}

module attributes {stable_mosaic.version = 14 : i64} {
  func.func @_final_body(%arg0: i32, %arg1: memref<256x2048xf32, #tpu.memory_space<vmem>>, %arg2: memref<256x8xf32, #tpu.memory_space<vmem>>, %arg3: memref<256x8xi32, #tpu.memory_space<vmem>>, %arg4: memref<51x128xf32, #tpu.memory_space<vmem>>, %arg5: memref<2048x128xf32, #tpu.memory_space<vmem>>, %arg6: memref<128xf32, #tpu.memory_space<vmem>>, %arg7: memref<256x128xf32, #tpu.memory_space<vmem>>, %arg8: memref<256x128xf32, #tpu.memory_space<vmem>>) attributes {dimension_semantics = [#tpu.dimension_semantics<arbitrary>], iteration_bounds = array<i64: 16>, scalar_prefetch = 0 : i64, scratch_operands = 0 : i64, tpu.core_type = #tpu.core_type<tc>, window_params = [{pipeline_mode = #tpu.pipeline_mode<synchronous>, transform_indices = @transform_0, window_bounds = array<i64: 256, 2048>}, {pipeline_mode = #tpu.pipeline_mode<synchronous>, transform_indices = @transform_1, window_bounds = array<i64: 256, 8>}, {pipeline_mode = #tpu.pipeline_mode<synchronous>, transform_indices = @transform_2, window_bounds = array<i64: 256, 8>}, {transform_indices = @transform_3, window_bounds = array<i64: 51, 128>}, {transform_indices = @transform_4, window_bounds = array<i64: 2048, 128>}, {transform_indices = @transform_5, window_bounds = array<i64: 128>}, {transform_indices = @transform_6, window_bounds = array<i64: 256, 128>}, {transform_indices = @transform_7, window_bounds = array<i64: 256, 128>}]} {
    %get3A = arith.constant 0 : index
    %get3A_0 = arith.constant 0 : index
    %get3A_1 = vector.load %arg1[%get3A, %get3A_0] : memref<256x2048xf32, #tpu.memory_space<vmem>>, vector<256x2048xf32>
    %get3A_2 = arith.constant 0 : index
    %get3A_3 = arith.constant 0 : index
    %get3A_4 = vector.load %arg5[%get3A_2, %get3A_3] : memref<2048x128xf32, #tpu.memory_space<vmem>>, vector<2048x128xf32>
    %dot_general3A = arith.constant dense<0.000000e+00> : vector<256x128xf32>
    %dot_general3A_5 = tpu.matmul %get3A_1, %get3A_4, %dot_general3A {dimension_numbers = #tpu.dot_dimension_numbers<[1], [0], [0], [1], [0, 0, 1, 1], [], []>, transpose_lhs_hint = false} : vector<256x2048xf32>, vector<2048x128xf32>, vector<256x128xf32> -> vector<256x128xf32>
    %iota3A = tpu.iota {dimensions = array<i32: 1>} : vector<256x51xi32>
    %get3A_6 = arith.constant 0 : index
    %get3A_7 = arith.constant 0 : index
    %get3A_8 = vector.load %arg2[%get3A_6, %get3A_7] : memref<256x8xf32, #tpu.memory_space<vmem>>, vector<256x8xf32>
    %get3A_9 = arith.constant 0 : index
    %get3A_10 = arith.constant 0 : index
    %get3A_11 = vector.load %arg3[%get3A_9, %get3A_10] : memref<256x8xi32, #tpu.memory_space<vmem>>, vector<256x8xi32>
    %broadcast_in_dim3A = arith.constant 0.000000e+00 : f32
    %broadcast_in_dim3A_12 = vector.broadcast %broadcast_in_dim3A : f32 to vector<256x51xf32>
    %slice3A = vector.extract_strided_slice %get3A_8 {offsets = [0, 0], sizes = [256, 1], strides = [1, 1]} : vector<256x8xf32> to vector<256x1xf32>
    %slice3A_13 = vector.extract_strided_slice %get3A_11 {offsets = [0, 0], sizes = [256, 1], strides = [1, 1]} : vector<256x8xi32> to vector<256x1xi32>
    %eq3A = vector.broadcast %slice3A_13 : vector<256x1xi32> to vector<256x51xi32>
    %eq3A_14 = arith.cmpi eq, %eq3A, %iota3A : vector<256x51xi32>
    %convert_element_type3A = arith.extui %eq3A_14 : vector<256x51xi1> to vector<256x51xi32>
    %convert_element_type3A_15 = arith.sitofp %convert_element_type3A : vector<256x51xi32> to vector<256x51xf32>
    %mul3A = vector.broadcast %slice3A : vector<256x1xf32> to vector<256x51xf32>
    %mul3A_16 = arith.mulf %mul3A, %convert_element_type3A_15 : vector<256x51xf32>
    %add3A = arith.addf %broadcast_in_dim3A_12, %mul3A_16 : vector<256x51xf32>
    %slice3A_17 = vector.extract_strided_slice %get3A_8 {offsets = [0, 1], sizes = [256, 1], strides = [1, 1]} : vector<256x8xf32> to vector<256x1xf32>
    %slice3A_18 = vector.extract_strided_slice %get3A_11 {offsets = [0, 1], sizes = [256, 1], strides = [1, 1]} : vector<256x8xi32> to vector<256x1xi32>
    %eq3A_19 = vector.broadcast %slice3A_18 : vector<256x1xi32> to vector<256x51xi32>
    %eq3A_20 = arith.cmpi eq, %eq3A_19, %iota3A : vector<256x51xi32>
    %convert_element_type3A_21 = arith.extui %eq3A_20 : vector<256x51xi1> to vector<256x51xi32>
    %convert_element_type3A_22 = arith.sitofp %convert_element_type3A_21 : vector<256x51xi32> to vector<256x51xf32>
    %mul3A_23 = vector.broadcast %slice3A_17 : vector<256x1xf32> to vector<256x51xf32>
    %mul3A_24 = arith.mulf %mul3A_23, %convert_element_type3A_22 : vector<256x51xf32>
    %add3A_25 = arith.addf %add3A, %mul3A_24 : vector<256x51xf32>
    %slice3A_26 = vector.extract_strided_slice %get3A_8 {offsets = [0, 2], sizes = [256, 1], strides = [1, 1]} : vector<256x8xf32> to vector<256x1xf32>
    %slice3A_27 = vector.extract_strided_slice %get3A_11 {offsets = [0, 2], sizes = [256, 1], strides = [1, 1]} : vector<256x8xi32> to vector<256x1xi32>
    %eq3A_28 = vector.broadcast %slice3A_27 : vector<256x1xi32> to vector<256x51xi32>
    %eq3A_29 = arith.cmpi eq, %eq3A_28, %iota3A : vector<256x51xi32>
    %convert_element_type3A_30 = arith.extui %eq3A_29 : vector<256x51xi1> to vector<256x51xi32>
    %convert_element_type3A_31 = arith.sitofp %convert_element_type3A_30 : vector<256x51xi32> to vector<256x51xf32>
    %mul3A_32 = vector.broadcast %slice3A_26 : vector<256x1xf32> to vector<256x51xf32>
    %mul3A_33 = arith.mulf %mul3A_32, %convert_element_type3A_31 : vector<256x51xf32>
    %add3A_34 = arith.addf %add3A_25, %mul3A_33 : vector<256x51xf32>
    %slice3A_35 = vector.extract_strided_slice %get3A_8 {offsets = [0, 3], sizes = [256, 1], strides = [1, 1]} : vector<256x8xf32> to vector<256x1xf32>
    %slice3A_36 = vector.extract_strided_slice %get3A_11 {offsets = [0, 3], sizes = [256, 1], strides = [1, 1]} : vector<256x8xi32> to vector<256x1xi32>
    %eq3A_37 = vector.broadcast %slice3A_36 : vector<256x1xi32> to vector<256x51xi32>
    %eq3A_38 = arith.cmpi eq, %eq3A_37, %iota3A : vector<256x51xi32>
    %convert_element_type3A_39 = arith.extui %eq3A_38 : vector<256x51xi1> to vector<256x51xi32>
    %convert_element_type3A_40 = arith.sitofp %convert_element_type3A_39 : vector<256x51xi32> to vector<256x51xf32>
    %mul3A_41 = vector.broadcast %slice3A_35 : vector<256x1xf32> to vector<256x51xf32>
    %mul3A_42 = arith.mulf %mul3A_41, %convert_element_type3A_40 : vector<256x51xf32>
    %add3A_43 = arith.addf %add3A_34, %mul3A_42 : vector<256x51xf32>
    %slice3A_44 = vector.extract_strided_slice %get3A_8 {offsets = [0, 4], sizes = [256, 1], strides = [1, 1]} : vector<256x8xf32> to vector<256x1xf32>
    %slice3A_45 = vector.extract_strided_slice %get3A_11 {offsets = [0, 4], sizes = [256, 1], strides = [1, 1]} : vector<256x8xi32> to vector<256x1xi32>
    %eq3A_46 = vector.broadcast %slice3A_45 : vector<256x1xi32> to vector<256x51xi32>
    %eq3A_47 = arith.cmpi eq, %eq3A_46, %iota3A : vector<256x51xi32>
    %convert_element_type3A_48 = arith.extui %eq3A_47 : vector<256x51xi1> to vector<256x51xi32>
    %convert_element_type3A_49 = arith.sitofp %convert_element_type3A_48 : vector<256x51xi32> to vector<256x51xf32>
    %mul3A_50 = vector.broadcast %slice3A_44 : vector<256x1xf32> to vector<256x51xf32>
    %mul3A_51 = arith.mulf %mul3A_50, %convert_element_type3A_49 : vector<256x51xf32>
    %add3A_52 = arith.addf %add3A_43, %mul3A_51 : vector<256x51xf32>
    %slice3A_53 = vector.extract_strided_slice %get3A_8 {offsets = [0, 5], sizes = [256, 1], strides = [1, 1]} : vector<256x8xf32> to vector<256x1xf32>
    %slice3A_54 = vector.extract_strided_slice %get3A_11 {offsets = [0, 5], sizes = [256, 1], strides = [1, 1]} : vector<256x8xi32> to vector<256x1xi32>
    %eq3A_55 = vector.broadcast %slice3A_54 : vector<256x1xi32> to vector<256x51xi32>
    %eq3A_56 = arith.cmpi eq, %eq3A_55, %iota3A : vector<256x51xi32>
    %convert_element_type3A_57 = arith.extui %eq3A_56 : vector<256x51xi1> to vector<256x51xi32>
    %convert_element_type3A_58 = arith.sitofp %convert_element_type3A_57 : vector<256x51xi32> to vector<256x51xf32>
    %mul3A_59 = vector.broadcast %slice3A_53 : vector<256x1xf32> to vector<256x51xf32>
    %mul3A_60 = arith.mulf %mul3A_59, %convert_element_type3A_58 : vector<256x51xf32>
    %add3A_61 = arith.addf %add3A_52, %mul3A_60 : vector<256x51xf32>
    %slice3A_62 = vector.extract_strided_slice %get3A_8 {offsets = [0, 6], sizes = [256, 1], strides = [1, 1]} : vector<256x8xf32> to vector<256x1xf32>
    %slice3A_63 = vector.extract_strided_slice %get3A_11 {offsets = [0, 6], sizes = [256, 1], strides = [1, 1]} : vector<256x8xi32> to vector<256x1xi32>
    %eq3A_64 = vector.broadcast %slice3A_63 : vector<256x1xi32> to vector<256x51xi32>
    %eq3A_65 = arith.cmpi eq, %eq3A_64, %iota3A : vector<256x51xi32>
    %convert_element_type3A_66 = arith.extui %eq3A_65 : vector<256x51xi1> to vector<256x51xi32>
    %convert_element_type3A_67 = arith.sitofp %convert_element_type3A_66 : vector<256x51xi32> to vector<256x51xf32>
    %mul3A_68 = vector.broadcast %slice3A_62 : vector<256x1xf32> to vector<256x51xf32>
    %mul3A_69 = arith.mulf %mul3A_68, %convert_element_type3A_67 : vector<256x51xf32>
    %add3A_70 = arith.addf %add3A_61, %mul3A_69 : vector<256x51xf32>
    %slice3A_71 = vector.extract_strided_slice %get3A_8 {offsets = [0, 7], sizes = [256, 1], strides = [1, 1]} : vector<256x8xf32> to vector<256x1xf32>
    %slice3A_72 = vector.extract_strided_slice %get3A_11 {offsets = [0, 7], sizes = [256, 1], strides = [1, 1]} : vector<256x8xi32> to vector<256x1xi32>
    %eq3A_73 = vector.broadcast %slice3A_72 : vector<256x1xi32> to vector<256x51xi32>
    %eq3A_74 = arith.cmpi eq, %eq3A_73, %iota3A : vector<256x51xi32>
    %convert_element_type3A_75 = arith.extui %eq3A_74 : vector<256x51xi1> to vector<256x51xi32>
    %convert_element_type3A_76 = arith.sitofp %convert_element_type3A_75 : vector<256x51xi32> to vector<256x51xf32>
    %mul3A_77 = vector.broadcast %slice3A_71 : vector<256x1xf32> to vector<256x51xf32>
    %mul3A_78 = arith.mulf %mul3A_77, %convert_element_type3A_76 : vector<256x51xf32>
    %add3A_79 = arith.addf %add3A_70, %mul3A_78 : vector<256x51xf32>
    %get3A_80 = arith.constant 0 : index
    %get3A_81 = arith.constant 0 : index
    %get3A_82 = vector.load %arg4[%get3A_80, %get3A_81] : memref<51x128xf32, #tpu.memory_space<vmem>>, vector<51x128xf32>
    %dot_general3A_83 = arith.constant dense<0.000000e+00> : vector<256x128xf32>
    %dot_general3A_84 = tpu.matmul %add3A_79, %get3A_82, %dot_general3A_83 {dimension_numbers = #tpu.dot_dimension_numbers<[1], [0], [0], [1], [0, 0, 1, 1], [], []>, transpose_lhs_hint = false} : vector<256x51xf32>, vector<51x128xf32>, vector<256x128xf32> -> vector<256x128xf32>
    %add3A_85 = arith.addf %dot_general3A_5, %dot_general3A_84 : vector<256x128xf32>
    %get3A_86 = arith.constant 0 : index
    %get3A_87 = vector.load %arg6[%get3A_86] : memref<128xf32, #tpu.memory_space<vmem>>, vector<128xf32>
    %broadcast_in_dim3A_88 = vector.shape_cast %get3A_87 : vector<128xf32> to vector<1x128xf32>
    %add3A_89 = vector.broadcast %broadcast_in_dim3A_88 : vector<1x128xf32> to vector<256x128xf32>
    %add3A_90 = arith.addf %add3A_85, %add3A_89 : vector<256x128xf32>
    %get3A_91 = arith.constant 0 : index
    %get3A_92 = arith.constant 0 : index
    %get3A_93 = vector.load %arg7[%get3A_91, %get3A_92] : memref<256x128xf32, #tpu.memory_space<vmem>>, vector<256x128xf32>
    %add3A_94 = arith.addf %add3A_90, %get3A_93 : vector<256x128xf32>
    %max3A = arith.constant 0.000000e+00 : f32
    %max3A_95 = vector.broadcast %max3A : f32 to vector<256x128xf32>
    %max3A_96 = arith.maximumf %add3A_94, %max3A_95 : vector<256x128xf32>
    %sub3A = arith.subf %add3A_90, %get3A_93 : vector<256x128xf32>
    %integer_pow3A = arith.mulf %sub3A, %sub3A : vector<256x128xf32>
    %sub3A_97 = arith.subf %max3A_96, %integer_pow3A : vector<256x128xf32>
    %swap3A = arith.constant 0 : index
    %swap3A_98 = arith.constant 0 : index
    %swap3A_99 = vector.load %arg8[%swap3A, %swap3A_98] : memref<256x128xf32, #tpu.memory_space<vmem>>, vector<256x128xf32>
    tpu.vector_store %arg8[%swap3A, %swap3A_98], %sub3A_97 {strides = array<i32>} : memref<256x128xf32, #tpu.memory_space<vmem>>, vector<256x128xf32>,
    return
  }
  func.func @transform_0(%arg0: i32) -> (i32, i32) {
    %c0_i32 = arith.constant 0 : i32
    %c0_i32_0 = arith.constant 0 : i32
    %c0_i32_1 = arith.constant 0 : i32
    return %c0_i32, %c0_i32_0 : i32, i32
  }
  func.func @transform_1(%arg0: i32) -> (i32, i32) {
    %c0_i32 = arith.constant 0 : i32
    %c0_i32_0 = arith.constant 0 : i32
    %c0_i32_1 = arith.constant 0 : i32
    return %c0_i32, %c0_i32_0 : i32, i32
  }
  func.func @transform_2(%arg0: i32) -> (i32, i32) {
    %c0_i32 = arith.constant 0 : i32
    %c0_i32_0 = arith.constant 0 : i32
    %c0_i32_1 = arith.constant 0 : i32
    return %c0_i32, %c0_i32_0 : i32, i32
  }
  func.func @transform_3(%arg0: i32) -> (i32, i32) {
    %c0_i32 = arith.constant 0 : i32
    %c0_i32_0 = arith.constant 0 : i32
    return %c0_i32, %arg0 : i32, i32
  }
  func.func @transform_4(%arg0: i32) -> (i32, i32) {
    %c0_i32 = arith.constant 0 : i32
    %c0_i32_0 = arith.constant 0 : i32
    return %c0_i32, %arg0 : i32, i32
  }
  func.func @transform_5(%arg0: i32) -> i32 {
    %c0_i32 = arith.constant 0 : i32
    return %arg0 : i32
  }
  func.func @transform_6(%arg0: i32) -> (i32, i32) {
    %c0_i32 = arith.constant 0 : i32
    %c0_i32_0 = arith.constant 0 : i32
    return %c0_i32, %arg0 : i32, i32
  }
  func.func @transform_7(%arg0: i32) -> (i32, i32) {
    %c0_i32 = arith.constant 0 : i32
    %c0_i32_0 = arith.constant 0 : i32
    return %c0_i32, %arg0 : i32, i32
  }
}

</mosaic_0001>

<sc_bundles>
// kernel: kernel.8.cloned.1.call-start
scs
__scs_entry_jumppad:
0x0: {  	(pc) =	sbr.rel $0x88, $3  }
0x1: {  	(tag) =	ssettag $0x0;
	lr =	simm.s32 $0x1  }
0x2: {  	[smem:$0x3F94] =	sst lr;
	_ =	strace $0xD0000000  }
0x3: {  	_ = 	snop  }
0x4: {  	_ = 	snop  }
0x5: {  	_ = 	snop  }
0x6: {  	_ = 	snop  }
0x7: {  	_ = 	snop  }
__scs_overlays_trampoline_lowered:
0x8: {  	[smem:$0x3FA3] =	sst s0  }
0x9: {  	[smem:$0x3FA4] =	sst s1  }
0xa: {  	[smem:$0x3FA5] =	sst s2  }
0xb: {  	[smem:$0x3FA6] =	sst s3  }
0xc: {  	[smem:$0x3FA7] =	sst s4  }
0xd: {  	[smem:$0x3FA8] =	sst s5  }
0xe: {  	[smem:$0x3FA9] =	sst s6  }
0xf: {  	[smem:$0x3FAA] =	sst s7  }
0x10: {  	[smem:$0x3FAB] =	sst s8  }
0x11: {  	[smem:$0x3FAC] =	sst s9;
	s0 =	simm.s32 @!p0 $0x0  }
0x12: {  	s1 =	sld [smem:$0x3F92];
	s0 =	simm.s32 @p0 $0x1  }
0x13: {  	[smem:$0x3FAD] =	sst s0;
	s0 =	simm.s32 @!p1 $0x0  }
0x14: {  	s2 =	sld [smem:$0x3F91];
	s0 =	simm.s32 @p1 $0x1  }
0x15: {  	[smem:$0x3FAE] =	sst s0;
	s0 =	simm.s32 @!p2 $0x0  }
0x16: {  	s3 =	sld [smem:$0x3FDB];
	s0 =	simm.s32 @p2 $0x1  }
0x17: {  	s4 =	simm.s32 $0x1BF5;
	[smem:$0x3FB0] =	sst s0  }
0x18: {  	s0 =	sld [smem:$0x3F93];
	_ =	swait.ge [sflag:s4], $0x0  }
0x19: {  	s7 =	sld [smem:$0x3F94]  }
0x1a: {  	s8 =	sadd.s32 $0xFFFFE003, lr  }
0x1b: {  	s9 =	sadd.s32 $0xFFFFFEF7, lr;
	s5 =	simm.s32 $0xFFFFFFFF;
	p2 =	slt.u32 s8, $0xFFFFF086  }
0x1c: {  	p1 =	slt.u32 s9, $0xF7A;
	s5 =	simm.s32 @!p2 $0x0  }
0x1d: {  	s5 =	simm.s32 @p1 $0x1;
	p0 =	seq.s32 s7, s2  }
0x1e: {  	s7 =	smul.u32 @!p0 $0xF7A, s2;
	p2 =	seq.s32 @!p0 s5, $0x0  }
0x1f: {  	s9 =	smul.u32 $0xF7A, s1;
	s8 =	simm.s32 @!p0 $0x1BF5;
	p2 =	por !p2, p0  }
0x20: {  	[sflag:s8] =	ssyncset.s32 @!p0 $0xFFFFF086;
	s6 =	sadd.s32 @!p0 s3, s7;
	s7 =	simm.s32 @!p0 $0x108  }
0x21: {  	s3 =	sadd.s32 s3, s9;
	s6 =	sadd.s32 @!p0 $0x88, s6;
	s7 =	simm.s32 @p2 $0x1082  }
0x22: {  	[simem:s7], [sflag:s8] =	dma.local @!p0 [hbm:s6], $0xF7A  }
0x23: {  	s9 =	sor.u32 $0xD0000000, s2;
	s6 =	simm.s32 $0x108;
	_ =	swait.ge @!p0 [sflag:s8], $0x0  }
0x24: {  	s3 =	sadd.s32 $0x88, s3;
	s6 =	simm.s32 @!p1 $0x1082;
	[sflag:s4] =	ssyncset.s32 $0xFFFFF086  }
0x25: {  	[simem:s6], [sflag:s4] =	dma.local [hbm:s3], $0xF7A  }
0x26: {  	[smem:$0x3F94] =	sst s1;
	(tag) =	ssettag s2;
	_ =	strace s9  }
0x27: {  	s1 =	sld [smem:$0x3FA4]  }
0x28: {  	s2 =	sld [smem:$0x3FA5]  }
0x29: {  	s4 =	sld [smem:$0x3FA7]  }
0x2a: {  	p0 =	seq.s32 s5, $0x0;
	s5 =	sld [smem:$0x3FA8]  }
0x2b: {  	s6 =	sld [smem:$0x3FA9]  }
0x2c: {  	s7 =	sld [smem:$0x3FAA]  }
0x2d: {  	s3 =	simm.s32 $0x108;
	s8 =	sld [smem:$0x3FAB]  }
0x2e: {  	s3 =	simm.s32 @!p0 $0x1082;
	s9 =	sld [smem:$0x3FAC]  }
0x2f: {  	lr =	sadd.s32 s0, s3;
	s0 =	sld [smem:$0x3FA3]  }
0x30: {  	s3 =	sld [smem:$0x3FA6]  }
0x31: {  	[smem:$0x3FAF] =	sst s10  }
0x32: {  	s10 =	sld [smem:$0x3FAD];
	_ =	sdelay $0x3  }
0x33: {  	p0 =	seq.s32 s10, $0x1;
	s10 =	sld [smem:$0x3FAF];
	_ =	sdelay $0x3  }
0x34: {  	[smem:$0x3FAF] =	sst s10  }
0x35: {  	s10 =	sld [smem:$0x3FAE];
	_ =	sdelay $0x3  }
0x36: {  	p1 =	seq.s32 s10, $0x1;
	s10 =	sld [smem:$0x3FAF];
	_ =	sdelay $0x3  }
0x37: {  	[smem:$0x3FAF] =	sst s10  }
0x38: {  	s10 =	sld [smem:$0x3FB0]  }
0x39: {  	_ = 	snop;
	(pc) =	sbr.ind lr, $3  }
0x3a: {  	_ = 	snop  }
0x3b: {  	_ = 	snop  }
0x3c: {  	p2 =	seq.s32 s10, $0x1;
	s10 =	sld [smem:$0x3FAF]  }
0x3d: {  	_ =	shalt  }
0x3e: {  	_ =	shalt  }
0x3f: {  	_ =	shalt  }
0x40: {  	_ =	shalt  }
0x41: {  	_ =	shalt  }
0x42: {  	_ =	shalt  }
0x43: {  	_ =	shalt  }
0x44: {  	_ =	shalt  }
0x45: {  	_ =	shalt  }
0x46: {  	_ =	shalt  }
0x47: {  	_ =	shalt  }
0x48: {  	_ =	shalt  }
0x49: {  	_ =	shalt  }
0x4a: {  	_ =	shalt  }
0x4b: {  	_ =	shalt  }
0x4c: {  	_ =	shalt  }
0x4d: {  	_ =	shalt  }
0x4e: {  	_ =	shalt  }
0x4f: {  	_ =	shalt  }
0x50: {  	_ =	shalt  }
0x51: {  	_ =	shalt  }
0x52: {  	_ =	shalt  }
0x53: {  	_ =	shalt  }
0x54: {  	_ =	shalt  }
0x55: {  	_ =	shalt  }
0x56: {  	_ =	shalt  }
0x57: {  	_ =	shalt  }
0x58: {  	_ =	shalt  }
0x59: {  	_ =	shalt  }
0x5a: {  	_ =	shalt  }
0x5b: {  	_ =	shalt  }
0x5c: {  	_ =	shalt  }
0x5d: {  	_ =	shalt  }
0x5e: {  	_ =	shalt  }
0x5f: {  	_ =	shalt  }
0x60: {  	_ =	shalt  }
0x61: {  	_ =	shalt  }
0x62: {  	_ =	shalt  }
0x63: {  	_ =	shalt  }
0x64: {  	_ =	shalt  }
0x65: {  	_ =	shalt  }
0x66: {  	_ =	shalt  }
0x67: {  	_ =	shalt  }
0x68: {  	_ =	shalt  }
0x69: {  	_ =	shalt  }
0x6a: {  	_ =	shalt  }
0x6b: {  	_ =	shalt  }
0x6c: {  	_ =	shalt  }
0x6d: {  	_ =	shalt  }
0x6e: {  	_ =	shalt  }
0x6f: {  	_ =	shalt  }
0x70: {  	_ =	shalt  }
0x71: {  	_ =	shalt  }
0x72: {  	_ =	shalt  }
0x73: {  	_ =	shalt  }
0x74: {  	_ =	shalt  }
0x75: {  	_ =	shalt  }
0x76: {  	_ =	shalt  }
0x77: {  	_ =	shalt  }
0x78: {  	_ =	shalt  }
0x79: {  	_ =	shalt  }
0x7a: {  	_ =	shalt  }
0x7b: {  	_ =	shalt  }
0x7c: {  	_ =	shalt  }
0x7d: {  	_ =	shalt  }
0x7e: {  	_ =	shalt  }
0x7f: {  	_ =	shalt  }
0x80: {  	_ =	shalt  }
0x81: {  	_ =	shalt  }
0x82: {  	_ =	shalt  }
0x83: {  	_ =	shalt  }
0x84: {  	_ =	shalt  }
0x85: {  	_ =	shalt  }
0x86: {  	_ =	shalt  }
0x87: {  	_ =	shalt  }
.Lfunc_end0:
.L_simem_size_0:
called_computation_lowered:
.L_overlay_start_0:
0x88: {  	s2 =	sld [smem:$0x3FD9]  }
0x89: {  	s3 =	sld [smem:$0x3FFE];
	_ =	sdelay $0x1  }
0x8a: {  	s1 =	srdreg.scid  }
0x8b: {  	s0 =	sand.u32 $0x1, s1  }
0x8c: {  	s14 =	sshll.u32 s0, $0xA;
	s2 =	sadd.s32 s3, s2  }
0x8d: {  	s2 =	sadd.s32 s2, s14  }
0x8e: {  	[smem:$0x3FBB] =	sst s2  }
0x8f: {  	_ = 	snop  }
0x90: {  	s2 =	sld [smem:$0x3FD0];
	_ =	sdelay $0x1  }
0x91: {  	s15 =	sld [smem:$0x3FC8]  }
0x92: {  	s5 =	simm.s32 $0xA;
	s6 =	simm.s32 $0x10;
	s4 =	sld [smem:$0x3FC7]  }
0x93: {  	[smem:s6], [sflag:s5] =	dma.local [hbm:s2], $0x1  }
0x94: {  	_ =	swait.eq [sflag:s5], $0x1  }
0x95: {  	s16 =	sld [smem:$0x10];
	[sflag:s5] =	ssyncset.done $0x0  }
0x96: {  	s17 =	sld [smem:$0x11];
	[sflag:s5] =	ssyncadd.s32 $0xFFFFFFFF  }
0x97: {  	s18 =	sld [smem:$0x12];
	(tm) =	ssettm $0x1  }
0x98: {  	s7 =	sld [smem:$0x3FFB];
	_ =	sdelay $0x3  }
0x99: {  	_ =	strace s7  }
0x9a: {  	s7 =	sld [smem:$0x3FFC];
	_ =	sdelay $0x3  }
0x9b: {  	_ =	strace s7  }
0x9c: {  	s7 =	sld [smem:$0x3FFD];
	_ =	sdelay $0x3  }
0x9d: {  	_ =	strace s7  }
0x9e: {  	_ =	strace $0x8FFFFFFF  }
0x9f: {  	s19 =	sld [smem:$0x3FDB];
	_ =	sdelay $0x1  }
0xa0: {  	s8 =	simm.s32 $_scs_section_size  }
0xa1: {  	s9 =	simm.s32 $_size__tile_overlayer_lowered;
	s10 =	simm.s32 $_tile_overlayer_lowered  }
0xa2: {  	s22 =	simm.s32 $0x1BFF;
	s21 =	sshll.u32 s10, $0x1;
	s7 =	sadd.s32 s8, s19  }
0xa3: {  	s11 =	simm.s32 $0x0;
	s20 =	sshll.u32 s9, $0x1;
	s9 =	sadd.s32 s21, s7  }
0xa4: {  	[timem:s11], [sflag:s22] =	dma.local [hbm:s9], s20  }
0xa5: {  	_ =	swait.ge [sflag:s22], s20  }
0xa6: {  	s8 =	ssub.s32 $0x0, s20;
	[sflag:s22] =	ssyncset.done $0x0  }
0xa7: {  	[sflag:s22] =	ssyncadd.s32 s8;
	_ =	sdelay $0x1  }
0xa8: {  	s23 =	simm.s32 $0x1B8B  }
0xa9: {  	_ =	swait.ge [sflag:s23], $0x1  }
0xaa: {  	[sflag:s23] =	ssyncset.done $0x0  }
0xab: {  	s25 =	simm.s32 $0x1B8E;
	s24 =	sld [smem:$0x3FFE];
	[sflag:s23] =	ssyncadd.s32 $0xFFFFFFFF  }
0xac: {  	s26 =	simm.s32 $execute0_lowered;
	[smem:$0x3FD2] =	sst s25  }
0xad: {  	s9 =	sshll.u32 s26, $0x1;
	_ =	strace $0x80000046;
	[dreg:$0x1] =	wrdreg $0xFFFFFFFF  }
0xae: {  	s28 =	simm.s32 $_size_execute0_lowered;
	s7 =	sadd.s32 s7, s9;
	[dreg:$0x0] =	wrdreg $0x0  }
0xaf: {  	s9 =	sshll.u32 s28, $0x1;
	[dreg:$0x2] =	wrdreg s7  }
0xb0: {  	[dreg:$0x3] =	wrdreg s9  }
0xb1: {  	[dreg:$0x4] =	wrdreg $0xC0  }
0xb2: {  	_ =	task [dreg:s11], $0x5FFFF  }
0xb3: {  	[dreg:$0x1] =	wrdreg $0xFFFFFFFF  }
0xb4: {  	[dreg:$0x0] =	wrdreg $0x60  }
0xb5: {  	[dreg:$0x2] =	wrdreg s24  }
0xb6: {  	[dreg:$0x3] =	wrdreg s15  }
0xb7: {  	[dreg:$0x4] =	wrdreg s4  }
0xb8: {  	[dreg:$0x5] =	wrdreg s16  }
0xb9: {  	[dreg:$0x6] =	wrdreg s17  }
0xba: {  	[dreg:$0x7] =	wrdreg s18  }
0xbb: {  	[dreg:$0x8] =	wrdreg $0x9  }
0xbc: {  	_ =	task.clear_ibuf [dreg:s11], $0x9FFFF;
	_ =	strace $0x90000046  }
0xbd: {  	s29 =	simm.s32 $0x9;
	_ =	strace $0x80000048  }
0xbe: {  	_ =	swait.ge [sflag:s29], $0x1  }
0xbf: {  	[sflag:s29] =	ssyncadd.s32 $0xFFFFFFFF  }
0xc0: {  	_ =	strace $0x90000048  }
0xc1: {  	_ =	sfence  }
0xc2: {  	s30 =	sld [smem:$0x0];
	_ =	sdelay $0x2  }
0xc3: {  	s31 =	sshll.u32 s1, $0xD;
	s1 =	sshrl.u32 s1, $0x2  }
0xc4: {  	s3 =	sand.u32 $0x4000, s31;
	s1 =	sadd.s32 s1, s30  }
0xc5: {  	s0 =	sor.u32 s3, s0;
	s1 =	sshll.u32 s1, $0x11  }
0xc6: {  	s0 =	sor.u32 s1, s0  }
0xc7: {  	s0 =	sadd.s32 $0x8F2B, s0  }
0xc8: {  	[sflag:s0] =	ssyncadd.remote.s32 $0x1  }
0xc9: {  	_ =	sfence.sel $0xFFFF  }
0xca: {  	[dreg:$0x0] =	wrdreg $0xFFFFFFFF;
	(pc) =	sbr.abs _section_cstart, $3  }
0xcb: {  	[dreg:$0x1] =	wrdreg $0xFFFFFFFF  }
0xcc: {  	_ =	task.clear_ibuf [dreg:s11], $0x2FFFF;
	_ =	strace $0x9FFFFFFF  }
0xcd: {  	(tm) =	ssettm $0x7FFFFFFF  }
tec
execute0_lowered:
.L_overlay_start_1:
0x0: {  	(tag) =	ssettag $0x1  }
0x1: {  	s0 =	rddreg [dreg:$0x0]  }
0x2: {  	s1 =	rddreg [dreg:$0x1]  }
0x3: {  	s2 =	rddreg [dreg:$0x4]  }
0x4: {  	s3 =	rddreg [dreg:$0x5]  }
0x5: {  	s5 =	simm.s32 $0x0;
	s4 =	srdreg.scid;
	s17 =	stileid.u32  }
0x6: {  	s26 =	simm.s32 $0x10;
	s28 =	simm.s32 $0x12D00;
	s29 =	simm.s32 $0x12D80  }
0x7: {  	s30 =	simm.s32 $0x1;
	s31 =	simm.s32 $0x8C80;
	[smem:$0x7FF] =	sst s5  }
0x8: {  	s6 =	sadd.s32 $0x2E00, s0;
	s4 =	sand.u32 $0x1, s4;
	s7 =	sshll.u32 s17, $0x1  }
0x9: {  	s11 =	sadd.s32 $0x300, s1;
	s12 =	sadd.s32 $0x400, s1;
	s13 =	sadd.s32 $0x500, s1  }
0xa: {  	s14 =	sadd.s32 $0x600, s1;
	s15 =	sadd.s32 $0x700, s1;
	s23 =	sshll.u32 s17, $0x4  }
0xb: {  	_ =	strace $0x80000047;
	[dreg:$0x7] =	wrdreg s6;
	s16 =	sor.u32 s4, s7  }
0xc: {  	s8 =	ssub.s32 $0x2, s4;
	s24 =	sshll.u32 s4, $0x3;
	[dreg:$0x8] =	wrdreg s26  }
0xd: {  	s7 =	sshll.u32 s16, $0x7;
	s6 =	sshll.u32 s16, $0x3;
	s10 =	sshrl.u32 s8, $0x1  }
0xe: {  	v0 =	vlaneseq.u32;
	v1 =	vimm.s32 $0x0;
	vm0 =	vcmask $0x1F24;
	s25 =	sor.u32 s24, s23;
	s23 =	simm.s32 $0x2;
	s24 =	simm.s32 $0x3  }
0xf: {  	vm1 =	vcmask $0x320;
	vm2 =	vcmask $0x720;
	vm3 =	vcmask $0xB20;
	s9 =	sadd.s32 s7, s0;
	s16 =	sadd.s32 s6, s0;
	s7 =	sadd.s32 $0x84000, s0  }
0x10: {  	vm4 =	vcmask $0xF20;
	vm5 =	vcmask $0x1320;
	vm6 =	vcmask $0x1720;
	s18 =	ssub.s32 s8, s10;
	s20 =	sadd.s32 s2, s6;
	[dreg:$0xe] =	wrdreg s25  }
.Ltmp0:
0x11: {  	vm7 =	vcmask $0x1B20;
	vm8 =	vcmask $0x308;
	vm9 =	vcmask $0x70C;
	s21 =	sadd.s32 s3, s6;
	[dreg:$0xa] =	wrdreg s20;
	(pc) =	sbr.rel .LBB2_1-.Ltmp0, $4  }
0x12: {  	vm10 =	vcmask $0xB10;
	vm11 =	vcmask $0xF14;
	vm12 =	vcmask $0x1318;
	s10 =	sadd.s32 $0x200, s1;
	s19 =	sadd.s32 $0x82E00, s9;
	[dreg:$0xb] =	wrdreg s21  }
0x13: {  	vm13 =	vcmask $0x171C;
	v9 =	vimm.f32 $0.0e+00;
	v2 =	vor.u32 $0x10, v0;
	s25 =	simm.s32 $0x12E00;
	s22 =	sadd.s32 $0x83E00, s16;
	[dreg:$0x9] =	wrdreg s19  }
0x14: {  	v3 =	vor.u32 $0x20, v0;
	v4 =	vor.u32 $0x30, v0;
	v5 =	vor.u32 $0x40, v0;
	s2 =	simm.s32 $0x0;
	s0 =	smax.u32 s18, $0x1;
	[dreg:$0xc] =	wrdreg s22  }
0x15: {  	v6 =	vor.u32 $0x50, v0;
	v7 =	vor.u32 $0x60, v0;
	v8 =	vor.u32 $0x70, v0;
	s9 =	sadd.s32 $0x100, s1;
	s1 =	simm.s32 $0x5;
	[dreg:$0xd] =	wrdreg s0  }
.LBB2_14:
0x16: {  	s0 =	simm.s32 $0x4  }
0x17: {  	_ =	swait.ge [sflag:s0], $0x800  }
0x18: {  	[sflag:s0] =	ssyncset.done $0x0  }
0x19: {  	[sflag:s0] =	ssyncadd.s32 $0xFFFFF800  }
0x1a: {  	_ =	swait.ge [sflag:s0], $0x800  }
0x1b: {  	[sflag:s0] =	ssyncset.done $0x0  }
0x1c: {  	s1 =	simm.s32 $0x5;
	s20 =	rddreg [dreg:$0xa];
	[sflag:s0] =	ssyncadd.s32 $0xFFFFF800  }
0x1d: {  	[hbm4b:s20+s5] =	stream.linear.scatter [tilespmem:s28], [sflag:$0x5], $0x40, $0x38;
	[tilespmem:$0x12E80] =	vst v63  }
0x1e: {  	_ =	swait.ge [sflag:s1], $0x40  }
0x1f: {  	[sflag:s1] =	ssyncset.done $0x0  }
0x20: {  	s21 =	rddreg [dreg:$0xb];
	[sflag:s1] =	ssyncadd.s32 $0xFFFFFFC0  }
0x21: {  	[hbm4b:s21+s5] =	stream.linear.scatter [tilespmem:s29], [sflag:$0x5], $0x40, $0x38;
	[tilespmem:$0x12E80] =	vst v63  }
0x22: {  	_ =	swait.ge [sflag:s1], $0x40  }
0x23: {  	[sflag:s1] =	ssyncset.done $0x0  }
0x24: {  	s22 =	rddreg [dreg:$0xc];
	[sflag:s1] =	ssyncadd.s32 $0xFFFFFFC0  }
0x25: {  	[hbm4b:s22+s5] =	stream.linear.scatter [tilespmem:s25], [sflag:$0x5], $0x40, $0x38;
	[tilespmem:$0x12E80] =	vst v63  }
0x26: {  	_ =	swait.ge [sflag:s1], $0x40  }
0x27: {  	s2 =	rddreg [dreg:$0xf]  }
0x28: {  	s26 =	rddreg [dreg:$0xd];
	s2 =	sadd.s32 $0x1, s2  }
0x29: {  	p0 =	sne.s32 s2, s26  }
.Ltmp1:
0x2a: {  	_ = 	snop;
	(pc) =	sbr.rel @!p0 .LBB2_15-.Ltmp1, $3  }
0x2b: {  	_ =	sdelay $0x1  }
0x2c: {  	[sflag:s1] =	ssyncset.done $0x0  }
0x2d: {  	[sflag:s1] =	ssyncadd.s32 $0xFFFFFFC0  }
.LBB2_1:
0x2e: {  	[dreg:$0xf] =	wrdreg s2  }
0x2f: {  	s0 =	rddreg [dreg:$0x2]  }
0x30: {  	[tilespmem:s5], [sflag:$0x5] =	stream.linear.gather [hbm4b:s0+s5], $0x4000, $0x38;
	[tilespmem:$0x12E80] =	vst v63  }
0x31: {  	_ =	swait.ge [sflag:s1], $0x4000  }
0x32: {  	s26 =	simm.s32 $0x4000;
	s2 =	simm.s32 $0x4C80;
	[sflag:s1] =	ssyncset.done $0x0  }
0x33: {  	s4 =	simm.s32 $0x4400;
	s22 =	rddreg [dreg:$0x9];
	[sflag:s1] =	ssyncadd.s32 $0xFFFFC000  }
0x34: {  	[tilespmem:s26], [sflag:$0x5] =	stream.linear.gather [hbm4b:s22+s5], $0x400, $0x38;
	[tilespmem:$0x12E80] =	vst v63  }
0x35: {  	s8 =	simm.s32 $0x4880;
	s16 =	simm.s32 $0x4040;
	_ =	swait.ge [sflag:s1], $0x400  }
0x36: {  	s18 =	simm.s32 $0x0;
	s19 =	simm.s32 $0x0;
	[sflag:s1] =	ssyncset.done $0x0  }
0x37: {  	s22 =	simm.s32 $0x4400;
	s17 =	rddreg [dreg:$0xe];
	[sflag:s1] =	ssyncadd.s32 $0xFFFFFC00  }
.LBB2_2:
0x38: {  	v10 =	vld [tilespmem:s16+$0xFFFFFFC0];
	_ =	sdelay $0x4  }
0x39: {  	(xrf1) =	vsort.dscd.msk.f32 $0xffff, v10, v0;
	_ =	sdelay $0xd  }
0x3a: {  	v12 =	vld [tilespmem:s16+$0xFFFFFFD0];
	v10, v11, _ =	vpop (xrf1)  }
0x3b: {  	vm14 =	vlt.f32 v10, $-Inf;
	vm15 =	vgt.f32 v10, $-Inf  }
0x3c: {  	vm14 =	vmor vm15, vm14  }
0x3d: {  	v10 =	vnsel vm14, $0xFF800000, v10;
	v11 =	vnsel vm14, $0x0, v11  }
0x3e: {  	(xrf1) =	vsort.ascd.msk.f32 $0xffff, v10, v11  }
0x3f: {  	(xrf1) =	vsort.dscd.msk.f32 $0xffff, v12, v0;
	_ =	sdelay $0xc  }
0x40: {  	v40 =	vld [tilespmem:s16+$0xFFFFFFE0];
	v10, v11, _ =	vpop (xrf1)  }
0x41: {  	v13, v14, _ =	vpop (xrf1)  }
0x42: {  	vm14 =	vgt.f32 v13, v10  }
0x43: {  	v10 =	vsel vm14, v13, v10;
	v11 =	vsel vm14, v14, v11  }
0x44: {  	(xrf1) =	vsort.ascd.msk.f32 $0xffff, v10, v11  }
0x45: {  	(xrf1) =	vsort.dscd.msk.f32 $0xffff, v40, v0;
	_ =	sdelay $0xc  }
0x46: {  	v41 =	vld [tilespmem:s16+$0xFFFFFFF0];
	v10, v11, _ =	vpop (xrf1)  }
0x47: {  	v42, v43, _ =	vpop (xrf1)  }
0x48: {  	vm14 =	vgt.f32 v42, v10  }
0x49: {  	v10 =	vsel vm14, v42, v10;
	v11 =	vsel vm14, v43, v11  }
0x4a: {  	(xrf1) =	vsort.ascd.msk.f32 $0xffff, v10, v11  }
0x4b: {  	(xrf1) =	vsort.dscd.msk.f32 $0xffff, v41, v0;
	_ =	sdelay $0xc  }
0x4c: {  	v44 =	vld [tilespmem:s16+$0x0];
	v10, v11, _ =	vpop (xrf1)  }
0x4d: {  	v45, v46, _ =	vpop (xrf1)  }
0x4e: {  	vm14 =	vgt.f32 v45, v10  }
0x4f: {  	v10 =	vsel vm14, v45, v10;
	v11 =	vsel vm14, v46, v11  }
0x50: {  	(xrf1) =	vsort.ascd.msk.f32 $0xffff, v10, v11  }
0x51: {  	(xrf1) =	vsort.dscd.msk.f32 $0xffff, v44, v0;
	_ =	sdelay $0xc  }
0x52: {  	v47 =	vld [tilespmem:s16+$0x10];
	v10, v11, _ =	vpop (xrf1)  }
0x53: {  	v48, v49, _ =	vpop (xrf1)  }
0x54: {  	vm14 =	vgt.f32 v48, v10  }
0x55: {  	v10 =	vsel vm14, v48, v10;
	v11 =	vsel vm14, v49, v11  }
0x56: {  	(xrf1) =	vsort.ascd.msk.f32 $0xffff, v10, v11  }
0x57: {  	(xrf1) =	vsort.dscd.msk.f32 $0xffff, v47, v0;
	_ =	sdelay $0xc  }
0x58: {  	v50 =	vld [tilespmem:s16+$0x20];
	v10, v11, _ =	vpop (xrf1)  }
0x59: {  	v51, v52, _ =	vpop (xrf1)  }
0x5a: {  	vm14 =	vgt.f32 v51, v10  }
0x5b: {  	v10 =	vsel vm14, v51, v10;
	v11 =	vsel vm14, v52, v11  }
0x5c: {  	(xrf1) =	vsort.ascd.msk.f32 $0xffff, v10, v11  }
0x5d: {  	(xrf1) =	vsort.dscd.msk.f32 $0xffff, v50, v0;
	_ =	sdelay $0xc  }
0x5e: {  	v53 =	vld [tilespmem:s16+$0x30];
	v10, v11, _ =	vpop (xrf1)  }
0x5f: {  	v54, v55, _ =	vpop (xrf1)  }
0x60: {  	vm14 =	vgt.f32 v54, v10  }
0x61: {  	v10 =	vsel vm14, v54, v10;
	v11 =	vsel vm14, v55, v11  }
0x62: {  	(xrf1) =	vsort.ascd.msk.f32 $0xffff, v10, v11  }
0x63: {  	(xrf1) =	vsort.dscd.msk.f32 $0xffff, v53, v0;
	_ =	sdelay $0xc  }
0x64: {  	v10, v11, _ =	vpop (xrf1)  }
0x65: {  	v12, v56, _ =	vpop (xrf1)  }
0x66: {  	vm14 =	vgt.f32 v12, v10  }
0x67: {  	v10 =	vsel vm14, v12, v10;
	v11 =	vsel vm14, v56, v11  }
0x68: {  	(xrf1) =	vsort.ascd.msk.f32 $0xffff, v10, v11;
	_ =	sdelay $0xd  }
0x69: {  	v10, _, _ =	vpop (xrf1)  }
0x6a: {  	v10 =	vsel vm0, $0xFF800000, v10  }
0x6b: {  	(xrf0) =	vmax.scan.msk.f32 $0xffff, v10;
	_ =	sdelay $0x2  }
0x6c: {  	[tilespmem:s22+$0x0] =	vst v1  }
0x6d: {  	v10 =	vld [tilespmem:s16+$0xFFFFFFC0];
	_ =	sdelay $0x1  }
0x6e: {  	v11, _, _ =	vpop (xrf0)  }
0x6f: {  	v11 =	vbroadcast v11, $0xF;
	_ =	sdelay $0x1  }
0x70: {  	vm14 =	vge.f32 v10, v11  }
0x71: {  	v10 =	vsel vm14, $0x1, v1  }
0x72: {  	(xrf0) =	vadd.scan.msk.s32 $0xffff, v10;
	_ =	sdelay $0x2  }
0x73: {  	v10 =	vmov s19  }
0x74: {  	v10 =	vadd.s32 $0xFFFFFFFF, v10  }
0x75: {  	v10 =	vbroadcast v10, $0x0  }
0x76: {  	v57, _, _ =	vpop (xrf0)  }
0x77: {  	v10 =	vadd.s32 v57, v10  }
0x78: {  	(v2sf) =	vpush v57, $0xF;
	_ =	sdelay $0x3  }
0x79: {  	[tilespmem:v10+s4+$0x0] =	vst.idx.msk vm14, v0  }
0x7a: {  	v10 =	vld [tilespmem:s16+$0xFFFFFFD0];
	_ =	sdelay $0x4  }
0x7b: {  	vm14 =	vge.f32 v10, v11  }
0x7c: {  	v10 =	vsel vm14, $0x1, v1  }
0x7d: {  	(xrf0) =	vadd.scan.msk.s32 $0xffff, v10;
	_ =	sdelay $0x2  }
0x7e: {  	s0 =	spop (v2sf)  }
0x7f: {  	s3 =	sadd.s32 s19, s0  }
0x80: {  	v10 =	vmov s3  }
0x81: {  	v10 =	vadd.s32 $0xFFFFFFFF, v10;
	v58, _, _ =	vpop (xrf0)  }
0x82: {  	v10 =	vbroadcast v10, $0x0;
	(v2sf) =	vpush v58, $0xF;
	_ =	sdelay $0x1  }
0x83: {  	v10 =	vadd.s32 v58, v10;
	_ =	sdelay $0x4  }
0x84: {  	[tilespmem:v10+s4+$0x0] =	vst.idx.msk vm14, v2  }
0x85: {  	v10 =	vld [tilespmem:s16+$0xFFFFFFE0];
	_ =	sdelay $0x4  }
0x86: {  	vm14 =	vge.f32 v10, v11  }
0x87: {  	v10 =	vsel vm14, $0x1, v1  }
0x88: {  	(xrf0) =	vadd.scan.msk.s32 $0xffff, v10;
	s1 =	spop (v2sf)  }
0x89: {  	s0 =	sadd.s32 s1, s0  }
0x8a: {  	s3 =	sadd.s32 s0, s19  }
0x8b: {  	v10 =	vmov s3  }
0x8c: {  	v10 =	vadd.s32 $0xFFFFFFFF, v10  }
0x8d: {  	v10 =	vbroadcast v10, $0x0  }
0x8e: {  	v59, _, _ =	vpop (xrf0)  }
0x8f: {  	(v2sf) =	vpush v59, $0xF;
	v10 =	vadd.s32 v59, v10;
	_ =	sdelay $0x4  }
0x90: {  	[tilespmem:v10+s4+$0x0] =	vst.idx.msk vm14, v3  }
0x91: {  	v10 =	vld [tilespmem:s16+$0xFFFFFFF0];
	_ =	sdelay $0x4  }
0x92: {  	vm14 =	vge.f32 v10, v11  }
0x93: {  	v10 =	vsel vm14, $0x1, v1  }
0x94: {  	(xrf0) =	vadd.scan.msk.s32 $0xffff, v10;
	_ =	sdelay $0x1  }
0x95: {  	s20 =	spop (v2sf)  }
0x96: {  	s0 =	sadd.s32 s20, s0  }
0x97: {  	s3 =	sadd.s32 s0, s19  }
0x98: {  	v10 =	vmov s3  }
0x99: {  	v10 =	vadd.s32 $0xFFFFFFFF, v10;
	v60, _, _ =	vpop (xrf0)  }
0x9a: {  	v10 =	vbroadcast v10, $0x0;
	(v2sf) =	vpush v60, $0xF;
	_ =	sdelay $0x1  }
0x9b: {  	v10 =	vadd.s32 v60, v10;
	_ =	sdelay $0x4  }
0x9c: {  	[tilespmem:v10+s4+$0x0] =	vst.idx.msk vm14, v4  }
0x9d: {  	v10 =	vld [tilespmem:s16+$0x0];
	_ =	sdelay $0x4  }
0x9e: {  	vm14 =	vge.f32 v10, v11  }
0x9f: {  	v10 =	vsel vm14, $0x1, v1  }
0xa0: {  	(xrf0) =	vadd.scan.msk.s32 $0xffff, v10;
	s21 =	spop (v2sf)  }
0xa1: {  	s0 =	sadd.s32 s21, s0  }
0xa2: {  	s3 =	sadd.s32 s0, s19  }
0xa3: {  	v10 =	vmov s3  }
0xa4: {  	v10 =	vadd.s32 $0xFFFFFFFF, v10  }
0xa5: {  	v10 =	vbroadcast v10, $0x0  }
0xa6: {  	v61, _, _ =	vpop (xrf0)  }
0xa7: {  	(v2sf) =	vpush v61, $0xF;
	v10 =	vadd.s32 v61, v10;
	_ =	sdelay $0x4  }
0xa8: {  	[tilespmem:v10+s4+$0x0] =	vst.idx.msk vm14, v5  }
0xa9: {  	v10 =	vld [tilespmem:s16+$0x10];
	_ =	sdelay $0x4  }
0xaa: {  	vm14 =	vge.f32 v10, v11  }
0xab: {  	v10 =	vsel vm14, $0x1, v1  }
0xac: {  	(xrf0) =	vadd.scan.msk.s32 $0xffff, v10;
	_ =	sdelay $0x1  }
0xad: {  	s26 =	spop (v2sf)  }
0xae: {  	s0 =	sadd.s32 s26, s0  }
0xaf: {  	s3 =	sadd.s32 s0, s19  }
0xb0: {  	v10 =	vmov s3  }
0xb1: {  	v10 =	vadd.s32 $0xFFFFFFFF, v10;
	v62, _, _ =	vpop (xrf0)  }
0xb2: {  	v10 =	vbroadcast v10, $0x0;
	(v2sf) =	vpush v62, $0xF;
	_ =	sdelay $0x1  }
0xb3: {  	v10 =	vadd.s32 v62, v10;
	_ =	sdelay $0x4  }
0xb4: {  	[tilespmem:v10+s4+$0x0] =	vst.idx.msk vm14, v6  }
0xb5: {  	v10 =	vld [tilespmem:s16+$0x20];
	_ =	sdelay $0x4  }
0xb6: {  	vm14 =	vge.f32 v10, v11  }
0xb7: {  	v10 =	vsel vm14, $0x1, v1  }
0xb8: {  	(xrf0) =	vadd.scan.msk.s32 $0xffff, v10;
	s1 =	spop (v2sf)  }
0xb9: {  	s0 =	sadd.s32 s1, s0  }
0xba: {  	s3 =	sadd.s32 s0, s19  }
0xbb: {  	v10 =	vmov s3  }
0xbc: {  	v10 =	vadd.s32 $0xFFFFFFFF, v10  }
0xbd: {  	v10 =	vbroadcast v10, $0x0  }
0xbe: {  	v63, _, _ =	vpop (xrf0)  }
0xbf: {  	v10 =	vadd.s32 v63, v10;
	_ =	sdelay $0x4  }
0xc0: {  	(v2sf) =	vpush v63, $0xF;
	[tilespmem:v10+s4+$0x0] =	vst.idx.msk vm14, v7  }
0xc1: {  	v10 =	vld [tilespmem:s16+$0x30];
	_ =	sdelay $0x4  }
0xc2: {  	vm14 =	vge.f32 v10, v11  }
0xc3: {  	v10 =	vsel vm14, $0x1, v1  }
0xc4: {  	(xrf0) =	vadd.scan.msk.s32 $0xffff, v10;
	_ =	sdelay $0x5  }
0xc5: {  	v10, _, _ =	vpop (xrf0)  }
0xc6: {  	s20 =	spop (v2sf);
	(v2sf) =	vpush v10, $0xF  }
0xc7: {  	s0 =	sadd.s32 s20, s0  }
0xc8: {  	s3 =	sadd.s32 s0, s19  }
0xc9: {  	v11 =	vmov s3  }
0xca: {  	v11 =	vadd.s32 $0xFFFFFFFF, v11  }
0xcb: {  	v11 =	vbroadcast v11, $0x0;
	_ =	sdelay $0x1  }
0xcc: {  	v10 =	vadd.s32 v10, v11;
	_ =	sdelay $0x4  }
0xcd: {  	[tilespmem:v10+s4+$0x0] =	vst.idx.msk vm14, v8  }
0xce: {  	v10 =	vld [tilespmem:s22+$0x0];
	_ =	sdelay $0x1  }
0xcf: {  	s21 =	spop (v2sf)  }
0xd0: {  	s0 =	sadd.s32 s21, s0  }
0xd1: {  	p0 =	slt.s32 s0, $0x10  }
0xd2: {  	v10 =	vshll.u32 v10, $0x8;
	s0 =	simm.s32 @!p0 $0x10;
	p0 =	sne.s32 s19, $0x3F0  }
.Ltmp2:
0xd3: {  	s26 =	rddreg [dreg:$0x7];
	v10 =	vadd.s32 s17, v10;
	(pc) =	sbr.rel @p0 .LBB2_2-.Ltmp2, $4  }
0xd4: {  	s16 =	sadd.s32 $0x80, s16;
	s20 =	rddreg [dreg:$0x8];
	s22 =	sadd.s32 $0x90, s22;
	[tilespmem:s8+$0x0] =	vst v10  }
0xd5: {  	[tilespmem:s2], [sflag:$0x1] =	stream.indirect.gather [hbm4b:s26+s20], $0x80, s8, s20, $0xb8;
	[tilespmem:$0x12E80] =	vst v63  }
0xd6: {  	s17 =	sadd.s32 $0x1, s17;
	s2 =	sadd.s32 $0x800, s2;
	s8 =	sadd.s32 $0x80, s8  }
0xd7: {  	s19 =	sadd.s32 $0x90, s19;
	[smem:s18] =	sst s0;
	s18 =	sadd.s32 $0x1, s18  }
.Ltmp3:
0xd8: {  	(pc) =	sbr.rel .LBB2_4-.Ltmp3, $2  }
0xd9: {  	_ =	sdelay $0x2  }
0xda: {  	s2 =	simm.s32 $0x0;
	s22 =	simm.s32 $0x4CC0  }
.LBB2_13:
0xdb: {  	s2 =	sadd.s32 $0x1, s2  }
0xdc: {  	p0 =	sne.s32 s2, $0x9  }
.Ltmp4:
0xdd: {  	_ = 	snop;
	(pc) =	sbr.rel @!p0 .LBB2_14-.Ltmp4, $2  }
0xde: {  	_ =	sdelay $0x2  }
0xdf: {  	s4 =	sadd.s32 $0x90, s4;
	s22 =	sadd.s32 $0x800, s22  }
.LBB2_4:
0xe0: {  	p0 =	seq.s32 s2, $0x8  }
.Ltmp5:
0xe1: {  	_ = 	snop;
	(pc) =	sbr.rel @p0 .LBB2_8-.Ltmp5, $1  }
0xe2: {  	_ =	sdelay $0x3  }
0xe3: {  	_ =	swait.ge [sflag:s30], $0x800  }
0xe4: {  	[sflag:s30] =	ssyncset.done $0x0  }
0xe5: {  	[sflag:s30] =	ssyncadd.s32 $0xFFFFF800  }
0xe6: {  	s8 =	sld [smem:s2+$0x0];
	_ =	sdelay $0x2  }
0xe7: {  	p0 =	slt.s32 s8, $0x1  }
.Ltmp6:
0xe8: {  	_ = 	snop;
	(pc) =	sbr.rel @p0 .LBB2_7-.Ltmp6, $2  }
0xe9: {  	_ =	sdelay $0x2  }
0xea: {  	v10 =	vimm.f32 $-Inf;
	v11 =	vimm.s32 $0x0;
	s0 =	simm.f32 $-Inf;
	s16 =	smov.u32 s22;
	s17 =	smov.u32 s4  }
.LBB2_6:
0xeb: {  	v12 =	vld [tilespmem:s16+$0xFFFFFFC0];
	_ =	sdelay $0x4  }
0xec: {  	vm14 =	vgt.f32 v12, s0  }
0xed: {  	v13 =	vsel vm14, $0x3F800000, v9  }
0xee: {  	(xrf0) =	vmax.scan.msk.f32 $0xffff, v13  }
0xef: {  	v57 =	vld [tilespmem:s17+$0x0];
	_ =	sdelay $0x4  }
0xf0: {  	(v2sf) =	vpush v57, $0x0;
	v58, _, _ =	vpop (xrf0)  }
0xf1: {  	(v2sf) =	vpush v58, $0xF;
	_ =	sdelay $0xd  }
0xf2: {  	s21 =	spop (v2sf)  }
0xf3: {  	s3 =	spop (v2sf)  }
0xf4: {  	p1 =	sgt.f32 s3, $0.0e+00;
	_ =	sdelay $0x1  }
0xf5: {  	s18 =	sshll.u32 s21, $0x7;
	v13 =	vlaneseq.u32 @p1  }
0xf6: {  	v13 =	vor.u32 @p1 s18, v13  }
0xf7: {  	(xrf1) =	vsort.dscd.msk.f32 @p1 $0xffff, v12, v13;
	_ =	sdelay $0xd  }
0xf8: {  	v12, v13, _ =	vpop @p1 (xrf1)  }
0xf9: {  	vm14 =	vgt.f32 @p1 v12, v10  }
0xfa: {  	v12 =	vsel @p1 vm14, v12, v10;
	v13 =	vsel @p1 vm14, v13, v11  }
0xfb: {  	(xrf1) =	vsort.ascd.msk.f32 @p1 $0xffff, v12, v13;
	_ =	sdelay $0xd  }
0xfc: {  	v12, v13, _ =	vpop @p1 (xrf1)  }
0xfd: {  	v12 =	vpsel p1, v12, v10  }
0xfe: {  	(xrf0) =	vmin.scan.msk.f32 $0xffff, v12;
	_ =	sdelay $0x3  }
0xff: {  	v14 =	vld [tilespmem:s16+$0xFFFFFFD0];
	_ =	sdelay $0x1  }
0x100: {  	v10, _, _ =	vpop (xrf0)  }
0x101: {  	v15 =	vbroadcast v10, $0xF;
	_ =	sdelay $0x1  }
0x102: {  	vm14 =	vgt.f32 v14, v15  }
0x103: {  	v16 =	vsel vm14, $0x3F800000, v9  }
0x104: {  	(xrf0) =	vmax.scan.msk.f32 $0xffff, v16;
	_ =	sdelay $0x5  }
0x105: {  	v16, _, _ =	vpop (xrf0)  }
0x106: {  	(v2sf) =	vpush v16, $0xF;
	_ =	sdelay $0xe  }
0x107: {  	s26 =	spop (v2sf)  }
0x108: {  	p0 =	sgt.f32 s26, $0.0e+00;
	_ =	sdelay $0x1  }
0x109: {  	s0 =	sor.u32 @p0 $0x10, s18;
	v16 =	vlaneseq.u32 @p0  }
0x10a: {  	v16 =	vor.u32 @p0 s0, v16  }
0x10b: {  	(xrf1) =	vsort.dscd.msk.f32 @p0 $0xffff, v14, v16;
	_ =	sdelay $0xd  }
0x10c: {  	v14, v16, _ =	vpop @p0 (xrf1)  }
0x10d: {  	v13 =	vpsel p1, v13, v11;
	vm14 =	vgt.f32 @p0 v14, v12  }
0x10e: {  	v11 =	vsel @p0 vm14, v14, v12;
	v14 =	vsel @p0 vm14, v16, v13  }
0x10f: {  	(xrf1) =	vsort.ascd.msk.f32 @p0 $0xffff, v11, v14;
	_ =	sdelay $0xd  }
0x110: {  	v14, v16, _ =	vpop @p0 (xrf1)  }
0x111: {  	(xrf0) =	vmin.scan.msk.f32 @p0 $0xffff, v14;
	_ =	sdelay $0x4  }
0x112: {  	v17 =	vld [tilespmem:s16+$0xFFFFFFE0]  }
0x113: {  	v11, _, _ =	vpop @p0 (xrf0)  }
0x114: {  	v18 =	vbroadcast @p0 v11, $0xF;
	_ =	sdelay $0x1  }
0x115: {  	v15 =	vpsel p0, v18, v15  }
0x116: {  	vm14 =	vgt.f32 v17, v15  }
0x117: {  	v59 =	vsel vm14, $0x3F800000, v9  }
0x118: {  	(xrf0) =	vmax.scan.msk.f32 $0xffff, v59;
	_ =	sdelay $0x5  }
0x119: {  	v18, _, _ =	vpop (xrf0)  }
0x11a: {  	(v2sf) =	vpush v18, $0xF;
	_ =	sdelay $0xe  }
0x11b: {  	s1 =	spop (v2sf)  }
0x11c: {  	p1 =	sgt.f32 s1, $0.0e+00;
	_ =	sdelay $0x1  }
0x11d: {  	s0 =	sor.u32 @p1 $0x20, s18;
	v18 =	vlaneseq.u32 @p1  }
0x11e: {  	v18 =	vor.u32 @p1 s0, v18  }
0x11f: {  	(xrf1) =	vsort.dscd.msk.f32 @p1 $0xffff, v17, v18;
	_ =	sdelay $0xd  }
0x120: {  	v12 =	vpsel p0, v14, v12;
	v14, v17, _ =	vpop @p1 (xrf1)  }
0x121: {  	v13 =	vpsel p0, v16, v13;
	vm14 =	vgt.f32 @p1 v14, v12  }
0x122: {  	v14 =	vsel @p1 vm14, v14, v12;
	v16 =	vsel @p1 vm14, v17, v13  }
0x123: {  	(xrf1) =	vsort.ascd.msk.f32 @p1 $0xffff, v14, v16;
	_ =	sdelay $0xd  }
0x124: {  	v14, v16, _ =	vpop @p1 (xrf1)  }
0x125: {  	(xrf0) =	vmin.scan.msk.f32 @p1 $0xffff, v14;
	_ =	sdelay $0x4  }
0x126: {  	v17 =	vld [tilespmem:s16+$0xFFFFFFF0]  }
0x127: {  	v18, _, _ =	vpop @p1 (xrf0)  }
0x128: {  	v19 =	vbroadcast @p1 v18, $0xF;
	_ =	sdelay $0x1  }
0x129: {  	v15 =	vpsel p1, v19, v15  }
0x12a: {  	vm14 =	vgt.f32 v17, v15  }
0x12b: {  	v60 =	vsel vm14, $0x3F800000, v9  }
0x12c: {  	(xrf0) =	vmax.scan.msk.f32 $0xffff, v60;
	_ =	sdelay $0x5  }
0x12d: {  	v19, _, _ =	vpop (xrf0)  }
0x12e: {  	(v2sf) =	vpush v19, $0xF;
	_ =	sdelay $0xe  }
0x12f: {  	s3 =	spop (v2sf)  }
0x130: {  	p2 =	sgt.f32 s3, $0.0e+00;
	_ =	sdelay $0x1  }
0x131: {  	s0 =	sor.u32 @p2 $0x30, s18;
	v19 =	vlaneseq.u32 @p2  }
0x132: {  	v19 =	vor.u32 @p2 s0, v19  }
0x133: {  	(xrf1) =	vsort.dscd.msk.f32 @p2 $0xffff, v17, v19;
	_ =	sdelay $0xd  }
0x134: {  	v12 =	vpsel p1, v14, v12;
	v14, v17, _ =	vpop @p2 (xrf1)  }
0x135: {  	v13 =	vpsel p1, v16, v13;
	vm14 =	vgt.f32 @p2 v14, v12  }
0x136: {  	v14 =	vsel @p2 vm14, v14, v12;
	v16 =	vsel @p2 vm14, v17, v13  }
0x137: {  	(xrf1) =	vsort.ascd.msk.f32 @p2 $0xffff, v14, v16;
	_ =	sdelay $0xd  }
0x138: {  	v14, v16, _ =	vpop @p2 (xrf1)  }
0x139: {  	(xrf0) =	vmin.scan.msk.f32 @p2 $0xffff, v14;
	_ =	sdelay $0x4  }
0x13a: {  	v17 =	vld [tilespmem:s16+$0x0]  }
0x13b: {  	v19, _, _ =	vpop @p2 (xrf0)  }
0x13c: {  	v20 =	vbroadcast @p2 v19, $0xF;
	_ =	sdelay $0x1  }
0x13d: {  	v15 =	vpsel p2, v20, v15  }
0x13e: {  	vm14 =	vgt.f32 v17, v15  }
0x13f: {  	v61 =	vsel vm14, $0x3F800000, v9  }
0x140: {  	(xrf0) =	vmax.scan.msk.f32 $0xffff, v61;
	_ =	sdelay $0x5  }
0x141: {  	v20, _, _ =	vpop (xrf0)  }
0x142: {  	(v2sf) =	vpush v20, $0xF;
	_ =	sdelay $0xe  }
0x143: {  	s19 =	spop (v2sf)  }
0x144: {  	p3 =	sgt.f32 s19, $0.0e+00;
	_ =	sdelay $0x1  }
0x145: {  	s0 =	sor.u32 @p3 $0x40, s18;
	v20 =	vlaneseq.u32 @p3  }
0x146: {  	v20 =	vor.u32 @p3 s0, v20  }
0x147: {  	(xrf1) =	vsort.dscd.msk.f32 @p3 $0xffff, v17, v20;
	_ =	sdelay $0xd  }
0x148: {  	v12 =	vpsel p2, v14, v12;
	v14, v17, _ =	vpop @p3 (xrf1)  }
0x149: {  	v13 =	vpsel p2, v16, v13;
	vm14 =	vgt.f32 @p3 v14, v12  }
0x14a: {  	v14 =	vsel @p3 vm14, v14, v12;
	v16 =	vsel @p3 vm14, v17, v13  }
0x14b: {  	(xrf1) =	vsort.ascd.msk.f32 @p3 $0xffff, v14, v16;
	_ =	sdelay $0xd  }
0x14c: {  	v14, v16, _ =	vpop @p3 (xrf1)  }
0x14d: {  	(xrf0) =	vmin.scan.msk.f32 @p3 $0xffff, v14;
	_ =	sdelay $0x4  }
0x14e: {  	v17 =	vld [tilespmem:s16+$0x10]  }
0x14f: {  	v20, _, _ =	vpop @p3 (xrf0)  }
0x150: {  	v21 =	vbroadcast @p3 v20, $0xF;
	_ =	sdelay $0x1  }
0x151: {  	v15 =	vpsel p3, v21, v15  }
0x152: {  	vm14 =	vgt.f32 v17, v15  }
0x153: {  	v62 =	vsel vm14, $0x3F800000, v9  }
0x154: {  	(xrf0) =	vmax.scan.msk.f32 $0xffff, v62;
	_ =	sdelay $0x5  }
0x155: {  	v21, _, _ =	vpop (xrf0)  }
0x156: {  	(v2sf) =	vpush v21, $0xF;
	_ =	sdelay $0xe  }
0x157: {  	s20 =	spop (v2sf)  }
0x158: {  	p4 =	sgt.f32 s20, $0.0e+00;
	_ =	sdelay $0x1  }
0x159: {  	s0 =	sor.u32 @p4 $0x50, s18;
	v21 =	vlaneseq.u32 @p4  }
0x15a: {  	v21 =	vor.u32 @p4 s0, v21  }
0x15b: {  	(xrf1) =	vsort.dscd.msk.f32 @p4 $0xffff, v17, v21;
	_ =	sdelay $0xd  }
0x15c: {  	v12 =	vpsel p3, v14, v12;
	v14, v17, _ =	vpop @p4 (xrf1)  }
0x15d: {  	v13 =	vpsel p3, v16, v13;
	vm14 =	vgt.f32 @p4 v14, v12  }
0x15e: {  	v14 =	vsel @p4 vm14, v14, v12;
	v16 =	vsel @p4 vm14, v17, v13  }
0x15f: {  	(xrf1) =	vsort.ascd.msk.f32 @p4 $0xffff, v14, v16;
	_ =	sdelay $0xd  }
0x160: {  	v14, v16, _ =	vpop @p4 (xrf1)  }
0x161: {  	(xrf0) =	vmin.scan.msk.f32 @p4 $0xffff, v14;
	_ =	sdelay $0x4  }
0x162: {  	v17 =	vld [tilespmem:s16+$0x20]  }
0x163: {  	v21, _, _ =	vpop @p4 (xrf0)  }
0x164: {  	v22 =	vbroadcast @p4 v21, $0xF;
	_ =	sdelay $0x1  }
0x165: {  	v15 =	vpsel p4, v22, v15  }
0x166: {  	vm14 =	vgt.f32 v17, v15  }
0x167: {  	v63 =	vsel vm14, $0x3F800000, v9  }
0x168: {  	(xrf0) =	vmax.scan.msk.f32 $0xffff, v63;
	_ =	sdelay $0x5  }
0x169: {  	v22, _, _ =	vpop (xrf0)  }
0x16a: {  	(v2sf) =	vpush v22, $0xF;
	_ =	sdelay $0xe  }
0x16b: {  	s21 =	spop (v2sf)  }
0x16c: {  	p5 =	sgt.f32 s21, $0.0e+00;
	_ =	sdelay $0x1  }
0x16d: {  	s0 =	sor.u32 @p5 $0x60, s18;
	v22 =	vlaneseq.u32 @p5  }
0x16e: {  	v22 =	vor.u32 @p5 s0, v22  }
0x16f: {  	(xrf1) =	vsort.dscd.msk.f32 @p5 $0xffff, v17, v22;
	_ =	sdelay $0xd  }
0x170: {  	v12 =	vpsel p4, v14, v12;
	v14, v17, _ =	vpop @p5 (xrf1)  }
0x171: {  	v13 =	vpsel p4, v16, v13;
	vm14 =	vgt.f32 @p5 v14, v12  }
0x172: {  	v14 =	vsel @p5 vm14, v14, v12;
	v16 =	vsel @p5 vm14, v17, v13  }
0x173: {  	(xrf1) =	vsort.ascd.msk.f32 @p5 $0xffff, v14, v16;
	_ =	sdelay $0xd  }
0x174: {  	v14, v16, _ =	vpop @p5 (xrf1)  }
0x175: {  	(xrf0) =	vmin.scan.msk.f32 @p5 $0xffff, v14;
	_ =	sdelay $0x4  }
0x176: {  	v17 =	vld [tilespmem:s16+$0x30]  }
0x177: {  	v22, _, _ =	vpop @p5 (xrf0)  }
0x178: {  	v23 =	vbroadcast @p5 v22, $0xF;
	_ =	sdelay $0x1  }
0x179: {  	v15 =	vpsel p5, v23, v15  }
0x17a: {  	vm14 =	vgt.f32 v17, v15  }
0x17b: {  	v15 =	vsel vm14, $0x3F800000, v9  }
0x17c: {  	(xrf0) =	vmax.scan.msk.f32 $0xffff, v15;
	_ =	sdelay $0x5  }
0x17d: {  	v15, _, _ =	vpop (xrf0)  }
0x17e: {  	(v2sf) =	vpush v15, $0xF;
	_ =	sdelay $0xe  }
0x17f: {  	s26 =	spop (v2sf)  }
0x180: {  	p6 =	sgt.f32 s26, $0.0e+00;
	_ =	sdelay $0x1  }
0x181: {  	s0 =	sor.u32 @p6 $0x70, s18;
	v15 =	vlaneseq.u32 @p6  }
0x182: {  	v15 =	vor.u32 @p6 s0, v15  }
0x183: {  	(xrf1) =	vsort.dscd.msk.f32 @p6 $0xffff, v17, v15;
	_ =	sdelay $0xd  }
0x184: {  	v12 =	vpsel p5, v14, v12;
	v14, v15, _ =	vpop @p6 (xrf1)  }
0x185: {  	v13 =	vpsel p5, v16, v13;
	vm14 =	vgt.f32 @p6 v14, v12  }
0x186: {  	v14 =	vsel @p6 vm14, v14, v12;
	v15 =	vsel @p6 vm14, v15, v13  }
0x187: {  	(xrf1) =	vsort.ascd.msk.f32 @p6 $0xffff, v14, v15;
	_ =	sdelay $0xd  }
0x188: {  	v14, v15, _ =	vpop @p6 (xrf1)  }
0x189: {  	(xrf0) =	vmin.scan.msk.f32 @p6 $0xffff, v14  }
0x18a: {  	v10 =	vpsel p0, v11, v10  }
0x18b: {  	v10 =	vpsel p1, v18, v10  }
0x18c: {  	v10 =	vpsel p2, v19, v10  }
0x18d: {  	v10 =	vpsel p3, v20, v10  }
0x18e: {  	v10 =	vpsel p4, v21, v10  }
0x18f: {  	v10 =	vpsel p5, v22, v10;
	v11, _, _ =	vpop @p6 (xrf0)  }
0x190: {  	v10 =	vpsel p6, v11, v10  }
0x191: {  	(v2sf) =	vpush v10, $0xF;
	_ =	sdelay $0x8  }
0x192: {  	s8 =	sadd.s32 $0xFFFFFFFF, s8  }
0x193: {  	p0 =	sne.s32 s8, $0x0  }
.Ltmp7:
0x194: {  	_ = 	snop;
	(pc) =	sbr.rel @p0 .LBB2_6-.Ltmp7, $2  }
0x195: {  	_ =	sdelay $0x2  }
0x196: {  	s17 =	sadd.s32 $0x1, s17;
	s16 =	sadd.s32 $0x80, s16;
	v11 =	vpsel p6, v15, v13;
	v10 =	vpsel p6, v14, v12;
	s0 =	spop (v2sf)  }
.LBB2_7:
0x197: {  	(xrf1) =	vsort.dscd.msk.f32 $0xffff, v10, v11;
	_ =	sdelay $0x9  }
0x198: {  	s0 =	sshll.u32 s2, $0x3  }
0x199: {  	v10 =	vadd.s32 s0, v0;
	_ =	sdelay $0x2  }
0x19a: {  	v11, v12, _ =	vpop (xrf1);
	_ =	sdelay $0x1  }
0x19b: {  	[tilespmem:v10+s28+$0x0] =	vst.idx.msk $0xff, v11  }
0x19c: {  	[tilespmem:v10+s31+$0x0] =	vst.idx.msk $0xff, v12  }
0x19d: {  	v11 =	vld.idx.msk [tilespmem:v12+s5+$0x0], $0xffff;
	_ =	sdelay $0x4  }
0x19e: {  	[tilespmem:v10+s29+$0x0] =	vst.idx.msk $0xff, v11  }
0x19f: {  	v10 =	vld.msk [tilespmem:s0+$0x8C80], $0xff;
	_ =	sdelay $0x4  }
0x1a0: {  	v11 =	vshll.u32 v10, $0x4  }
0x1a1: {  	v10 =	vand.u32 $0x7, v10;
	v11 =	vand.u32 $0xFFFFFF80, v11  }
0x1a2: {  	v63 =	vshrl.u32 v0, $0x3;
	v10 =	vor.u32 v10, v11;
	v11 =	vand.u32 $0x7, v0  }
0x1a3: {  	v10 =	vperm.xlane v10, v11;
	v11 =	vmul.u32 $0x8, v63;
	_ =	sdelay $0x1  }
0x1a4: {  	v10 =	vadd.s32 v11, v10;
	_ =	sdelay $0x1  }
0x1a5: {  	s18 =	sshll.u32 s2, $0xE  }
0x1a6: {  	s0 =	sand.u32 $0x4000, s18  }
0x1a7: {  	vm14 =	vmmov $0xffff;
	s1 =	rddreg [dreg:$0x1];
	s3 =	sor.u32 $0x8D00, s0  }
0x1a8: {  	[tilespmem:s3], [sflag:$0x2] =	stream.indirect_vreg.gather [hbm4b:s1+s5], $0x80, v10, vm14, $0xb8;
	[tilespmem:$0x12E80] =	vst v63  }
0x1a9: {  	s19 =	sor.u32 $0x9500, s0  }
0x1aa: {  	[tilespmem:s19], [sflag:$0x2] =	stream.indirect_vreg.gather [hbm4b:s9+s5], $0x80, v10, vm14, $0xb8;
	[tilespmem:$0x12E80] =	vst v63  }
0x1ab: {  	s20 =	sor.u32 $0x9D00, s0  }
0x1ac: {  	[tilespmem:s20], [sflag:$0x2] =	stream.indirect_vreg.gather [hbm4b:s10+s5], $0x80, v10, vm14, $0xb8;
	[tilespmem:$0x12E80] =	vst v63  }
0x1ad: {  	s21 =	sor.u32 $0xA500, s0  }
0x1ae: {  	[tilespmem:s21], [sflag:$0x2] =	stream.indirect_vreg.gather [hbm4b:s11+s5], $0x80, v10, vm14, $0xb8;
	[tilespmem:$0x12E80] =	vst v63  }
0x1af: {  	s26 =	sor.u32 $0xAD00, s0  }
0x1b0: {  	[tilespmem:s26], [sflag:$0x2] =	stream.indirect_vreg.gather [hbm4b:s12+s5], $0x80, v10, vm14, $0xb8;
	[tilespmem:$0x12E80] =	vst v63  }
0x1b1: {  	s1 =	sor.u32 $0xB500, s0  }
0x1b2: {  	[tilespmem:s1], [sflag:$0x2] =	stream.indirect_vreg.gather [hbm4b:s13+s5], $0x80, v10, vm14, $0xb8;
	[tilespmem:$0x12E80] =	vst v63  }
0x1b3: {  	s16 =	sadd.s32 s6, s2;
	s8 =	sor.u32 $0xBD00, s0  }
0x1b4: {  	[tilespmem:s8], [sflag:$0x2] =	stream.indirect_vreg.gather [hbm4b:s14+s5], $0x80, v10, vm14, $0xb8;
	[tilespmem:$0x12E80] =	vst v63  }
0x1b5: {  	s17 =	sshll.u32 s2, $0x4;
	s18 =	rddreg [dreg:$0x3];
	s0 =	sadd.s32 $0xC500, s0  }
0x1b6: {  	[tilespmem:s0], [sflag:$0x2] =	stream.indirect_vreg.gather [hbm4b:s15+s5], $0x80, v10, vm14, $0xb8;
	[tilespmem:$0x12E80] =	vst v63  }
0x1b7: {  	s3 =	sand.u32 $0x70, s17;
	s8 =	sshll.u32 s2, $0x7;
	s0 =	sshll.u32 s16, $0x8  }
0x1b8: {  	s3 =	sadd.s32 s18, s3;
	s8 =	sand.u32 $0x80, s8;
	s0 =	sand.u32 $0xFFFF800, s0  }
0x1b9: {  	s16 =	sor.u32 $0x10D00, s8;
	s0 =	sadd.s32 s0, s3  }
0x1ba: {  	[tilespmem:s16], [sflag:$0x3] =	stream.linear.gather [hbm4b:s0+s5], $0x80, $0x38;
	[tilespmem:$0x12E80] =	vst v63  }
0x1bb: {  	s19 =	sor.u32 $0x10E00, s8;
	s3 =	sadd.s32 $0x80, s0  }
0x1bc: {  	[tilespmem:s19], [sflag:$0x3] =	stream.linear.gather [hbm4b:s3+s5], $0x80, $0x38;
	[tilespmem:$0x12E80] =	vst v63  }
0x1bd: {  	s21 =	sor.u32 $0x10F00, s8;
	s20 =	sadd.s32 $0x100, s0  }
0x1be: {  	[tilespmem:s21], [sflag:$0x3] =	stream.linear.gather [hbm4b:s20+s5], $0x80, $0x38;
	[tilespmem:$0x12E80] =	vst v63  }
0x1bf: {  	s1 =	sor.u32 $0x11000, s8;
	s26 =	sadd.s32 $0x180, s0  }
0x1c0: {  	[tilespmem:s1], [sflag:$0x3] =	stream.linear.gather [hbm4b:s26+s5], $0x80, $0x38;
	[tilespmem:$0x12E80] =	vst v63  }
0x1c1: {  	s17 =	sor.u32 $0x11100, s8;
	s16 =	sadd.s32 $0x200, s0  }
0x1c2: {  	[tilespmem:s17], [sflag:$0x3] =	stream.linear.gather [hbm4b:s16+s5], $0x80, $0x38;
	[tilespmem:$0x12E80] =	vst v63  }
0x1c3: {  	s18 =	sadd.s32 $0x280, s0;
	s19 =	sor.u32 $0x11200, s8  }
0x1c4: {  	[tilespmem:s19], [sflag:$0x3] =	stream.linear.gather [hbm4b:s18+s5], $0x80, $0x38;
	[tilespmem:$0x12E80] =	vst v63  }
0x1c5: {  	s20 =	sadd.s32 $0x300, s0;
	s21 =	sor.u32 $0x11300, s8  }
0x1c6: {  	[tilespmem:s21], [sflag:$0x3] =	stream.linear.gather [hbm4b:s20+s5], $0x80, $0x38;
	[tilespmem:$0x12E80] =	vst v63  }
0x1c7: {  	s26 =	sadd.s32 $0x380, s0;
	s1 =	sor.u32 $0x11400, s8  }
0x1c8: {  	[tilespmem:s1], [sflag:$0x3] =	stream.linear.gather [hbm4b:s26+s5], $0x80, $0x38;
	[tilespmem:$0x12E80] =	vst v63  }
0x1c9: {  	s16 =	sadd.s32 $0x400, s0;
	s17 =	sor.u32 $0x11500, s8  }
0x1ca: {  	[tilespmem:s17], [sflag:$0x3] =	stream.linear.gather [hbm4b:s16+s5], $0x80, $0x38;
	[tilespmem:$0x12E80] =	vst v63  }
0x1cb: {  	s18 =	sadd.s32 $0x480, s0;
	s19 =	sor.u32 $0x11600, s8  }
0x1cc: {  	[tilespmem:s19], [sflag:$0x3] =	stream.linear.gather [hbm4b:s18+s5], $0x80, $0x38;
	[tilespmem:$0x12E80] =	vst v63  }
0x1cd: {  	s20 =	sadd.s32 $0x500, s0;
	s21 =	sor.u32 $0x11700, s8  }
0x1ce: {  	[tilespmem:s21], [sflag:$0x3] =	stream.linear.gather [hbm4b:s20+s5], $0x80, $0x38;
	[tilespmem:$0x12E80] =	vst v63  }
0x1cf: {  	s26 =	sadd.s32 $0x580, s0;
	s1 =	sor.u32 $0x11800, s8  }
0x1d0: {  	[tilespmem:s1], [sflag:$0x3] =	stream.linear.gather [hbm4b:s26+s5], $0x80, $0x38;
	[tilespmem:$0x12E80] =	vst v63  }
0x1d1: {  	s16 =	sadd.s32 $0x600, s0;
	s17 =	sor.u32 $0x11900, s8  }
0x1d2: {  	[tilespmem:s17], [sflag:$0x3] =	stream.linear.gather [hbm4b:s16+s5], $0x80, $0x38;
	[tilespmem:$0x12E80] =	vst v63  }
0x1d3: {  	p0 =	seq.s32 s2, $0x0;
	s18 =	sadd.s32 $0x680, s0;
	s19 =	sor.u32 $0x11A00, s8  }
0x1d4: {  	[tilespmem:s19], [sflag:$0x3] =	stream.linear.gather [hbm4b:s18+s5], $0x80, $0x38;
	[tilespmem:$0x12E80] =	vst v63  }
.Ltmp8:
0x1d5: {  	_ = 	snop;
	(pc) =	sbr.rel @p0 .LBB2_13-.Ltmp8, $4  }
0x1d6: {  	s20 =	sadd.s32 $0x700, s0;
	s21 =	sor.u32 $0x11B00, s8  }
0x1d7: {  	[tilespmem:s21], [sflag:$0x3] =	stream.linear.gather [hbm4b:s20+s5], $0x80, $0x38;
	[tilespmem:$0x12E80] =	vst v63  }
0x1d8: {  	s0 =	sadd.s32 $0x780, s0;
	s26 =	sor.u32 $0x11C00, s8  }
0x1d9: {  	[tilespmem:s26], [sflag:$0x3] =	stream.linear.gather [hbm4b:s0+s5], $0x80, $0x38;
	[tilespmem:$0x12E80] =	vst v63  }
.LBB2_8:
0x1da: {  	_ =	swait.ge [sflag:s23], $0x4000  }
0x1db: {  	s18 =	sadd.s32 $0xFFFFFFFF, s2;
	[sflag:s23] =	ssyncset.done $0x0  }
0x1dc: {  	p0 =	slt.u32 s2, $0x3;
	s16 =	simm.s32 $0x0;
	[sflag:s23] =	ssyncadd.s32 $0xFFFFC000  }
0x1dd: {  	s0 =	sand.u32 $0x1, s18;
	s3 =	simm.s32 @!p0 $0x4;
	_ =	swait.ge [sflag:s24], $0x800  }
0x1de: {  	s26 =	sand.u32 $0x3C00, s16;
	s16 =	sand.u32 $0x70, s16;
	[sflag:s24] =	ssyncset.done $0x0  }
0x1df: {  	s8 =	sshll.u32 s0, $0x7;
	s0 =	sshll.u32 s0, $0xE;
	[sflag:s24] =	ssyncadd.s32 $0xFFFFF800  }
0x1e0: {  	s20 =	sshrl.u32 s26, $0x2;
	s17 =	sor.u32 $0x8D00, s0;
	_ =	swait.ge @!p0 [sflag:s3], $0x800  }
0x1e1: {  	s19 =	sor.u32 $0x10D00, s8;
	s0 =	sadd.s32 s26, s17;
	[sflag:s3] =	ssyncset.done @!p0 $0x0  }
0x1e2: {  	s1 =	sadd.s32 s20, s19;
	s20 =	sadd.s32 s16, s0;
	[sflag:s3] =	ssyncadd.s32 @!p0 $0xFFFFF800  }
0x1e3: {  	s21 =	sadd.s32 s16, s1;
	v12 =	vld [tilespmem:s20+$0x380]  }
0x1e4: {  	v11 =	vld [tilespmem:s21+$0x0]  }
0x1e5: {  	s26 =	sadd.s32 s6, s18;
	v21 =	vld [tilespmem:s20+$0x0]  }
0x1e6: {  	s0 =	sshll.u32 s26, $0xB;
	s1 =	sshll.u32 s18, $0x7;
	v22 =	vld [tilespmem:s20+$0x80]  }
0x1e7: {  	v10 =	vimm.f32 $0.0e+00;
	v17 =	vimm.f32 $0.0e+00;
	v19 =	vimm.f32 $0.0e+00;
	s0 =	sand.u32 $0x7FFFC000, s0;
	s3 =	sand.u32 $0x380, s1;
	v20 =	vld [tilespmem:s20+$0x100]  }
0x1e8: {  	v14 =	vimm.f32 $0.0e+00;
	v15 =	vimm.f32 $0.0e+00;
	v18 =	vimm.f32 $0.0e+00;
	s26 =	simm.s32 $0x10;
	s16 =	sor.u32 s3, s0;
	s3 =	simm.s32 $0x80;
	v23 =	vld [tilespmem:s20+$0x180]  }
0x1e9: {  	v13 =	vimm.f32 $0.0e+00;
	s21 =	sand.u32 $0x70, s26;
	s0 =	simm.s32 $0x100;
	v24 =	vld [tilespmem:s20+$0x200];
	s3 =	sand.u32 $0x3C00, s3;
	v16 =	vmul.f32 v12, v11;
	v12 =	vimm.f32 $0.0e+00  }
.LBB2_9:
0x1ea: {  	p0 =	sne.s32 s0, $0x3F80;
	s1 =	sshrl.u32 s3, $0x2;
	s3 =	sadd.s32 s3, s17;
	v21 =	vmul.f32 v21, v11;
	v25 =	vld [tilespmem:s20+$0x280]  }
0x1eb: {  	s1 =	sadd.s32 s1, s19;
	v22 =	vmul.f32 v22, v11;
	v26 =	vld [tilespmem:s20+$0x300];
	s20 =	sadd.s32 s21, s3;
	v10 =	vadd.f32 v16, v10  }
0x1ec: {  	s1 =	sadd.s32 s21, s1;
	v16 =	vld [tilespmem:s20+$0x380];
	v17 =	vadd.f32 v21, v17;
	v20 =	vmul.f32 v20, v11  }
0x1ed: {  	v27 =	vld [tilespmem:s1+$0x0];
	v19 =	vadd.f32 v22, v19;
	v23 =	vmul.f32 v23, v11  }
.Ltmp9:
0x1ee: {  	v21 =	vld [tilespmem:s20+$0x0];
	v14 =	vadd.f32 v20, v14;
	v24 =	vmul.f32 v24, v11;
	(pc) =	sbr.rel @p0 .LBB2_9-.Ltmp9, $4  }
0x1ef: {  	v22 =	vld [tilespmem:s20+$0x80];
	v15 =	vadd.f32 v23, v15;
	v25 =	vmul.f32 v25, v11  }
0x1f0: {  	v20 =	vld [tilespmem:s20+$0x100];
	v18 =	vadd.f32 v24, v18;
	v26 =	vmul.f32 v26, v11  }
0x1f1: {  	s26 =	sadd.s32 $0x10, s26;
	v23 =	vld [tilespmem:s20+$0x180];
	v13 =	vadd.f32 v25, v13  }
0x1f2: {  	s3 =	sand.u32 $0x3C00, s0;
	s0 =	sadd.s32 $0x80, s0;
	s21 =	sand.u32 $0x70, s26;
	v24 =	vld [tilespmem:s20+$0x200];
	v16 =	vmul.f32 v16, v27;
	v12 =	vadd.f32 v26, v12;
	v11 =	vmov v27  }
0x1f3: {  	s0 =	sshrl.u32 s3, $0x2;
	v25 =	vld [tilespmem:s20+$0x280];
	s1 =	sadd.s32 s3, s17  }
0x1f4: {  	v26 =	vld [tilespmem:s20+$0x300];
	s0 =	sadd.s32 s0, s19;
	s1 =	sadd.s32 s21, s1  }
0x1f5: {  	s0 =	sadd.s32 s21, s0;
	v28 =	vld [tilespmem:s1+$0x0]  }
0x1f6: {  	v27 =	vld [tilespmem:s0+$0x0]  }
0x1f7: {  	v29 =	vld [tilespmem:s1+$0x80]  }
0x1f8: {  	v21 =	vmul.f32 v21, v11;
	v30 =	vld [tilespmem:s1+$0x100]  }
0x1f9: {  	v22 =	vmul.f32 v22, v11;
	v31 =	vld [tilespmem:s1+$0x180]  }
0x1fa: {  	v17 =	vadd.f32 v21, v17;
	v20 =	vmul.f32 v20, v11;
	v55 =	vld [tilespmem:s1+$0x200];
	v54 =	vmul.f32 v23, v11  }
0x1fb: {  	v58 =	vld [tilespmem:s1+$0x280];
	v19 =	vadd.f32 v22, v19;
	v56 =	vmul.f32 v24, v11;
	v57 =	vmul.f32 v28, v27  }
0x1fc: {  	v59 =	vld [tilespmem:s1+$0x300];
	v14 =	vadd.f32 v20, v14;
	v15 =	vadd.f32 v54, v15;
	v20 =	vmul.f32 v29, v27  }
0x1fd: {  	v60 =	vld [tilespmem:s1+$0x380];
	v18 =	vadd.f32 v56, v18;
	v61 =	vmul.f32 v30, v27;
	v17 =	vadd.f32 v57, v17  }
0x1fe: {  	v62 =	vmul.f32 v31, v27;
	v19 =	vadd.f32 v20, v19;
	v20 =	vmul.f32 v25, v11  }
0x1ff: {  	v23 =	vmul.f32 v55, v27;
	v11 =	vmul.f32 v26, v11;
	v14 =	vadd.f32 v61, v14;
	(xrf2) =	vadd.scan.msk.f32 $0xffff, v17  }
0x200: {  	v15 =	vadd.f32 v62, v15;
	v13 =	vadd.f32 v20, v13;
	v17 =	vmul.f32 v58, v27;
	(xrf2) =	vadd.scan.msk.f32 $0xffff, v19  }
0x201: {  	v11 =	vadd.f32 v11, v12;
	v12 =	vadd.f32 v23, v18;
	v18 =	vmul.f32 v59, v27;
	(xrf2) =	vadd.scan.msk.f32 $0xffff, v14  }
0x202: {  	v10 =	vadd.f32 v16, v10;
	v14 =	vmul.f32 v60, v27;
	v13 =	vadd.f32 v17, v13;
	(xrf2) =	vadd.scan.msk.f32 $0xffff, v15  }
0x203: {  	v11 =	vadd.f32 v18, v11;
	(xrf2) =	vadd.scan.msk.f32 $0xffff, v12  }
0x204: {  	v10 =	vadd.f32 v14, v10;
	(xrf2) =	vadd.scan.msk.f32 $0xffff, v13  }
0x205: {  	(xrf2) =	vadd.scan.msk.f32 $0xffff, v11  }
0x206: {  	(xrf2) =	vadd.scan.msk.f32 $0xffff, v10;
	_ =	sdelay $0x2  }
0x207: {  	v10, _, _ =	vpop (xrf2)  }
0x208: {  	v11, _, _ =	vpop (xrf2);
	v10 =	vbroadcast v10, $0xF  }
0x209: {  	vm14 =	vmmov $0x1;
	v11 =	vbroadcast v11, $0xF;
	v12, _, _ =	vpop (xrf2)  }
0x20a: {  	v10 =	vnsel vm14, $0xFF800000, v10;
	v12 =	vbroadcast v12, $0xF;
	v13, _, _ =	vpop (xrf2)  }
0x20b: {  	v10 =	vsel vm1, v10, v11;
	v11 =	vbroadcast v13, $0xF;
	v13, _, _ =	vpop (xrf2)  }
0x20c: {  	v10 =	vsel vm2, v10, v12;
	v12 =	vbroadcast v13, $0xF;
	v13, _, _ =	vpop (xrf2)  }
0x20d: {  	v10 =	vsel vm3, v10, v11;
	v11 =	vbroadcast v13, $0xF;
	v13, _, _ =	vpop (xrf2)  }
0x20e: {  	v10 =	vsel vm4, v10, v12;
	v12 =	vbroadcast v13, $0xF;
	v13, _, _ =	vpop (xrf2)  }
0x20f: {  	v10 =	vsel vm5, v10, v11;
	v11 =	vbroadcast v13, $0xF  }
0x210: {  	v10 =	vsel vm6, v10, v12  }
0x211: {  	v10 =	vsel vm7, v10, v11  }
0x212: {  	(xrf0) =	vmax.scan.msk.f32 $0xffff, v10;
	_ =	sdelay $0x5  }
0x213: {  	v11, _, _ =	vpop (xrf0)  }
0x214: {  	v11 =	vbroadcast v11, $0xF;
	_ =	sdelay $0x1  }
0x215: {  	v10 =	vsub.f32 v10, v11;
	_ =	sdelay $0x1  }
0x216: {  	v10 =	vmul.f32 $2.209708650e-02, v10;
	_ =	sdelay $0x1  }
0x217: {  	v10 =	vmul.f32 $1.442695020e+00, v10;
	_ =	sdelay $0x1  }
0x218: {  	(erf) = vpow2.f32 v10;
	_ =	sdelay $0x8  }
0x219: {  	v10 =	vpop (erf)  }
0x21a: {  	(xrf2) =	vadd.scan.msk.f32 $0xffff, v10;
	_ =	sdelay $0x9  }
0x21b: {  	v11, _, _ =	vpop (xrf2)  }
0x21c: {  	v11 =	vbroadcast v11, $0xF;
	_ =	sdelay $0x1  }
0x21d: {  	(erf) = vrcp.f32 v11;
	_ =	sdelay $0x8  }
0x21e: {  	v11 =	vpop (erf)  }
0x21f: {  	v10 =	vmul.f32 v11, v10;
	_ =	sdelay $0x1  }
0x220: {  	v11 =	vnsel vm14, $0x0, v10  }
0x221: {  	(xrf2) =	vadd.scan.msk.f32 $0xffff, v11;
	v11 =	vsel vm8, $0x0, v10  }
0x222: {  	s3 =	sshll.u32 s18, $0x3;
	(xrf2) =	vadd.scan.msk.f32 $0xffff, v11;
	v11 =	vsel vm9, $0x0, v10  }
0x223: {  	v12 =	vadd.s32 s3, v0;
	(xrf2) =	vadd.scan.msk.f32 $0xffff, v11;
	_ =	sdelay $0x1  }
0x224: {  	s18 =	simm.s32 $0x0;
	v11 =	vsel vm10, $0x0, v10  }
0x225: {  	s19 =	sand.u32 $0x3C00, s18;
	(xrf2) =	vadd.scan.msk.f32 $0xffff, v11  }
0x226: {  	s21 =	sand.u32 $0x70, s18;
	s20 =	sadd.s32 s19, s17;
	v11 =	vsel vm11, $0x0, v10  }
0x227: {  	s0 =	sadd.s32 s21, s20;
	[tilespmem:v12+s25+$0x0] =	vst.idx.msk $0xff, v10;
	(xrf2) =	vadd.scan.msk.f32 $0xffff, v11;
	v11 =	vsel vm12, $0x0, v10  }
0x228: {  	v13 =	vld [tilespmem:s0+$0x0]  }
0x229: {  	v14 =	vld [tilespmem:s0+$0x80]  }
0x22a: {  	(xrf2) =	vadd.scan.msk.f32 $0xffff, v11;
	v11, _, _ =	vpop (xrf2)  }
0x22b: {  	v12 =	vsel vm13, $0x0, v10;
	v16 =	vld [tilespmem:s0+$0x100];
	v15, _, _ =	vpop (xrf2)  }
0x22c: {  	v10 =	vsel vm7, $0x0, v10;
	(xrf2) =	vadd.scan.msk.f32 $0xffff, v12;
	v11 =	vbroadcast v11, $0xF;
	v17, _, _ =	vpop (xrf2);
	v12 =	vbroadcast v15, $0xF  }
0x22d: {  	(xrf2) =	vadd.scan.msk.f32 $0xffff, v10;
	v15 =	vld [tilespmem:s0+$0x180];
	v10 =	vbroadcast v17, $0xF  }
0x22e: {  	v17 =	vmul.f32 v13, v11;
	v14 =	vmul.f32 v14, v12  }
0x22f: {  	v13, _, _ =	vpop (xrf2)  }
0x230: {  	v18 =	vld [tilespmem:s0+$0x200];
	v13 =	vbroadcast v13, $0xF;
	v16 =	vmul.f32 v16, v10;
	v17 =	vadd.f32 v14, v17;
	_ =	sdelay $0x1  }
0x231: {  	v19 =	vld [tilespmem:s0+$0x280];
	v14, _, _ =	vpop (xrf2);
	v16 =	vadd.f32 v16, v17;
	v17 =	vmul.f32 v15, v13  }
0x232: {  	v14 =	vbroadcast v14, $0xF  }
0x233: {  	v20 =	vld [tilespmem:s0+$0x300];
	v15, _, _ =	vpop (xrf2);
	v17 =	vadd.f32 v17, v16  }
0x234: {  	v15 =	vbroadcast v15, $0xF;
	v18 =	vmul.f32 v18, v14  }
0x235: {  	v63 =	vld [tilespmem:s0+$0x380];
	v16, _, _ =	vpop (xrf2)  }
0x236: {  	v19 =	vmul.f32 v19, v15;
	v16 =	vbroadcast v16, $0xF;
	v18 =	vadd.f32 v18, v17  }
0x237: {  	v17, _, _ =	vpop (xrf2)  }
0x238: {  	v17 =	vbroadcast v17, $0xF;
	v18 =	vadd.f32 v19, v18;
	v19 =	vmul.f32 v20, v16;
	_ =	sdelay $0x1  }
0x239: {  	s26 =	simm.s32 $0x80;
	v18 =	vadd.f32 v19, v18;
	v19 =	vmul.f32 v63, v17  }
0x23a: {  	s18 =	sor.u32 $0x11D00, s8;
	s1 =	sshrl.u32 s19, $0x2;
	s19 =	sand.u32 $0x3C00, s26  }
0x23b: {  	s26 =	simm.s32 $0x100;
	s20 =	simm.s32 $0x10;
	s1 =	sadd.s32 s1, s18;
	v18 =	vadd.f32 v19, v18  }
0x23c: {  	s21 =	sadd.s32 s21, s1;
	s3 =	sadd.s32 s19, s17;
	s0 =	sand.u32 $0x70, s20  }
.LBB2_11:
0x23d: {  	p0 =	sne.s32 s26, $0x3F80;
	s1 =	sadd.s32 s0, s3;
	[tilespmem:s21+$0x0] =	vst v18;
	s21 =	smov.u32 s0  }
0x23e: {  	v18 =	vld [tilespmem:s1+$0x0]  }
0x23f: {  	v19 =	vld [tilespmem:s1+$0x80];
	_ =	sdelay $0x1  }
0x240: {  	v20 =	vld [tilespmem:s1+$0x100];
	_ =	sdelay $0x1  }
0x241: {  	v21 =	vld [tilespmem:s1+$0x180]  }
0x242: {  	v18 =	vmul.f32 v18, v11;
	v19 =	vmul.f32 v19, v12  }
0x243: {  	v22 =	vld [tilespmem:s1+$0x200]  }
0x244: {  	v18 =	vadd.f32 v19, v18;
	v19 =	vmul.f32 v20, v10  }
0x245: {  	v20 =	vld [tilespmem:s1+$0x280]  }
0x246: {  	v18 =	vadd.f32 v19, v18;
	v19 =	vmul.f32 v21, v13  }
0x247: {  	v21 =	vld [tilespmem:s1+$0x300]  }
0x248: {  	v18 =	vadd.f32 v19, v18;
	v19 =	vmul.f32 v22, v14  }
0x249: {  	v22 =	vld [tilespmem:s1+$0x380]  }
0x24a: {  	v18 =	vadd.f32 v19, v18;
	v19 =	vmul.f32 v20, v15;
	_ =	sdelay $0x1  }
0x24b: {  	v18 =	vadd.f32 v19, v18;
	v19 =	vmul.f32 v21, v16  }
.Ltmp10:
0x24c: {  	(pc) =	sbr.rel @p0 .LBB2_11-.Ltmp10, $4  }
0x24d: {  	v18 =	vadd.f32 v19, v18;
	v19 =	vmul.f32 v22, v17  }
0x24e: {  	s20 =	sadd.s32 $0x10, s20;
	s1 =	sshrl.u32 s19, $0x2  }
0x24f: {  	s0 =	sand.u32 $0x70, s20;
	s19 =	sand.u32 $0x3C00, s26;
	s1 =	sadd.s32 s1, s18;
	v18 =	vadd.f32 v19, v18  }
0x250: {  	s26 =	sadd.s32 $0x80, s26;
	s3 =	sadd.s32 s19, s17;
	s21 =	sadd.s32 s21, s1  }
0x251: {  	s1 =	sadd.s32 s0, s3;
	[tilespmem:s21+$0x0] =	vst v18  }
0x252: {  	v18 =	vld [tilespmem:s1+$0x0]  }
0x253: {  	v19 =	vld [tilespmem:s1+$0x80];
	_ =	sdelay $0x1  }
0x254: {  	v20 =	vld [tilespmem:s1+$0x100];
	_ =	sdelay $0x1  }
0x255: {  	v21 =	vld [tilespmem:s1+$0x180]  }
0x256: {  	v11 =	vmul.f32 v18, v11;
	v12 =	vmul.f32 v19, v12  }
0x257: {  	v60 =	vld [tilespmem:s1+$0x200]  }
0x258: {  	v10 =	vmul.f32 v20, v10;
	v11 =	vadd.f32 v12, v11  }
0x259: {  	v61 =	vld [tilespmem:s1+$0x280]  }
0x25a: {  	v10 =	vadd.f32 v10, v11;
	v11 =	vmul.f32 v21, v13  }
0x25b: {  	v62 =	vld [tilespmem:s1+$0x300]  }
0x25c: {  	v10 =	vadd.f32 v11, v10;
	v11 =	vmul.f32 v60, v14  }
0x25d: {  	v63 =	vld [tilespmem:s1+$0x380]  }
0x25e: {  	v10 =	vadd.f32 v11, v10;
	v11 =	vmul.f32 v61, v15;
	_ =	sdelay $0x1  }
0x25f: {  	v10 =	vadd.f32 v11, v10;
	v11 =	vmul.f32 v62, v16;
	_ =	sdelay $0x1  }
0x260: {  	v10 =	vadd.f32 v11, v10;
	v11 =	vmul.f32 v63, v17  }
0x261: {  	s26 =	sshrl.u32 s19, $0x2  }
0x262: {  	s1 =	sadd.s32 s26, s18;
	v10 =	vadd.f32 v11, v10  }
0x263: {  	s16 =	sshrl.u32 s16, $0x3;
	s3 =	sadd.s32 s0, s1  }
0x264: {  	s0 =	sadd.s32 s7, s16;
	[tilespmem:s3+$0x0] =	vst v10  }
0x265: {  	[hbm4b:s0+s5] =	stream.linear.scatter [tilespmem:s18], [sflag:$0x4], $0x80, $0x38;
	[tilespmem:$0x12E80] =	vst v63  }
0x266: {  	s17 =	sor.u32 $0x11E00, s8;
	s18 =	sadd.s32 $0x80, s0  }
0x267: {  	[hbm4b:s18+s5] =	stream.linear.scatter [tilespmem:s17], [sflag:$0x4], $0x80, $0x38;
	[tilespmem:$0x12E80] =	vst v63  }
0x268: {  	s19 =	sor.u32 $0x11F00, s8;
	s20 =	sadd.s32 $0x100, s0  }
0x269: {  	[hbm4b:s20+s5] =	stream.linear.scatter [tilespmem:s19], [sflag:$0x4], $0x80, $0x38;
	[tilespmem:$0x12E80] =	vst v63  }
0x26a: {  	s21 =	sor.u32 $0x12000, s8;
	s26 =	sadd.s32 $0x180, s0  }
0x26b: {  	[hbm4b:s26+s5] =	stream.linear.scatter [tilespmem:s21], [sflag:$0x4], $0x80, $0x38;
	[tilespmem:$0x12E80] =	vst v63  }
0x26c: {  	s16 =	sadd.s32 $0x200, s0;
	s3 =	sor.u32 $0x12100, s8  }
0x26d: {  	[hbm4b:s16+s5] =	stream.linear.scatter [tilespmem:s3], [sflag:$0x4], $0x80, $0x38;
	[tilespmem:$0x12E80] =	vst v63  }
0x26e: {  	s17 =	sor.u32 $0x12200, s8;
	s18 =	sadd.s32 $0x280, s0  }
0x26f: {  	[hbm4b:s18+s5] =	stream.linear.scatter [tilespmem:s17], [sflag:$0x4], $0x80, $0x38;
	[tilespmem:$0x12E80] =	vst v63  }
0x270: {  	s19 =	sor.u32 $0x12300, s8;
	s20 =	sadd.s32 $0x300, s0  }
0x271: {  	[hbm4b:s20+s5] =	stream.linear.scatter [tilespmem:s19], [sflag:$0x4], $0x80, $0x38;
	[tilespmem:$0x12E80] =	vst v63  }
0x272: {  	s21 =	sor.u32 $0x12400, s8;
	s26 =	sadd.s32 $0x380, s0  }
0x273: {  	[hbm4b:s26+s5] =	stream.linear.scatter [tilespmem:s21], [sflag:$0x4], $0x80, $0x38;
	[tilespmem:$0x12E80] =	vst v63  }
0x274: {  	s3 =	sor.u32 $0x12500, s8;
	s16 =	sadd.s32 $0x400, s0  }
0x275: {  	[hbm4b:s16+s5] =	stream.linear.scatter [tilespmem:s3], [sflag:$0x4], $0x80, $0x38;
	[tilespmem:$0x12E80] =	vst v63  }
0x276: {  	s17 =	sor.u32 $0x12600, s8;
	s18 =	sadd.s32 $0x480, s0  }
0x277: {  	[hbm4b:s18+s5] =	stream.linear.scatter [tilespmem:s17], [sflag:$0x4], $0x80, $0x38;
	[tilespmem:$0x12E80] =	vst v63  }
0x278: {  	s19 =	sor.u32 $0x12700, s8;
	s20 =	sadd.s32 $0x500, s0  }
0x279: {  	[hbm4b:s20+s5] =	stream.linear.scatter [tilespmem:s19], [sflag:$0x4], $0x80, $0x38;
	[tilespmem:$0x12E80] =	vst v63  }
0x27a: {  	s21 =	sor.u32 $0x12800, s8;
	s26 =	sadd.s32 $0x580, s0  }
0x27b: {  	[hbm4b:s26+s5] =	stream.linear.scatter [tilespmem:s21], [sflag:$0x4], $0x80, $0x38;
	[tilespmem:$0x12E80] =	vst v63  }
0x27c: {  	s16 =	sor.u32 $0x12900, s8;
	s17 =	sadd.s32 $0x600, s0  }
0x27d: {  	[hbm4b:s17+s5] =	stream.linear.scatter [tilespmem:s16], [sflag:$0x4], $0x80, $0x38;
	[tilespmem:$0x12E80] =	vst v63  }
0x27e: {  	s18 =	sor.u32 $0x12A00, s8;
	s19 =	sadd.s32 $0x680, s0  }
0x27f: {  	[hbm4b:s19+s5] =	stream.linear.scatter [tilespmem:s18], [sflag:$0x4], $0x80, $0x38;
	[tilespmem:$0x12E80] =	vst v63  }
.Ltmp11:
0x280: {  	_ = 	snop;
	(pc) =	sbr.rel .LBB2_13-.Ltmp11, $4  }
0x281: {  	s20 =	sor.u32 $0x12B00, s8;
	s21 =	sadd.s32 $0x700, s0  }
0x282: {  	[hbm4b:s21+s5] =	stream.linear.scatter [tilespmem:s20], [sflag:$0x4], $0x80, $0x38;
	[tilespmem:$0x12E80] =	vst v63  }
0x283: {  	s26 =	sor.u32 $0x12C00, s8;
	s0 =	sadd.s32 $0x780, s0  }
0x284: {  	[hbm4b:s0+s5] =	stream.linear.scatter [tilespmem:s26], [sflag:$0x4], $0x80, $0x38;
	[tilespmem:$0x12E80] =	vst v63  }
.LBB2_15:
0x285: {  	_ =	sfence.sel $0x180000  }
0x286: {  	[bflag:$0x0] =	sbarrier.arrive $0xFFFF  }
0x287: {  	_ =	strace $0x90000047  }
0x288: {  	s0 =	stileid.u32;
	[bflag:$0x2] =	sbarrier.arrive $0xFFFF  }
0x289: {  	p0 =	sne.s32 s0, $0x0;
	s0 =	rddreg [dreg:$0x6]  }
0x28a: {  	s0 =	sadd.s32 @!p0 $0x100000, s0  }
0x28b: {  	[sflag:s0] =	ssyncadd.tile.s32 @!p0 $0x1;
	_ =	shalt  }
.Lfunc_end2:
_tile_overlayer_lowered:
.L_overlay_start_2:
0x28c: {  	(tag) =	ssettag $0x2  }
0x28d: {  	s0 =	rddreg [dreg:$0x0];
	s2 =	stileid.u32  }
0x28e: {  	s1 =	rddreg [dreg:$0x1];
	p0 =	sne.s32 s2, $0x0  }
0x28f: {  	s3 =	rddreg [dreg:$0x2];
	[bflag:$0x3] =	sbarrier.arrive $0xFFFF;
	s2 =	simm.s32 @!p0 $0x1C05  }
0x290: {  	[timem:s3], [sflag:s2] =	dma.local @!p0 [hbm:s0], s1  }
0x291: {  	s0 =	simm.s32 @!p0 $0x5  }
0x292: {  	_ =	swait.ge @!p0 [sflag:s0], s1  }
0x293: {  	s1 =	ssub.s32 @!p0 $0x0, s1;
	[sflag:s0] =	ssyncset.done @!p0 $0x0  }
0x294: {  	[sflag:s0] =	ssyncadd.s32 @!p0 s1  }
0x295: {  	[bflag:$0x3] =	sbarrier.arrive $0xFFFF  }
0x296: {  	_ =	shalt  }

</sc_bundles>
